<compile_context>
chip_gen: v7x
topology: tpu7x:2x2x1
jax: 0.10.2.dev20260603
libtpu: 0.0.44.dev20260713+nightly
codegen_flags: <defaults>
</compile_context>

<pallas_src>
import functools

import jax
import jax.numpy as jnp
from jax import lax
from jax.experimental import pallas as pl
from jax.experimental.pallas import tpu as pltpu
from jax.experimental.pallas import tpu_sc as plsc

N = 10000
E = 320000
NC = 2
NS = 16
NW = NC * NS
CHUNK = 128
EPT = 10240
NCH = EPT // CHUNK
STG = 40
ST0 = 3
ST1 = 1
NCH0 = STG * ST0
NCH1 = STG * ST1
EPAD = NW * EPT
ROWS_T = 632
N_ACC = NS * ROWS_T
DEG_R = 640
N_DEG = NS * DEG_R

@functools.lru_cache(maxsize=None)
def _mesh():
    return plsc.VectorSubcoreMesh(core_axis_name="c", subcore_axis_name="s")


@functools.lru_cache(maxsize=None)
def _make_deg_kernel():
    @functools.partial(
        pl.kernel,
        out_type=jax.ShapeDtypeStruct((NC, 1, N_DEG), jnp.float32),
        mesh=_mesh(),
        scratch_types=[
            pltpu.VMEM((NCH, CHUNK), jnp.int32),
            pltpu.VMEM((CHUNK,), jnp.float32),
            pltpu.VMEM_SHARED((N_DEG,), jnp.float32),
        ],
    )
    def deg_kernel(dst_hbm, ones_hbm, zeros_hbm, out_hbm, dst_v, ones_v, acc):
        c = lax.axis_index("c")
        s = lax.axis_index("s")
        w = c * NS + s
        pltpu.sync_copy(ones_hbm, ones_v)
        pltpu.sync_copy(dst_hbm.at[w], dst_v)
        pltpu.sync_copy(zeros_hbm, acc.at[pl.ds(s * DEG_R, DEG_R)])
        plsc.subcore_barrier()

        @pl.loop(0, NCH)
        def _(j):
            pltpu.sync_copy(ones_v, acc.at[dst_v.at[j]], add=True)

        plsc.subcore_barrier()

        @pl.when(s == 0)
        def _():
            pltpu.sync_copy(acc, out_hbm.at[c, 0])

    return deg_kernel


@functools.lru_cache(maxsize=None)
def _make_prop_kernel(d):
    @functools.partial(
        pl.kernel,
        out_type=jax.ShapeDtypeStruct((NC, N_ACC, d), jnp.float32),
        mesh=_mesh(),
        scratch_types=[
            pltpu.VMEM((STG, CHUNK), jnp.int32),
            pltpu.VMEM((STG, CHUNK), jnp.int32),
            pltpu.VMEM((CHUNK, d), jnp.float32),
            pltpu.VMEM((CHUNK, d), jnp.float32),
            pltpu.VMEM_SHARED((N_ACC, d), jnp.float32),
            pltpu.SemaphoreType.DMA,
            pltpu.SemaphoreType.DMA,
        ],
    )
    def prop_kernel(x_hbm, src0_hbm, dst0_hbm, src1_hbm, dst1_hbm,
                    zeros_hbm, out_hbm,
                    src_v, dst_v, rows0, rows1, acc, g0, g1):
        c = lax.axis_index("c")
        s = lax.axis_index("s")
        pltpu.sync_copy(zeros_hbm, acc.at[pl.ds(s * ROWS_T, ROWS_T)])
        plsc.subcore_barrier()

        def run(src_hbm, dst_hbm, stages):
            for h in range(stages):
                pltpu.sync_copy(src_hbm.at[s, pl.ds(h * STG, STG)], src_v)
                pltpu.sync_copy(dst_hbm.at[s, pl.ds(h * STG, STG)], dst_v)
                pltpu.async_copy(x_hbm.at[src_v.at[0]], rows0, g0)
                pltpu.async_copy(x_hbm.at[src_v.at[1]], rows1, g1)

                @pl.loop(0, STG, step=2)
                def _(j):
                    pltpu.make_async_copy(x_hbm.at[src_v.at[j]], rows0, g0).wait()
                    pltpu.sync_copy(rows0, acc.at[dst_v.at[j]], add=True)

                    @pl.when(j + 2 < STG)
                    def _():
                        pltpu.async_copy(x_hbm.at[src_v.at[j + 2]], rows0, g0)

                    pltpu.make_async_copy(x_hbm.at[src_v.at[j + 1]], rows1, g1).wait()
                    pltpu.sync_copy(rows1, acc.at[dst_v.at[j + 1]], add=True)

                    @pl.when(j + 3 < STG)
                    def _():
                        pltpu.async_copy(x_hbm.at[src_v.at[j + 3]], rows1, g1)

        @pl.when(c == 0)
        def _():
            run(src0_hbm, dst0_hbm, ST0)

        @pl.when(c == 1)
        def _():
            run(src1_hbm, dst1_hbm, ST1)

        plsc.subcore_barrier()
        pltpu.sync_copy(acc.at[pl.ds(s * ROWS_T, ROWS_T)],
                        out_hbm.at[c, pl.ds(s * ROWS_T, ROWS_T)])

    return prop_kernel





def _tc_scale_body(deg_ref, x_ref, xn_ref, norm_ref):
    deg = (deg_ref[0, 0, :N] + deg_ref[1, 0, :N]).reshape(N, 1)
    norm = lax.rsqrt(jnp.maximum(deg, 1.0))
    norm_ref[...] = norm
    xn_ref[...] = x_ref[...] * norm


def _tc_dense_body(p_ref, norm_ref, w1_ref, b1_ref, w2_ref, gn_ref):
    agg = (p_ref[0, :N] + p_ref[1, :N]) * norm_ref[...]
    h = jnp.dot(agg, w1_ref[...], preferred_element_type=jnp.float32)
    h = jnp.maximum(h + b1_ref[...], 0.0)
    g = jnp.dot(h, w2_ref[...], preferred_element_type=jnp.float32)
    gn = g * norm_ref[...]
    gn_ref[...] = jnp.concatenate([gn, jnp.zeros_like(gn)], axis=1)


def _tc_out_body(q_ref, norm_ref, b2_ref, out_ref):
    agg = q_ref[0, :N, :64] + q_ref[1, :N, :64]
    out_ref[...] = agg * norm_ref[...] + b2_ref[...]


def _tc_scale(deg_parts, features):
    return pl.pallas_call(
        _tc_scale_body,
        out_shape=(jax.ShapeDtypeStruct((N, 128), jnp.float32),
                   jax.ShapeDtypeStruct((N, 1), jnp.float32)),
    )(deg_parts, features)


def _tc_dense(p, norm, w1, b1, w2):
    return pl.pallas_call(
        _tc_dense_body,
        out_shape=jax.ShapeDtypeStruct((N, 128), jnp.float32),
    )(p, norm, w1, b1, w2)


def _tc_out(q, norm, b2):
    return pl.pallas_call(
        _tc_out_body,
        out_shape=jax.ShapeDtypeStruct((N, 64), jnp.float32),
    )(q, norm, b2)


def kernel(features, edge_index, W1, b1, W2, b2):
    src = edge_index[0].astype(jnp.int32)
    dst = edge_index[1].astype(jnp.int32)
    pad = EPAD - E
    src_p = jnp.concatenate([src, jnp.zeros((pad,), jnp.int32)])
    dst_p = jnp.concatenate([dst, jnp.full((pad,), N, jnp.int32)])
    dst_a = dst_p.reshape(NW, NCH, CHUNK)
    e0 = NS * NCH0 * CHUNK
    src0 = src_p[:e0].reshape(NS, NCH0, CHUNK)
    dst0 = dst_p[:e0].reshape(NS, NCH0, CHUNK)
    src1 = src_p[e0:].reshape(NS, NCH1, CHUNK)
    dst1 = dst_p[e0:].reshape(NS, NCH1, CHUNK)

    ones1 = jnp.ones((CHUNK,), jnp.float32)
    zeros1 = jnp.zeros((DEG_R,), jnp.float32)
    zeros128 = jnp.zeros((ROWS_T, 128), jnp.float32)

    deg_parts = _make_deg_kernel()(dst_a, ones1, zeros1)
    xn, norm = _tc_scale(deg_parts, features)
    p1 = _make_prop_kernel(128)(xn, src0, dst0, src1, dst1, zeros128)
    gn = _tc_dense(p1, norm, W1, b1.reshape(1, 128), W2)
    p2 = _make_prop_kernel(128)(gn, src0, dst0, src1, dst1, zeros128)
    return _tc_out(p2, norm, b2.reshape(1, 64))

# --- scband reference (transcript-rebuilt; emitter-appended) ---
"""Pipeline reference for scband-sgc-6416681141171 (READ-ONLY COPY).

The authoritative reference and input builder live on the scoring server;
editing this copy changes nothing except your own understanding.
"""

import jax, jax.numpy as jnp
import numpy as np

N_NODES = 10000
N_EDGES = 320000
IN_DIM = 128
HID_DIM = 128
OUT_DIM = 64


def setup_inputs(seed: int = 0) -> dict:
    key = jax.random.key(seed)
    k1, k2, k3, k4, k5, k6 = jax.random.split(key, 6)
    features = jax.random.normal(k1, (N_NODES, IN_DIM), dtype=jnp.float32)
    edge_index = jax.random.randint(k2, (2, N_EDGES), 0, N_NODES, dtype=jnp.int64)
    # Learned params: two SGConv layers, each a Linear(in, out) with bias
    W1 = jax.random.normal(k3, (IN_DIM, HID_DIM), dtype=jnp.float32) * (1.0 / np.sqrt(IN_DIM))
    b1 = jnp.zeros((HID_DIM,), dtype=jnp.float32)
    W2 = jax.random.normal(k4, (HID_DIM, OUT_DIM), dtype=jnp.float32) * (1.0 / np.sqrt(HID_DIM))
    b2 = jnp.zeros((OUT_DIM,), dtype=jnp.float32)
    return {"features": features, "edge_index": edge_index, "W1": W1, "b1": b1, "W2": W2, "b2": b2}


def _sgconv(x, edge_index, W, b):
    # DGL SGConv (k=1, norm='both'): D^{-1/2} A D^{-1/2} X, then Linear
    src = edge_index[0]
    dst = edge_index[1]
    n = x.shape[0]
    deg = jnp.zeros((n,), dtype=x.dtype).at[dst].add(1.0)  # in-degrees
    deg = jnp.clip(deg, 1.0)
    norm = jax.lax.rsqrt(deg)
    x = x * norm[:, None]
    msgs = jnp.take(x, src, axis=0)                 # gather from source nodes
    agg = jax.ops.segment_sum(msgs, dst, num_segments=n)  # scatter-add at dst
    agg = agg * norm[:, None]
    return agg @ W + b


def reference(features, edge_index, W1, b1, W2, b2):
    h = jax.nn.relu(_sgconv(features, edge_index, W1, b1))
    logits = _sgconv(h, edge_index, W2, b2)
    return logits

if __name__ == "__main__":
    import jax
    _d = setup_inputs()
    print(jax.jit(kernel)(*tuple(_d.values())))

</pallas_src>

<mosaic_0001>
#map = affine_map<(d0, d1) -> (0, 0, 0)>
#map1 = affine_map<(d0, d1) -> (0)>
module attributes {stable_mosaic.version = 14 : i64} {
  func.func @deg_kernel(%arg0: i32, %arg1: i32, %arg2: memref<32x80x128xi32, #tpu.memory_space<hbm>>, %arg3: memref<128xf32, #tpu.memory_space<hbm>>, %arg4: memref<640xf32, #tpu.memory_space<hbm>>, %arg5: memref<2x1x10240xf32, #tpu.memory_space<hbm>>, %arg6: memref<80x128xi32, #tpu.memory_space<vmem>>, %arg7: memref<128xf32, #tpu.memory_space<vmem>>, %arg8: memref<10240xf32, #tpu.memory_space<vmem_shared>>) attributes {dimension_semantics = [#tpu.dimension_semantics<core_parallel>, #tpu.dimension_semantics<subcore_parallel>], iteration_bounds = array<i64: 2, 16>, scalar_prefetch = 0 : i64, scratch_operands = 3 : i64, tpu.core_type = #tpu.core_type<sc_vector_subcore>, window_params = [{transform_indices = #map}, {transform_indices = #map1}, {transform_indices = #map1}, {transform_indices = #map}]} {
    %mul3A = arith.constant 16 : i32
    %mul3A_0 = arith.muli %arg0, %mul3A : i32
    %add3A = arith.addi %mul3A_0, %arg1 : i32
    "tpu.region"() ({
      %run_scoped3A = tpu.sem_alloc : memref<!tpu.dma_semaphore, #tpu.memory_space<semaphore_mem>>
      tpu.enqueue_dma source(%arg3 : memref<128xf32, #tpu.memory_space<hbm>>) target(%arg7 : memref<128xf32, #tpu.memory_space<vmem>>) target_semaphore(%run_scoped3A : memref<!tpu.dma_semaphore, #tpu.memory_space<semaphore_mem>>)
      tpu.wait_dma2 semaphore(%run_scoped3A : memref<!tpu.dma_semaphore, #tpu.memory_space<semaphore_mem>>) src(%arg3 : memref<128xf32, #tpu.memory_space<hbm>>) dst(%arg7 : memref<128xf32, #tpu.memory_space<vmem>>)
      tpu.yield
    }) : () -> ()
    "tpu.region"() ({
      %run_scoped3A = tpu.sem_alloc : memref<!tpu.dma_semaphore, #tpu.memory_space<semaphore_mem>>
      %dma_start3A = arith.constant 0 : i32
      %dma_start3A_10 = arith.constant 0 : i32
      %dma_start3A_11 = tpu.memref_slice %arg2[%add3A, %dma_start3A, %dma_start3A_10] : memref<32x80x128xi32, #tpu.memory_space<hbm>> -> memref<1x80x128xi32, #tpu.memory_space<hbm>>
      %dma_start3A_12 = tpu.memref_squeeze %dma_start3A_11 : memref<1x80x128xi32, #tpu.memory_space<hbm>> -> memref<80x128xi32, #tpu.memory_space<hbm>>
      %dma_start3A_13 = arith.constant 0 : i32
      %dma_start3A_14 = arith.constant 0 : i32
      %dma_start3A_15 = tpu.memref_slice %arg2[%add3A, %dma_start3A_13, %dma_start3A_14] : memref<32x80x128xi32, #tpu.memory_space<hbm>> -> memref<1x80x128xi32, #tpu.memory_space<hbm>>
      %dma_start3A_16 = tpu.memref_squeeze %dma_start3A_15 : memref<1x80x128xi32, #tpu.memory_space<hbm>> -> memref<80x128xi32, #tpu.memory_space<hbm>>
      tpu.enqueue_dma source(%dma_start3A_16 : memref<80x128xi32, #tpu.memory_space<hbm>>) target(%arg6 : memref<80x128xi32, #tpu.memory_space<vmem>>) target_semaphore(%run_scoped3A : memref<!tpu.dma_semaphore, #tpu.memory_space<semaphore_mem>>)
      %dma_wait3A = arith.constant 0 : i32
      %dma_wait3A_17 = arith.constant 0 : i32
      %dma_wait3A_18 = tpu.memref_slice %arg2[%add3A, %dma_wait3A, %dma_wait3A_17] : memref<32x80x128xi32, #tpu.memory_space<hbm>> -> memref<1x80x128xi32, #tpu.memory_space<hbm>>
      %dma_wait3A_19 = tpu.memref_squeeze %dma_wait3A_18 : memref<1x80x128xi32, #tpu.memory_space<hbm>> -> memref<80x128xi32, #tpu.memory_space<hbm>>
      %dma_wait3A_20 = arith.constant 0 : i32
      %dma_wait3A_21 = arith.constant 0 : i32
      %dma_wait3A_22 = tpu.memref_slice %arg2[%add3A, %dma_wait3A_20, %dma_wait3A_21] : memref<32x80x128xi32, #tpu.memory_space<hbm>> -> memref<1x80x128xi32, #tpu.memory_space<hbm>>
      %dma_wait3A_23 = tpu.memref_squeeze %dma_wait3A_22 : memref<1x80x128xi32, #tpu.memory_space<hbm>> -> memref<80x128xi32, #tpu.memory_space<hbm>>
      tpu.wait_dma2 semaphore(%run_scoped3A : memref<!tpu.dma_semaphore, #tpu.memory_space<semaphore_mem>>) src(%dma_wait3A_23 : memref<80x128xi32, #tpu.memory_space<hbm>>) dst(%arg6 : memref<80x128xi32, #tpu.memory_space<vmem>>)
      tpu.yield
    }) : () -> ()
    %mul3A_1 = arith.constant 640 : i32
    %mul3A_2 = arith.muli %arg1, %mul3A_1 : i32
    "tpu.region"() ({
      %run_scoped3A = tpu.sem_alloc : memref<!tpu.dma_semaphore, #tpu.memory_space<semaphore_mem>>
      %dma_start3A = tpu.memref_slice %arg8[%mul3A_2] : memref<10240xf32, #tpu.memory_space<vmem_shared>> -> memref<640xf32, #tpu.memory_space<vmem_shared>>
      tpu.enqueue_dma source(%arg4 : memref<640xf32, #tpu.memory_space<hbm>>) target(%dma_start3A : memref<640xf32, #tpu.memory_space<vmem_shared>>) target_semaphore(%run_scoped3A : memref<!tpu.dma_semaphore, #tpu.memory_space<semaphore_mem>>)
      %dma_wait3A = tpu.memref_slice %arg8[%mul3A_2] : memref<10240xf32, #tpu.memory_space<vmem_shared>> -> memref<640xf32, #tpu.memory_space<vmem_shared>>
      tpu.wait_dma2 semaphore(%run_scoped3A : memref<!tpu.dma_semaphore, #tpu.memory_space<semaphore_mem>>) src(%arg4 : memref<640xf32, #tpu.memory_space<hbm>>) dst(%dma_wait3A : memref<640xf32, #tpu.memory_space<vmem_shared>>)
      tpu.yield
    }) : () -> ()
    %barrier3A = arith.constant 0 : index
    tpu.barrier barrier_id(%barrier3A)
    %scan3A = arith.constant 0 : i32
    %scan3A_3 = arith.constant 80 : i32
    %scan3A_4 = arith.addi %scan3A, %scan3A_3 : i32
    %scan3A_5 = arith.constant 1 : i32
    scf.for %scan3A_10 = %scan3A to %scan3A_4 step %scan3A_5  : i32 {
      %mul3A_11 = arith.constant 1 : i32
      %mul3A_12 = arith.muli %scan3A_10, %mul3A_11 : i32
      %add3A_13 = arith.constant 0 : i32
      %add3A_14 = arith.addi %add3A_13, %mul3A_12 : i32
      "tpu.region"() ({
        %run_scoped3A = tpu.sem_alloc : memref<!tpu.dma_semaphore, #tpu.memory_space<semaphore_mem>>
        %dma_start3A = arith.constant 0 : i32
        %dma_start3A_15 = tpu.memref_slice %arg6[%add3A_14, %dma_start3A] : memref<80x128xi32, #tpu.memory_space<vmem>> -> memref<1x128xi32, #tpu.memory_space<vmem>>
        %dma_start3A_16 = tpu.memref_squeeze %dma_start3A_15 : memref<1x128xi32, #tpu.memory_space<vmem>> -> memref<128xi32, #tpu.memory_space<vmem>>
        %dma_start3A_17 = arith.constant 0 : i32
        %dma_start3A_18 = tpu.memref_slice %arg8[%dma_start3A_17] : memref<10240xf32, #tpu.memory_space<vmem_shared>> -> memref<10240xf32, #tpu.memory_space<vmem_shared>>
        tpu.enqueue_indirect_dma source(%arg7 : memref<128xf32, #tpu.memory_space<vmem>>) target(%dma_start3A_18 : memref<10240xf32, #tpu.memory_space<vmem_shared>>) offsets(%dma_start3A_16 : memref<128xi32, #tpu.memory_space<vmem>>) semaphore(%run_scoped3A : memref<!tpu.dma_semaphore, #tpu.memory_space<semaphore_mem>>) {add = true}
        %dma_wait3A = arith.constant 0 : i32
        %dma_wait3A_19 = tpu.memref_slice %arg6[%add3A_14, %dma_wait3A] : memref<80x128xi32, #tpu.memory_space<vmem>> -> memref<1x128xi32, #tpu.memory_space<vmem>>
        %dma_wait3A_20 = tpu.memref_squeeze %dma_wait3A_19 : memref<1x128xi32, #tpu.memory_space<vmem>> -> memref<128xi32, #tpu.memory_space<vmem>>
        %dma_wait3A_21 = arith.constant 0 : i32
        %dma_wait3A_22 = tpu.memref_slice %arg8[%dma_wait3A_21] : memref<10240xf32, #tpu.memory_space<vmem_shared>> -> memref<10240xf32, #tpu.memory_space<vmem_shared>>
        tpu.wait_indirect_dma semaphore(%run_scoped3A : memref<!tpu.dma_semaphore, #tpu.memory_space<semaphore_mem>>) src(%arg7 : memref<128xf32, #tpu.memory_space<vmem>>) dst(%dma_wait3A_22 : memref<10240xf32, #tpu.memory_space<vmem_shared>>)
        tpu.yield
      }) : () -> ()
    }
    %scan3A_6 = arith.constant 80 : i32
    %barrier3A_7 = arith.constant 0 : index
    tpu.barrier barrier_id(%barrier3A_7)
    %eq3A = arith.constant 0 : i32
    %eq3A_8 = arith.cmpi eq, %arg1, %eq3A : i32
    %convert_element_type3A = arith.extui %eq3A_8 : i1 to i32
    %cond3A = arith.constant 0 : i32
    %cond3A_9 = arith.cmpi ne, %convert_element_type3A, %cond3A : i32
    scf.if %cond3A_9 {
      %run_scoped3A = arith.constant 0 : i32
      "tpu.region"() ({
        %run_scoped3A_10 = tpu.sem_alloc : memref<!tpu.dma_semaphore, #tpu.memory_space<semaphore_mem>>
        %dma_start3A = arith.constant 0 : i32
        %dma_start3A_11 = tpu.memref_slice %arg5[%arg0, %run_scoped3A, %dma_start3A] : memref<2x1x10240xf32, #tpu.memory_space<hbm>> -> memref<1x1x10240xf32, #tpu.memory_space<hbm>>
        %dma_start3A_12 = tpu.memref_squeeze %dma_start3A_11 : memref<1x1x10240xf32, #tpu.memory_space<hbm>> -> memref<10240xf32, #tpu.memory_space<hbm>>
        tpu.enqueue_dma source(%arg8 : memref<10240xf32, #tpu.memory_space<vmem_shared>>) target(%dma_start3A_12 : memref<10240xf32, #tpu.memory_space<hbm>>) target_semaphore(%run_scoped3A_10 : memref<!tpu.dma_semaphore, #tpu.memory_space<semaphore_mem>>)
        %dma_wait3A = arith.constant 0 : i32
        %dma_wait3A_13 = tpu.memref_slice %arg5[%arg0, %run_scoped3A, %dma_wait3A] : memref<2x1x10240xf32, #tpu.memory_space<hbm>> -> memref<1x1x10240xf32, #tpu.memory_space<hbm>>
        %dma_wait3A_14 = tpu.memref_squeeze %dma_wait3A_13 : memref<1x1x10240xf32, #tpu.memory_space<hbm>> -> memref<10240xf32, #tpu.memory_space<hbm>>
        tpu.wait_dma2 semaphore(%run_scoped3A_10 : memref<!tpu.dma_semaphore, #tpu.memory_space<semaphore_mem>>) src(%arg8 : memref<10240xf32, #tpu.memory_space<vmem_shared>>) dst(%dma_wait3A_14 : memref<10240xf32, #tpu.memory_space<hbm>>)
        tpu.yield
      }) : () -> ()
    } else {
    }
    return
  }
}

#map = affine_map<(d0, d1) -> (0, 0)>
#map1 = affine_map<(d0, d1) -> (0, 0, 0)>
module attributes {stable_mosaic.version = 14 : i64} {
  func.func @prop_kernel(%arg0: i32, %arg1: i32, %arg2: memref<10000x128xf32, #tpu.memory_space<hbm>>, %arg3: memref<16x120x128xi32, #tpu.memory_space<hbm>>, %arg4: memref<16x120x128xi32, #tpu.memory_space<hbm>>, %arg5: memref<16x40x128xi32, #tpu.memory_space<hbm>>, %arg6: memref<16x40x128xi32, #tpu.memory_space<hbm>>, %arg7: memref<632x128xf32, #tpu.memory_space<hbm>>, %arg8: memref<2x10112x128xf32, #tpu.memory_space<hbm>>, %arg9: memref<40x128xi32, #tpu.memory_space<vmem>>, %arg10: memref<40x128xi32, #tpu.memory_space<vmem>>, %arg11: memref<128x128xf32, #tpu.memory_space<vmem>>, %arg12: memref<128x128xf32, #tpu.memory_space<vmem>>, %arg13: memref<10112x128xf32, #tpu.memory_space<vmem_shared>>, %arg14: memref<!tpu.dma_semaphore, #tpu.memory_space<semaphore_mem>>, %arg15: memref<!tpu.dma_semaphore, #tpu.memory_space<semaphore_mem>>) attributes {dimension_semantics = [#tpu.dimension_semantics<core_parallel>, #tpu.dimension_semantics<subcore_parallel>], iteration_bounds = array<i64: 2, 16>, scalar_prefetch = 0 : i64, scratch_operands = 7 : i64, tpu.core_type = #tpu.core_type<sc_vector_subcore>, window_params = [{transform_indices = #map}, {transform_indices = #map1}, {transform_indices = #map1}, {transform_indices = #map1}, {transform_indices = #map1}, {transform_indices = #map}, {transform_indices = #map1}]} {
    %mul3A = arith.constant 632 : i32
    %mul3A_0 = arith.muli %arg1, %mul3A : i32
    "tpu.region"() ({
      %run_scoped3A = tpu.sem_alloc : memref<!tpu.dma_semaphore, #tpu.memory_space<semaphore_mem>>
      %dma_start3A = arith.constant 0 : i32
      %dma_start3A_13 = tpu.memref_slice %arg13[%mul3A_0, %dma_start3A] : memref<10112x128xf32, #tpu.memory_space<vmem_shared>> -> memref<632x128xf32, #tpu.memory_space<vmem_shared>>
      tpu.enqueue_dma source(%arg7 : memref<632x128xf32, #tpu.memory_space<hbm>>) target(%dma_start3A_13 : memref<632x128xf32, #tpu.memory_space<vmem_shared>>) target_semaphore(%run_scoped3A : memref<!tpu.dma_semaphore, #tpu.memory_space<semaphore_mem>>)
      %dma_wait3A = arith.constant 0 : i32
      %dma_wait3A_14 = tpu.memref_slice %arg13[%mul3A_0, %dma_wait3A] : memref<10112x128xf32, #tpu.memory_space<vmem_shared>> -> memref<632x128xf32, #tpu.memory_space<vmem_shared>>
      tpu.wait_dma2 semaphore(%run_scoped3A : memref<!tpu.dma_semaphore, #tpu.memory_space<semaphore_mem>>) src(%arg7 : memref<632x128xf32, #tpu.memory_space<hbm>>) dst(%dma_wait3A_14 : memref<632x128xf32, #tpu.memory_space<vmem_shared>>)
      tpu.yield
    }) : () -> ()
    %barrier3A = arith.constant 0 : index
    tpu.barrier barrier_id(%barrier3A)
    %eq3A = arith.constant 0 : i32
    %eq3A_1 = arith.cmpi eq, %arg0, %eq3A : i32
    %convert_element_type3A = arith.extui %eq3A_1 : i1 to i32
    %cond3A = arith.constant 0 : i32
    %cond3A_2 = arith.cmpi ne, %convert_element_type3A, %cond3A : i32
    scf.if %cond3A_2 {
      "tpu.region"() ({
        %run_scoped3A = tpu.sem_alloc : memref<!tpu.dma_semaphore, #tpu.memory_space<semaphore_mem>>
        %dma_start3A_68 = arith.constant 0 : i32
        %dma_start3A_69 = arith.constant 0 : i32
        %dma_start3A_70 = tpu.memref_slice %arg3[%arg1, %dma_start3A_68, %dma_start3A_69] : memref<16x120x128xi32, #tpu.memory_space<hbm>> -> memref<1x40x128xi32, #tpu.memory_space<hbm>>
        %dma_start3A_71 = tpu.memref_squeeze %dma_start3A_70 : memref<1x40x128xi32, #tpu.memory_space<hbm>> -> memref<40x128xi32, #tpu.memory_space<hbm>>
        %dma_start3A_72 = arith.constant 0 : i32
        %dma_start3A_73 = arith.constant 0 : i32
        %dma_start3A_74 = tpu.memref_slice %arg3[%arg1, %dma_start3A_72, %dma_start3A_73] : memref<16x120x128xi32, #tpu.memory_space<hbm>> -> memref<1x40x128xi32, #tpu.memory_space<hbm>>
        %dma_start3A_75 = tpu.memref_squeeze %dma_start3A_74 : memref<1x40x128xi32, #tpu.memory_space<hbm>> -> memref<40x128xi32, #tpu.memory_space<hbm>>
        tpu.enqueue_dma source(%dma_start3A_75 : memref<40x128xi32, #tpu.memory_space<hbm>>) target(%arg9 : memref<40x128xi32, #tpu.memory_space<vmem>>) target_semaphore(%run_scoped3A : memref<!tpu.dma_semaphore, #tpu.memory_space<semaphore_mem>>)
        %dma_wait3A = arith.constant 0 : i32
        %dma_wait3A_76 = arith.constant 0 : i32
        %dma_wait3A_77 = tpu.memref_slice %arg3[%arg1, %dma_wait3A, %dma_wait3A_76] : memref<16x120x128xi32, #tpu.memory_space<hbm>> -> memref<1x40x128xi32, #tpu.memory_space<hbm>>
        %dma_wait3A_78 = tpu.memref_squeeze %dma_wait3A_77 : memref<1x40x128xi32, #tpu.memory_space<hbm>> -> memref<40x128xi32, #tpu.memory_space<hbm>>
        %dma_wait3A_79 = arith.constant 0 : i32
        %dma_wait3A_80 = arith.constant 0 : i32
        %dma_wait3A_81 = tpu.memref_slice %arg3[%arg1, %dma_wait3A_79, %dma_wait3A_80] : memref<16x120x128xi32, #tpu.memory_space<hbm>> -> memref<1x40x128xi32, #tpu.memory_space<hbm>>
        %dma_wait3A_82 = tpu.memref_squeeze %dma_wait3A_81 : memref<1x40x128xi32, #tpu.memory_space<hbm>> -> memref<40x128xi32, #tpu.memory_space<hbm>>
        tpu.wait_dma2 semaphore(%run_scoped3A : memref<!tpu.dma_semaphore, #tpu.memory_space<semaphore_mem>>) src(%dma_wait3A_82 : memref<40x128xi32, #tpu.memory_space<hbm>>) dst(%arg9 : memref<40x128xi32, #tpu.memory_space<vmem>>)
        tpu.yield
      }) : () -> ()
      "tpu.region"() ({
        %run_scoped3A = tpu.sem_alloc : memref<!tpu.dma_semaphore, #tpu.memory_space<semaphore_mem>>
        %dma_start3A_68 = arith.constant 0 : i32
        %dma_start3A_69 = arith.constant 0 : i32
        %dma_start3A_70 = tpu.memref_slice %arg4[%arg1, %dma_start3A_68, %dma_start3A_69] : memref<16x120x128xi32, #tpu.memory_space<hbm>> -> memref<1x40x128xi32, #tpu.memory_space<hbm>>
        %dma_start3A_71 = tpu.memref_squeeze %dma_start3A_70 : memref<1x40x128xi32, #tpu.memory_space<hbm>> -> memref<40x128xi32, #tpu.memory_space<hbm>>
        %dma_start3A_72 = arith.constant 0 : i32
        %dma_start3A_73 = arith.constant 0 : i32
        %dma_start3A_74 = tpu.memref_slice %arg4[%arg1, %dma_start3A_72, %dma_start3A_73] : memref<16x120x128xi32, #tpu.memory_space<hbm>> -> memref<1x40x128xi32, #tpu.memory_space<hbm>>
        %dma_start3A_75 = tpu.memref_squeeze %dma_start3A_74 : memref<1x40x128xi32, #tpu.memory_space<hbm>> -> memref<40x128xi32, #tpu.memory_space<hbm>>
        tpu.enqueue_dma source(%dma_start3A_75 : memref<40x128xi32, #tpu.memory_space<hbm>>) target(%arg10 : memref<40x128xi32, #tpu.memory_space<vmem>>) target_semaphore(%run_scoped3A : memref<!tpu.dma_semaphore, #tpu.memory_space<semaphore_mem>>)
        %dma_wait3A = arith.constant 0 : i32
        %dma_wait3A_76 = arith.constant 0 : i32
        %dma_wait3A_77 = tpu.memref_slice %arg4[%arg1, %dma_wait3A, %dma_wait3A_76] : memref<16x120x128xi32, #tpu.memory_space<hbm>> -> memref<1x40x128xi32, #tpu.memory_space<hbm>>
        %dma_wait3A_78 = tpu.memref_squeeze %dma_wait3A_77 : memref<1x40x128xi32, #tpu.memory_space<hbm>> -> memref<40x128xi32, #tpu.memory_space<hbm>>
        %dma_wait3A_79 = arith.constant 0 : i32
        %dma_wait3A_80 = arith.constant 0 : i32
        %dma_wait3A_81 = tpu.memref_slice %arg4[%arg1, %dma_wait3A_79, %dma_wait3A_80] : memref<16x120x128xi32, #tpu.memory_space<hbm>> -> memref<1x40x128xi32, #tpu.memory_space<hbm>>
        %dma_wait3A_82 = tpu.memref_squeeze %dma_wait3A_81 : memref<1x40x128xi32, #tpu.memory_space<hbm>> -> memref<40x128xi32, #tpu.memory_space<hbm>>
        tpu.wait_dma2 semaphore(%run_scoped3A : memref<!tpu.dma_semaphore, #tpu.memory_space<semaphore_mem>>) src(%dma_wait3A_82 : memref<40x128xi32, #tpu.memory_space<hbm>>) dst(%arg10 : memref<40x128xi32, #tpu.memory_space<vmem>>)
        tpu.yield
      }) : () -> ()
      %dma_start3A = arith.constant 0 : i32
      %dma_start3A_13 = arith.constant 0 : i32
      %dma_start3A_14 = tpu.memref_slice %arg9[%dma_start3A, %dma_start3A_13] : memref<40x128xi32, #tpu.memory_space<vmem>> -> memref<1x128xi32, #tpu.memory_space<vmem>>
      %dma_start3A_15 = tpu.memref_squeeze %dma_start3A_14 : memref<1x128xi32, #tpu.memory_space<vmem>> -> memref<128xi32, #tpu.memory_space<vmem>>
      %dma_start3A_16 = arith.constant 0 : i32
      %dma_start3A_17 = arith.constant 0 : i32
      %dma_start3A_18 = tpu.memref_slice %arg2[%dma_start3A_16, %dma_start3A_17] : memref<10000x128xf32, #tpu.memory_space<hbm>> -> memref<10000x128xf32, #tpu.memory_space<hbm>>
      tpu.enqueue_indirect_dma source(%dma_start3A_18 : memref<10000x128xf32, #tpu.memory_space<hbm>>) target(%arg11 : memref<128x128xf32, #tpu.memory_space<vmem>>) offsets(%dma_start3A_15 : memref<128xi32, #tpu.memory_space<vmem>>) semaphore(%arg14 : memref<!tpu.dma_semaphore, #tpu.memory_space<semaphore_mem>>)
      %dma_start3A_19 = arith.constant 1 : i32
      %dma_start3A_20 = arith.constant 0 : i32
      %dma_start3A_21 = tpu.memref_slice %arg9[%dma_start3A_19, %dma_start3A_20] : memref<40x128xi32, #tpu.memory_space<vmem>> -> memref<1x128xi32, #tpu.memory_space<vmem>>
      %dma_start3A_22 = tpu.memref_squeeze %dma_start3A_21 : memref<1x128xi32, #tpu.memory_space<vmem>> -> memref<128xi32, #tpu.memory_space<vmem>>
      %dma_start3A_23 = arith.constant 0 : i32
      %dma_start3A_24 = arith.constant 0 : i32
      %dma_start3A_25 = tpu.memref_slice %arg2[%dma_start3A_23, %dma_start3A_24] : memref<10000x128xf32, #tpu.memory_space<hbm>> -> memref<10000x128xf32, #tpu.memory_space<hbm>>
      tpu.enqueue_indirect_dma source(%dma_start3A_25 : memref<10000x128xf32, #tpu.memory_space<hbm>>) target(%arg12 : memref<128x128xf32, #tpu.memory_space<vmem>>) offsets(%dma_start3A_22 : memref<128xi32, #tpu.memory_space<vmem>>) semaphore(%arg15 : memref<!tpu.dma_semaphore, #tpu.memory_space<semaphore_mem>>)
      %scan3A = arith.constant 0 : i32
      %scan3A_26 = arith.constant 20 : i32
      %scan3A_27 = arith.addi %scan3A, %scan3A_26 : i32
      %scan3A_28 = arith.constant 1 : i32
      scf.for %scan3A_68 = %scan3A to %scan3A_27 step %scan3A_28  : i32 {
        %mul3A_69 = arith.constant 2 : i32
        %mul3A_70 = arith.muli %scan3A_68, %mul3A_69 : i32
        %add3A = arith.constant 0 : i32
        %add3A_71 = arith.addi %add3A, %mul3A_70 : i32
        %dma_wait3A = arith.constant 0 : i32
        %dma_wait3A_72 = tpu.memref_slice %arg9[%add3A_71, %dma_wait3A] : memref<40x128xi32, #tpu.memory_space<vmem>> -> memref<1x128xi32, #tpu.memory_space<vmem>>
        %dma_wait3A_73 = tpu.memref_squeeze %dma_wait3A_72 : memref<1x128xi32, #tpu.memory_space<vmem>> -> memref<128xi32, #tpu.memory_space<vmem>>
        %dma_wait3A_74 = arith.constant 0 : i32
        %dma_wait3A_75 = arith.constant 0 : i32
        %dma_wait3A_76 = tpu.memref_slice %arg2[%dma_wait3A_74, %dma_wait3A_75] : memref<10000x128xf32, #tpu.memory_space<hbm>> -> memref<10000x128xf32, #tpu.memory_space<hbm>>
        tpu.wait_indirect_dma semaphore(%arg14 : memref<!tpu.dma_semaphore, #tpu.memory_space<semaphore_mem>>) src(%dma_wait3A_76 : memref<10000x128xf32, #tpu.memory_space<hbm>>) dst(%arg11 : memref<128x128xf32, #tpu.memory_space<vmem>>)
        "tpu.region"() ({
          %run_scoped3A = tpu.sem_alloc : memref<!tpu.dma_semaphore, #tpu.memory_space<semaphore_mem>>
          %dma_start3A_100 = arith.constant 0 : i32
          %dma_start3A_101 = tpu.memref_slice %arg10[%add3A_71, %dma_start3A_100] : memref<40x128xi32, #tpu.memory_space<vmem>> -> memref<1x128xi32, #tpu.memory_space<vmem>>
          %dma_start3A_102 = tpu.memref_squeeze %dma_start3A_101 : memref<1x128xi32, #tpu.memory_space<vmem>> -> memref<128xi32, #tpu.memory_space<vmem>>
          %dma_start3A_103 = arith.constant 0 : i32
          %dma_start3A_104 = arith.constant 0 : i32
          %dma_start3A_105 = tpu.memref_slice %arg13[%dma_start3A_103, %dma_start3A_104] : memref<10112x128xf32, #tpu.memory_space<vmem_shared>> -> memref<10112x128xf32, #tpu.memory_space<vmem_shared>>
          tpu.enqueue_indirect_dma source(%arg11 : memref<128x128xf32, #tpu.memory_space<vmem>>) target(%dma_start3A_105 : memref<10112x128xf32, #tpu.memory_space<vmem_shared>>) offsets(%dma_start3A_102 : memref<128xi32, #tpu.memory_space<vmem>>) semaphore(%run_scoped3A : memref<!tpu.dma_semaphore, #tpu.memory_space<semaphore_mem>>) {add = true}
          %dma_wait3A_106 = arith.constant 0 : i32
          %dma_wait3A_107 = tpu.memref_slice %arg10[%add3A_71, %dma_wait3A_106] : memref<40x128xi32, #tpu.memory_space<vmem>> -> memref<1x128xi32, #tpu.memory_space<vmem>>
          %dma_wait3A_108 = tpu.memref_squeeze %dma_wait3A_107 : memref<1x128xi32, #tpu.memory_space<vmem>> -> memref<128xi32, #tpu.memory_space<vmem>>
          %dma_wait3A_109 = arith.constant 0 : i32
          %dma_wait3A_110 = arith.constant 0 : i32
          %dma_wait3A_111 = tpu.memref_slice %arg13[%dma_wait3A_109, %dma_wait3A_110] : memref<10112x128xf32, #tpu.memory_space<vmem_shared>> -> memref<10112x128xf32, #tpu.memory_space<vmem_shared>>
          tpu.wait_indirect_dma semaphore(%run_scoped3A : memref<!tpu.dma_semaphore, #tpu.memory_space<semaphore_mem>>) src(%arg11 : memref<128x128xf32, #tpu.memory_space<vmem>>) dst(%dma_wait3A_111 : memref<10112x128xf32, #tpu.memory_space<vmem_shared>>)
          tpu.yield
        }) : () -> ()
        %add3A_77 = arith.constant 2 : i32
        %add3A_78 = arith.addi %add3A_71, %add3A_77 : i32
        %lt3A = arith.constant 40 : i32
        %lt3A_79 = arith.cmpi slt, %add3A_78, %lt3A : i32
        %convert_element_type3A_80 = arith.extui %lt3A_79 : i1 to i32
        %cond3A_81 = arith.constant 0 : i32
        %cond3A_82 = arith.cmpi ne, %convert_element_type3A_80, %cond3A_81 : i32
        scf.if %cond3A_82 {
          %add3A_100 = arith.constant 2 : i32
          %add3A_101 = arith.addi %add3A_71, %add3A_100 : i32
          %dma_start3A_102 = arith.constant 0 : i32
          %dma_start3A_103 = tpu.memref_slice %arg9[%add3A_101, %dma_start3A_102] : memref<40x128xi32, #tpu.memory_space<vmem>> -> memref<1x128xi32, #tpu.memory_space<vmem>>
          %dma_start3A_104 = tpu.memref_squeeze %dma_start3A_103 : memref<1x128xi32, #tpu.memory_space<vmem>> -> memref<128xi32, #tpu.memory_space<vmem>>
          %dma_start3A_105 = arith.constant 0 : i32
          %dma_start3A_106 = arith.constant 0 : i32
          %dma_start3A_107 = tpu.memref_slice %arg2[%dma_start3A_105, %dma_start3A_106] : memref<10000x128xf32, #tpu.memory_space<hbm>> -> memref<10000x128xf32, #tpu.memory_space<hbm>>
          tpu.enqueue_indirect_dma source(%dma_start3A_107 : memref<10000x128xf32, #tpu.memory_space<hbm>>) target(%arg11 : memref<128x128xf32, #tpu.memory_space<vmem>>) offsets(%dma_start3A_104 : memref<128xi32, #tpu.memory_space<vmem>>) semaphore(%arg14 : memref<!tpu.dma_semaphore, #tpu.memory_space<semaphore_mem>>)
        } else {
        }
        %add3A_83 = arith.constant 1 : i32
        %add3A_84 = arith.addi %add3A_71, %add3A_83 : i32
        %dma_wait3A_85 = arith.constant 0 : i32
        %dma_wait3A_86 = tpu.memref_slice %arg9[%add3A_84, %dma_wait3A_85] : memref<40x128xi32, #tpu.memory_space<vmem>> -> memref<1x128xi32, #tpu.memory_space<vmem>>
        %dma_wait3A_87 = tpu.memref_squeeze %dma_wait3A_86 : memref<1x128xi32, #tpu.memory_space<vmem>> -> memref<128xi32, #tpu.memory_space<vmem>>
        %dma_wait3A_88 = arith.constant 0 : i32
        %dma_wait3A_89 = arith.constant 0 : i32
        %dma_wait3A_90 = tpu.memref_slice %arg2[%dma_wait3A_88, %dma_wait3A_89] : memref<10000x128xf32, #tpu.memory_space<hbm>> -> memref<10000x128xf32, #tpu.memory_space<hbm>>
        tpu.wait_indirect_dma semaphore(%arg15 : memref<!tpu.dma_semaphore, #tpu.memory_space<semaphore_mem>>) src(%dma_wait3A_90 : memref<10000x128xf32, #tpu.memory_space<hbm>>) dst(%arg12 : memref<128x128xf32, #tpu.memory_space<vmem>>)
        %add3A_91 = arith.constant 1 : i32
        %add3A_92 = arith.addi %add3A_71, %add3A_91 : i32
        "tpu.region"() ({
          %run_scoped3A = tpu.sem_alloc : memref<!tpu.dma_semaphore, #tpu.memory_space<semaphore_mem>>
          %dma_start3A_100 = arith.constant 0 : i32
          %dma_start3A_101 = tpu.memref_slice %arg10[%add3A_92, %dma_start3A_100] : memref<40x128xi32, #tpu.memory_space<vmem>> -> memref<1x128xi32, #tpu.memory_space<vmem>>
          %dma_start3A_102 = tpu.memref_squeeze %dma_start3A_101 : memref<1x128xi32, #tpu.memory_space<vmem>> -> memref<128xi32, #tpu.memory_space<vmem>>
          %dma_start3A_103 = arith.constant 0 : i32
          %dma_start3A_104 = arith.constant 0 : i32
          %dma_start3A_105 = tpu.memref_slice %arg13[%dma_start3A_103, %dma_start3A_104] : memref<10112x128xf32, #tpu.memory_space<vmem_shared>> -> memref<10112x128xf32, #tpu.memory_space<vmem_shared>>
          tpu.enqueue_indirect_dma source(%arg12 : memref<128x128xf32, #tpu.memory_space<vmem>>) target(%dma_start3A_105 : memref<10112x128xf32, #tpu.memory_space<vmem_shared>>) offsets(%dma_start3A_102 : memref<128xi32, #tpu.memory_space<vmem>>) semaphore(%run_scoped3A : memref<!tpu.dma_semaphore, #tpu.memory_space<semaphore_mem>>) {add = true}
          %dma_wait3A_106 = arith.constant 0 : i32
          %dma_wait3A_107 = tpu.memref_slice %arg10[%add3A_92, %dma_wait3A_106] : memref<40x128xi32, #tpu.memory_space<vmem>> -> memref<1x128xi32, #tpu.memory_space<vmem>>
          %dma_wait3A_108 = tpu.memref_squeeze %dma_wait3A_107 : memref<1x128xi32, #tpu.memory_space<vmem>> -> memref<128xi32, #tpu.memory_space<vmem>>
          %dma_wait3A_109 = arith.constant 0 : i32
          %dma_wait3A_110 = arith.constant 0 : i32
          %dma_wait3A_111 = tpu.memref_slice %arg13[%dma_wait3A_109, %dma_wait3A_110] : memref<10112x128xf32, #tpu.memory_space<vmem_shared>> -> memref<10112x128xf32, #tpu.memory_space<vmem_shared>>
          tpu.wait_indirect_dma semaphore(%run_scoped3A : memref<!tpu.dma_semaphore, #tpu.memory_space<semaphore_mem>>) src(%arg12 : memref<128x128xf32, #tpu.memory_space<vmem>>) dst(%dma_wait3A_111 : memref<10112x128xf32, #tpu.memory_space<vmem_shared>>)
          tpu.yield
        }) : () -> ()
        %add3A_93 = arith.constant 3 : i32
        %add3A_94 = arith.addi %add3A_71, %add3A_93 : i32
        %lt3A_95 = arith.constant 40 : i32
        %lt3A_96 = arith.cmpi slt, %add3A_94, %lt3A_95 : i32
        %convert_element_type3A_97 = arith.extui %lt3A_96 : i1 to i32
        %cond3A_98 = arith.constant 0 : i32
        %cond3A_99 = arith.cmpi ne, %convert_element_type3A_97, %cond3A_98 : i32
        scf.if %cond3A_99 {
          %add3A_100 = arith.constant 3 : i32
          %add3A_101 = arith.addi %add3A_71, %add3A_100 : i32
          %dma_start3A_102 = arith.constant 0 : i32
          %dma_start3A_103 = tpu.memref_slice %arg9[%add3A_101, %dma_start3A_102] : memref<40x128xi32, #tpu.memory_space<vmem>> -> memref<1x128xi32, #tpu.memory_space<vmem>>
          %dma_start3A_104 = tpu.memref_squeeze %dma_start3A_103 : memref<1x128xi32, #tpu.memory_space<vmem>> -> memref<128xi32, #tpu.memory_space<vmem>>
          %dma_start3A_105 = arith.constant 0 : i32
          %dma_start3A_106 = arith.constant 0 : i32
          %dma_start3A_107 = tpu.memref_slice %arg2[%dma_start3A_105, %dma_start3A_106] : memref<10000x128xf32, #tpu.memory_space<hbm>> -> memref<10000x128xf32, #tpu.memory_space<hbm>>
          tpu.enqueue_indirect_dma source(%dma_start3A_107 : memref<10000x128xf32, #tpu.memory_space<hbm>>) target(%arg12 : memref<128x128xf32, #tpu.memory_space<vmem>>) offsets(%dma_start3A_104 : memref<128xi32, #tpu.memory_space<vmem>>) semaphore(%arg15 : memref<!tpu.dma_semaphore, #tpu.memory_space<semaphore_mem>>)
        } else {
        }
      }
      %scan3A_29 = arith.constant 20 : i32
      "tpu.region"() ({
        %run_scoped3A = tpu.sem_alloc : memref<!tpu.dma_semaphore, #tpu.memory_space<semaphore_mem>>
        %dma_start3A_68 = arith.constant 40 : i32
        %dma_start3A_69 = arith.constant 0 : i32
        %dma_start3A_70 = tpu.memref_slice %arg3[%arg1, %dma_start3A_68, %dma_start3A_69] : memref<16x120x128xi32, #tpu.memory_space<hbm>> -> memref<1x40x128xi32, #tpu.memory_space<hbm>>
        %dma_start3A_71 = tpu.memref_squeeze %dma_start3A_70 : memref<1x40x128xi32, #tpu.memory_space<hbm>> -> memref<40x128xi32, #tpu.memory_space<hbm>>
        %dma_start3A_72 = arith.constant 40 : i32
        %dma_start3A_73 = arith.constant 0 : i32
        %dma_start3A_74 = tpu.memref_slice %arg3[%arg1, %dma_start3A_72, %dma_start3A_73] : memref<16x120x128xi32, #tpu.memory_space<hbm>> -> memref<1x40x128xi32, #tpu.memory_space<hbm>>
        %dma_start3A_75 = tpu.memref_squeeze %dma_start3A_74 : memref<1x40x128xi32, #tpu.memory_space<hbm>> -> memref<40x128xi32, #tpu.memory_space<hbm>>
        tpu.enqueue_dma source(%dma_start3A_75 : memref<40x128xi32, #tpu.memory_space<hbm>>) target(%arg9 : memref<40x128xi32, #tpu.memory_space<vmem>>) target_semaphore(%run_scoped3A : memref<!tpu.dma_semaphore, #tpu.memory_space<semaphore_mem>>)
        %dma_wait3A = arith.constant 40 : i32
        %dma_wait3A_76 = arith.constant 0 : i32
        %dma_wait3A_77 = tpu.memref_slice %arg3[%arg1, %dma_wait3A, %dma_wait3A_76] : memref<16x120x128xi32, #tpu.memory_space<hbm>> -> memref<1x40x128xi32, #tpu.memory_space<hbm>>
        %dma_wait3A_78 = tpu.memref_squeeze %dma_wait3A_77 : memref<1x40x128xi32, #tpu.memory_space<hbm>> -> memref<40x128xi32, #tpu.memory_space<hbm>>
        %dma_wait3A_79 = arith.constant 40 : i32
        %dma_wait3A_80 = arith.constant 0 : i32
        %dma_wait3A_81 = tpu.memref_slice %arg3[%arg1, %dma_wait3A_79, %dma_wait3A_80] : memref<16x120x128xi32, #tpu.memory_space<hbm>> -> memref<1x40x128xi32, #tpu.memory_space<hbm>>
        %dma_wait3A_82 = tpu.memref_squeeze %dma_wait3A_81 : memref<1x40x128xi32, #tpu.memory_space<hbm>> -> memref<40x128xi32, #tpu.memory_space<hbm>>
        tpu.wait_dma2 semaphore(%run_scoped3A : memref<!tpu.dma_semaphore, #tpu.memory_space<semaphore_mem>>) src(%dma_wait3A_82 : memref<40x128xi32, #tpu.memory_space<hbm>>) dst(%arg9 : memref<40x128xi32, #tpu.memory_space<vmem>>)
        tpu.yield
      }) : () -> ()
      "tpu.region"() ({
        %run_scoped3A = tpu.sem_alloc : memref<!tpu.dma_semaphore, #tpu.memory_space<semaphore_mem>>
        %dma_start3A_68 = arith.constant 40 : i32
        %dma_start3A_69 = arith.constant 0 : i32
        %dma_start3A_70 = tpu.memref_slice %arg4[%arg1, %dma_start3A_68, %dma_start3A_69] : memref<16x120x128xi32, #tpu.memory_space<hbm>> -> memref<1x40x128xi32, #tpu.memory_space<hbm>>
        %dma_start3A_71 = tpu.memref_squeeze %dma_start3A_70 : memref<1x40x128xi32, #tpu.memory_space<hbm>> -> memref<40x128xi32, #tpu.memory_space<hbm>>
        %dma_start3A_72 = arith.constant 40 : i32
        %dma_start3A_73 = arith.constant 0 : i32
        %dma_start3A_74 = tpu.memref_slice %arg4[%arg1, %dma_start3A_72, %dma_start3A_73] : memref<16x120x128xi32, #tpu.memory_space<hbm>> -> memref<1x40x128xi32, #tpu.memory_space<hbm>>
        %dma_start3A_75 = tpu.memref_squeeze %dma_start3A_74 : memref<1x40x128xi32, #tpu.memory_space<hbm>> -> memref<40x128xi32, #tpu.memory_space<hbm>>
        tpu.enqueue_dma source(%dma_start3A_75 : memref<40x128xi32, #tpu.memory_space<hbm>>) target(%arg10 : memref<40x128xi32, #tpu.memory_space<vmem>>) target_semaphore(%run_scoped3A : memref<!tpu.dma_semaphore, #tpu.memory_space<semaphore_mem>>)
        %dma_wait3A = arith.constant 40 : i32
        %dma_wait3A_76 = arith.constant 0 : i32
        %dma_wait3A_77 = tpu.memref_slice %arg4[%arg1, %dma_wait3A, %dma_wait3A_76] : memref<16x120x128xi32, #tpu.memory_space<hbm>> -> memref<1x40x128xi32, #tpu.memory_space<hbm>>
        %dma_wait3A_78 = tpu.memref_squeeze %dma_wait3A_77 : memref<1x40x128xi32, #tpu.memory_space<hbm>> -> memref<40x128xi32, #tpu.memory_space<hbm>>
        %dma_wait3A_79 = arith.constant 40 : i32
        %dma_wait3A_80 = arith.constant 0 : i32
        %dma_wait3A_81 = tpu.memref_slice %arg4[%arg1, %dma_wait3A_79, %dma_wait3A_80] : memref<16x120x128xi32, #tpu.memory_space<hbm>> -> memref<1x40x128xi32, #tpu.memory_space<hbm>>
        %dma_wait3A_82 = tpu.memref_squeeze %dma_wait3A_81 : memref<1x40x128xi32, #tpu.memory_space<hbm>> -> memref<40x128xi32, #tpu.memory_space<hbm>>
        tpu.wait_dma2 semaphore(%run_scoped3A : memref<!tpu.dma_semaphore, #tpu.memory_space<semaphore_mem>>) src(%dma_wait3A_82 : memref<40x128xi32, #tpu.memory_space<hbm>>) dst(%arg10 : memref<40x128xi32, #tpu.memory_space<vmem>>)
        tpu.yield
      }) : () -> ()
      %dma_start3A_30 = arith.constant 0 : i32
      %dma_start3A_31 = arith.constant 0 : i32
      %dma_start3A_32 = tpu.memref_slice %arg9[%dma_start3A_30, %dma_start3A_31] : memref<40x128xi32, #tpu.memory_space<vmem>> -> memref<1x128xi32, #tpu.memory_space<vmem>>
      %dma_start3A_33 = tpu.memref_squeeze %dma_start3A_32 : memref<1x128xi32, #tpu.memory_space<vmem>> -> memref<128xi32, #tpu.memory_space<vmem>>
      %dma_start3A_34 = arith.constant 0 : i32
      %dma_start3A_35 = arith.constant 0 : i32
      %dma_start3A_36 = tpu.memref_slice %arg2[%dma_start3A_34, %dma_start3A_35] : memref<10000x128xf32, #tpu.memory_space<hbm>> -> memref<10000x128xf32, #tpu.memory_space<hbm>>
      tpu.enqueue_indirect_dma source(%dma_start3A_36 : memref<10000x128xf32, #tpu.memory_space<hbm>>) target(%arg11 : memref<128x128xf32, #tpu.memory_space<vmem>>) offsets(%dma_start3A_33 : memref<128xi32, #tpu.memory_space<vmem>>) semaphore(%arg14 : memref<!tpu.dma_semaphore, #tpu.memory_space<semaphore_mem>>)
      %dma_start3A_37 = arith.constant 1 : i32
      %dma_start3A_38 = arith.constant 0 : i32
      %dma_start3A_39 = tpu.memref_slice %arg9[%dma_start3A_37, %dma_start3A_38] : memref<40x128xi32, #tpu.memory_space<vmem>> -> memref<1x128xi32, #tpu.memory_space<vmem>>
      %dma_start3A_40 = tpu.memref_squeeze %dma_start3A_39 : memref<1x128xi32, #tpu.memory_space<vmem>> -> memref<128xi32, #tpu.memory_space<vmem>>
      %dma_start3A_41 = arith.constant 0 : i32
      %dma_start3A_42 = arith.constant 0 : i32
      %dma_start3A_43 = tpu.memref_slice %arg2[%dma_start3A_41, %dma_start3A_42] : memref<10000x128xf32, #tpu.memory_space<hbm>> -> memref<10000x128xf32, #tpu.memory_space<hbm>>
      tpu.enqueue_indirect_dma source(%dma_start3A_43 : memref<10000x128xf32, #tpu.memory_space<hbm>>) target(%arg12 : memref<128x128xf32, #tpu.memory_space<vmem>>) offsets(%dma_start3A_40 : memref<128xi32, #tpu.memory_space<vmem>>) semaphore(%arg15 : memref<!tpu.dma_semaphore, #tpu.memory_space<semaphore_mem>>)
      %scan3A_44 = arith.constant 0 : i32
      %scan3A_45 = arith.constant 20 : i32
      %scan3A_46 = arith.addi %scan3A_44, %scan3A_45 : i32
      %scan3A_47 = arith.constant 1 : i32
      scf.for %scan3A_68 = %scan3A_44 to %scan3A_46 step %scan3A_47  : i32 {
        %mul3A_69 = arith.constant 2 : i32
        %mul3A_70 = arith.muli %scan3A_68, %mul3A_69 : i32
        %add3A = arith.constant 0 : i32
        %add3A_71 = arith.addi %add3A, %mul3A_70 : i32
        %dma_wait3A = arith.constant 0 : i32
        %dma_wait3A_72 = tpu.memref_slice %arg9[%add3A_71, %dma_wait3A] : memref<40x128xi32, #tpu.memory_space<vmem>> -> memref<1x128xi32, #tpu.memory_space<vmem>>
        %dma_wait3A_73 = tpu.memref_squeeze %dma_wait3A_72 : memref<1x128xi32, #tpu.memory_space<vmem>> -> memref<128xi32, #tpu.memory_space<vmem>>
        %dma_wait3A_74 = arith.constant 0 : i32
        %dma_wait3A_75 = arith.constant 0 : i32
        %dma_wait3A_76 = tpu.memref_slice %arg2[%dma_wait3A_74, %dma_wait3A_75] : memref<10000x128xf32, #tpu.memory_space<hbm>> -> memref<10000x128xf32, #tpu.memory_space<hbm>>
        tpu.wait_indirect_dma semaphore(%arg14 : memref<!tpu.dma_semaphore, #tpu.memory_space<semaphore_mem>>) src(%dma_wait3A_76 : memref<10000x128xf32, #tpu.memory_space<hbm>>) dst(%arg11 : memref<128x128xf32, #tpu.memory_space<vmem>>)
        "tpu.region"() ({
          %run_scoped3A = tpu.sem_alloc : memref<!tpu.dma_semaphore, #tpu.memory_space<semaphore_mem>>
          %dma_start3A_100 = arith.constant 0 : i32
          %dma_start3A_101 = tpu.memref_slice %arg10[%add3A_71, %dma_start3A_100] : memref<40x128xi32, #tpu.memory_space<vmem>> -> memref<1x128xi32, #tpu.memory_space<vmem>>
          %dma_start3A_102 = tpu.memref_squeeze %dma_start3A_101 : memref<1x128xi32, #tpu.memory_space<vmem>> -> memref<128xi32, #tpu.memory_space<vmem>>
          %dma_start3A_103 = arith.constant 0 : i32
          %dma_start3A_104 = arith.constant 0 : i32
          %dma_start3A_105 = tpu.memref_slice %arg13[%dma_start3A_103, %dma_start3A_104] : memref<10112x128xf32, #tpu.memory_space<vmem_shared>> -> memref<10112x128xf32, #tpu.memory_space<vmem_shared>>
          tpu.enqueue_indirect_dma source(%arg11 : memref<128x128xf32, #tpu.memory_space<vmem>>) target(%dma_start3A_105 : memref<10112x128xf32, #tpu.memory_space<vmem_shared>>) offsets(%dma_start3A_102 : memref<128xi32, #tpu.memory_space<vmem>>) semaphore(%run_scoped3A : memref<!tpu.dma_semaphore, #tpu.memory_space<semaphore_mem>>) {add = true}
          %dma_wait3A_106 = arith.constant 0 : i32
          %dma_wait3A_107 = tpu.memref_slice %arg10[%add3A_71, %dma_wait3A_106] : memref<40x128xi32, #tpu.memory_space<vmem>> -> memref<1x128xi32, #tpu.memory_space<vmem>>
          %dma_wait3A_108 = tpu.memref_squeeze %dma_wait3A_107 : memref<1x128xi32, #tpu.memory_space<vmem>> -> memref<128xi32, #tpu.memory_space<vmem>>
          %dma_wait3A_109 = arith.constant 0 : i32
          %dma_wait3A_110 = arith.constant 0 : i32
          %dma_wait3A_111 = tpu.memref_slice %arg13[%dma_wait3A_109, %dma_wait3A_110] : memref<10112x128xf32, #tpu.memory_space<vmem_shared>> -> memref<10112x128xf32, #tpu.memory_space<vmem_shared>>
          tpu.wait_indirect_dma semaphore(%run_scoped3A : memref<!tpu.dma_semaphore, #tpu.memory_space<semaphore_mem>>) src(%arg11 : memref<128x128xf32, #tpu.memory_space<vmem>>) dst(%dma_wait3A_111 : memref<10112x128xf32, #tpu.memory_space<vmem_shared>>)
          tpu.yield
        }) : () -> ()
        %add3A_77 = arith.constant 2 : i32
        %add3A_78 = arith.addi %add3A_71, %add3A_77 : i32
        %lt3A = arith.constant 40 : i32
        %lt3A_79 = arith.cmpi slt, %add3A_78, %lt3A : i32
        %convert_element_type3A_80 = arith.extui %lt3A_79 : i1 to i32
        %cond3A_81 = arith.constant 0 : i32
        %cond3A_82 = arith.cmpi ne, %convert_element_type3A_80, %cond3A_81 : i32
        scf.if %cond3A_82 {
          %add3A_100 = arith.constant 2 : i32
          %add3A_101 = arith.addi %add3A_71, %add3A_100 : i32
          %dma_start3A_102 = arith.constant 0 : i32
          %dma_start3A_103 = tpu.memref_slice %arg9[%add3A_101, %dma_start3A_102] : memref<40x128xi32, #tpu.memory_space<vmem>> -> memref<1x128xi32, #tpu.memory_space<vmem>>
          %dma_start3A_104 = tpu.memref_squeeze %dma_start3A_103 : memref<1x128xi32, #tpu.memory_space<vmem>> -> memref<128xi32, #tpu.memory_space<vmem>>
          %dma_start3A_105 = arith.constant 0 : i32
          %dma_start3A_106 = arith.constant 0 : i32
          %dma_start3A_107 = tpu.memref_slice %arg2[%dma_start3A_105, %dma_start3A_106] : memref<10000x128xf32, #tpu.memory_space<hbm>> -> memref<10000x128xf32, #tpu.memory_space<hbm>>
          tpu.enqueue_indirect_dma source(%dma_start3A_107 : memref<10000x128xf32, #tpu.memory_space<hbm>>) target(%arg11 : memref<128x128xf32, #tpu.memory_space<vmem>>) offsets(%dma_start3A_104 : memref<128xi32, #tpu.memory_space<vmem>>) semaphore(%arg14 : memref<!tpu.dma_semaphore, #tpu.memory_space<semaphore_mem>>)
        } else {
        }
        %add3A_83 = arith.constant 1 : i32
        %add3A_84 = arith.addi %add3A_71, %add3A_83 : i32
        %dma_wait3A_85 = arith.constant 0 : i32
        %dma_wait3A_86 = tpu.memref_slice %arg9[%add3A_84, %dma_wait3A_85] : memref<40x128xi32, #tpu.memory_space<vmem>> -> memref<1x128xi32, #tpu.memory_space<vmem>>
        %dma_wait3A_87 = tpu.memref_squeeze %dma_wait3A_86 : memref<1x128xi32, #tpu.memory_space<vmem>> -> memref<128xi32, #tpu.memory_space<vmem>>
        %dma_wait3A_88 = arith.constant 0 : i32
        %dma_wait3A_89 = arith.constant 0 : i32
        %dma_wait3A_90 = tpu.memref_slice %arg2[%dma_wait3A_88, %dma_wait3A_89] : memref<10000x128xf32, #tpu.memory_space<hbm>> -> memref<10000x128xf32, #tpu.memory_space<hbm>>
        tpu.wait_indirect_dma semaphore(%arg15 : memref<!tpu.dma_semaphore, #tpu.memory_space<semaphore_mem>>) src(%dma_wait3A_90 : memref<10000x128xf32, #tpu.memory_space<hbm>>) dst(%arg12 : memref<128x128xf32, #tpu.memory_space<vmem>>)
        %add3A_91 = arith.constant 1 : i32
        %add3A_92 = arith.addi %add3A_71, %add3A_91 : i32
        "tpu.region"() ({
          %run_scoped3A = tpu.sem_alloc : memref<!tpu.dma_semaphore, #tpu.memory_space<semaphore_mem>>
          %dma_start3A_100 = arith.constant 0 : i32
          %dma_start3A_101 = tpu.memref_slice %arg10[%add3A_92, %dma_start3A_100] : memref<40x128xi32, #tpu.memory_space<vmem>> -> memref<1x128xi32, #tpu.memory_space<vmem>>
          %dma_start3A_102 = tpu.memref_squeeze %dma_start3A_101 : memref<1x128xi32, #tpu.memory_space<vmem>> -> memref<128xi32, #tpu.memory_space<vmem>>
          %dma_start3A_103 = arith.constant 0 : i32
          %dma_start3A_104 = arith.constant 0 : i32
          %dma_start3A_105 = tpu.memref_slice %arg13[%dma_start3A_103, %dma_start3A_104] : memref<10112x128xf32, #tpu.memory_space<vmem_shared>> -> memref<10112x128xf32, #tpu.memory_space<vmem_shared>>
          tpu.enqueue_indirect_dma source(%arg12 : memref<128x128xf32, #tpu.memory_space<vmem>>) target(%dma_start3A_105 : memref<10112x128xf32, #tpu.memory_space<vmem_shared>>) offsets(%dma_start3A_102 : memref<128xi32, #tpu.memory_space<vmem>>) semaphore(%run_scoped3A : memref<!tpu.dma_semaphore, #tpu.memory_space<semaphore_mem>>) {add = true}
          %dma_wait3A_106 = arith.constant 0 : i32
          %dma_wait3A_107 = tpu.memref_slice %arg10[%add3A_92, %dma_wait3A_106] : memref<40x128xi32, #tpu.memory_space<vmem>> -> memref<1x128xi32, #tpu.memory_space<vmem>>
          %dma_wait3A_108 = tpu.memref_squeeze %dma_wait3A_107 : memref<1x128xi32, #tpu.memory_space<vmem>> -> memref<128xi32, #tpu.memory_space<vmem>>
          %dma_wait3A_109 = arith.constant 0 : i32
          %dma_wait3A_110 = arith.constant 0 : i32
          %dma_wait3A_111 = tpu.memref_slice %arg13[%dma_wait3A_109, %dma_wait3A_110] : memref<10112x128xf32, #tpu.memory_space<vmem_shared>> -> memref<10112x128xf32, #tpu.memory_space<vmem_shared>>
          tpu.wait_indirect_dma semaphore(%run_scoped3A : memref<!tpu.dma_semaphore, #tpu.memory_space<semaphore_mem>>) src(%arg12 : memref<128x128xf32, #tpu.memory_space<vmem>>) dst(%dma_wait3A_111 : memref<10112x128xf32, #tpu.memory_space<vmem_shared>>)
          tpu.yield
        }) : () -> ()
        %add3A_93 = arith.constant 3 : i32
        %add3A_94 = arith.addi %add3A_71, %add3A_93 : i32
        %lt3A_95 = arith.constant 40 : i32
        %lt3A_96 = arith.cmpi slt, %add3A_94, %lt3A_95 : i32
        %convert_element_type3A_97 = arith.extui %lt3A_96 : i1 to i32
        %cond3A_98 = arith.constant 0 : i32
        %cond3A_99 = arith.cmpi ne, %convert_element_type3A_97, %cond3A_98 : i32
        scf.if %cond3A_99 {
          %add3A_100 = arith.constant 3 : i32
          %add3A_101 = arith.addi %add3A_71, %add3A_100 : i32
          %dma_start3A_102 = arith.constant 0 : i32
          %dma_start3A_103 = tpu.memref_slice %arg9[%add3A_101, %dma_start3A_102] : memref<40x128xi32, #tpu.memory_space<vmem>> -> memref<1x128xi32, #tpu.memory_space<vmem>>
          %dma_start3A_104 = tpu.memref_squeeze %dma_start3A_103 : memref<1x128xi32, #tpu.memory_space<vmem>> -> memref<128xi32, #tpu.memory_space<vmem>>
          %dma_start3A_105 = arith.constant 0 : i32
          %dma_start3A_106 = arith.constant 0 : i32
          %dma_start3A_107 = tpu.memref_slice %arg2[%dma_start3A_105, %dma_start3A_106] : memref<10000x128xf32, #tpu.memory_space<hbm>> -> memref<10000x128xf32, #tpu.memory_space<hbm>>
          tpu.enqueue_indirect_dma source(%dma_start3A_107 : memref<10000x128xf32, #tpu.memory_space<hbm>>) target(%arg12 : memref<128x128xf32, #tpu.memory_space<vmem>>) offsets(%dma_start3A_104 : memref<128xi32, #tpu.memory_space<vmem>>) semaphore(%arg15 : memref<!tpu.dma_semaphore, #tpu.memory_space<semaphore_mem>>)
        } else {
        }
      }
      %scan3A_48 = arith.constant 20 : i32
      "tpu.region"() ({
        %run_scoped3A = tpu.sem_alloc : memref<!tpu.dma_semaphore, #tpu.memory_space<semaphore_mem>>
        %dma_start3A_68 = arith.constant 80 : i32
        %dma_start3A_69 = arith.constant 0 : i32
        %dma_start3A_70 = tpu.memref_slice %arg3[%arg1, %dma_start3A_68, %dma_start3A_69] : memref<16x120x128xi32, #tpu.memory_space<hbm>> -> memref<1x40x128xi32, #tpu.memory_space<hbm>>
        %dma_start3A_71 = tpu.memref_squeeze %dma_start3A_70 : memref<1x40x128xi32, #tpu.memory_space<hbm>> -> memref<40x128xi32, #tpu.memory_space<hbm>>
        %dma_start3A_72 = arith.constant 80 : i32
        %dma_start3A_73 = arith.constant 0 : i32
        %dma_start3A_74 = tpu.memref_slice %arg3[%arg1, %dma_start3A_72, %dma_start3A_73] : memref<16x120x128xi32, #tpu.memory_space<hbm>> -> memref<1x40x128xi32, #tpu.memory_space<hbm>>
        %dma_start3A_75 = tpu.memref_squeeze %dma_start3A_74 : memref<1x40x128xi32, #tpu.memory_space<hbm>> -> memref<40x128xi32, #tpu.memory_space<hbm>>
        tpu.enqueue_dma source(%dma_start3A_75 : memref<40x128xi32, #tpu.memory_space<hbm>>) target(%arg9 : memref<40x128xi32, #tpu.memory_space<vmem>>) target_semaphore(%run_scoped3A : memref<!tpu.dma_semaphore, #tpu.memory_space<semaphore_mem>>)
        %dma_wait3A = arith.constant 80 : i32
        %dma_wait3A_76 = arith.constant 0 : i32
        %dma_wait3A_77 = tpu.memref_slice %arg3[%arg1, %dma_wait3A, %dma_wait3A_76] : memref<16x120x128xi32, #tpu.memory_space<hbm>> -> memref<1x40x128xi32, #tpu.memory_space<hbm>>
        %dma_wait3A_78 = tpu.memref_squeeze %dma_wait3A_77 : memref<1x40x128xi32, #tpu.memory_space<hbm>> -> memref<40x128xi32, #tpu.memory_space<hbm>>
        %dma_wait3A_79 = arith.constant 80 : i32
        %dma_wait3A_80 = arith.constant 0 : i32
        %dma_wait3A_81 = tpu.memref_slice %arg3[%arg1, %dma_wait3A_79, %dma_wait3A_80] : memref<16x120x128xi32, #tpu.memory_space<hbm>> -> memref<1x40x128xi32, #tpu.memory_space<hbm>>
        %dma_wait3A_82 = tpu.memref_squeeze %dma_wait3A_81 : memref<1x40x128xi32, #tpu.memory_space<hbm>> -> memref<40x128xi32, #tpu.memory_space<hbm>>
        tpu.wait_dma2 semaphore(%run_scoped3A : memref<!tpu.dma_semaphore, #tpu.memory_space<semaphore_mem>>) src(%dma_wait3A_82 : memref<40x128xi32, #tpu.memory_space<hbm>>) dst(%arg9 : memref<40x128xi32, #tpu.memory_space<vmem>>)
        tpu.yield
      }) : () -> ()
      "tpu.region"() ({
        %run_scoped3A = tpu.sem_alloc : memref<!tpu.dma_semaphore, #tpu.memory_space<semaphore_mem>>
        %dma_start3A_68 = arith.constant 80 : i32
        %dma_start3A_69 = arith.constant 0 : i32
        %dma_start3A_70 = tpu.memref_slice %arg4[%arg1, %dma_start3A_68, %dma_start3A_69] : memref<16x120x128xi32, #tpu.memory_space<hbm>> -> memref<1x40x128xi32, #tpu.memory_space<hbm>>
        %dma_start3A_71 = tpu.memref_squeeze %dma_start3A_70 : memref<1x40x128xi32, #tpu.memory_space<hbm>> -> memref<40x128xi32, #tpu.memory_space<hbm>>
        %dma_start3A_72 = arith.constant 80 : i32
        %dma_start3A_73 = arith.constant 0 : i32
        %dma_start3A_74 = tpu.memref_slice %arg4[%arg1, %dma_start3A_72, %dma_start3A_73] : memref<16x120x128xi32, #tpu.memory_space<hbm>> -> memref<1x40x128xi32, #tpu.memory_space<hbm>>
        %dma_start3A_75 = tpu.memref_squeeze %dma_start3A_74 : memref<1x40x128xi32, #tpu.memory_space<hbm>> -> memref<40x128xi32, #tpu.memory_space<hbm>>
        tpu.enqueue_dma source(%dma_start3A_75 : memref<40x128xi32, #tpu.memory_space<hbm>>) target(%arg10 : memref<40x128xi32, #tpu.memory_space<vmem>>) target_semaphore(%run_scoped3A : memref<!tpu.dma_semaphore, #tpu.memory_space<semaphore_mem>>)
        %dma_wait3A = arith.constant 80 : i32
        %dma_wait3A_76 = arith.constant 0 : i32
        %dma_wait3A_77 = tpu.memref_slice %arg4[%arg1, %dma_wait3A, %dma_wait3A_76] : memref<16x120x128xi32, #tpu.memory_space<hbm>> -> memref<1x40x128xi32, #tpu.memory_space<hbm>>
        %dma_wait3A_78 = tpu.memref_squeeze %dma_wait3A_77 : memref<1x40x128xi32, #tpu.memory_space<hbm>> -> memref<40x128xi32, #tpu.memory_space<hbm>>
        %dma_wait3A_79 = arith.constant 80 : i32
        %dma_wait3A_80 = arith.constant 0 : i32
        %dma_wait3A_81 = tpu.memref_slice %arg4[%arg1, %dma_wait3A_79, %dma_wait3A_80] : memref<16x120x128xi32, #tpu.memory_space<hbm>> -> memref<1x40x128xi32, #tpu.memory_space<hbm>>
        %dma_wait3A_82 = tpu.memref_squeeze %dma_wait3A_81 : memref<1x40x128xi32, #tpu.memory_space<hbm>> -> memref<40x128xi32, #tpu.memory_space<hbm>>
        tpu.wait_dma2 semaphore(%run_scoped3A : memref<!tpu.dma_semaphore, #tpu.memory_space<semaphore_mem>>) src(%dma_wait3A_82 : memref<40x128xi32, #tpu.memory_space<hbm>>) dst(%arg10 : memref<40x128xi32, #tpu.memory_space<vmem>>)
        tpu.yield
      }) : () -> ()
      %dma_start3A_49 = arith.constant 0 : i32
      %dma_start3A_50 = arith.constant 0 : i32
      %dma_start3A_51 = tpu.memref_slice %arg9[%dma_start3A_49, %dma_start3A_50] : memref<40x128xi32, #tpu.memory_space<vmem>> -> memref<1x128xi32, #tpu.memory_space<vmem>>
      %dma_start3A_52 = tpu.memref_squeeze %dma_start3A_51 : memref<1x128xi32, #tpu.memory_space<vmem>> -> memref<128xi32, #tpu.memory_space<vmem>>
      %dma_start3A_53 = arith.constant 0 : i32
      %dma_start3A_54 = arith.constant 0 : i32
      %dma_start3A_55 = tpu.memref_slice %arg2[%dma_start3A_53, %dma_start3A_54] : memref<10000x128xf32, #tpu.memory_space<hbm>> -> memref<10000x128xf32, #tpu.memory_space<hbm>>
      tpu.enqueue_indirect_dma source(%dma_start3A_55 : memref<10000x128xf32, #tpu.memory_space<hbm>>) target(%arg11 : memref<128x128xf32, #tpu.memory_space<vmem>>) offsets(%dma_start3A_52 : memref<128xi32, #tpu.memory_space<vmem>>) semaphore(%arg14 : memref<!tpu.dma_semaphore, #tpu.memory_space<semaphore_mem>>)
      %dma_start3A_56 = arith.constant 1 : i32
      %dma_start3A_57 = arith.constant 0 : i32
      %dma_start3A_58 = tpu.memref_slice %arg9[%dma_start3A_56, %dma_start3A_57] : memref<40x128xi32, #tpu.memory_space<vmem>> -> memref<1x128xi32, #tpu.memory_space<vmem>>
      %dma_start3A_59 = tpu.memref_squeeze %dma_start3A_58 : memref<1x128xi32, #tpu.memory_space<vmem>> -> memref<128xi32, #tpu.memory_space<vmem>>
      %dma_start3A_60 = arith.constant 0 : i32
      %dma_start3A_61 = arith.constant 0 : i32
      %dma_start3A_62 = tpu.memref_slice %arg2[%dma_start3A_60, %dma_start3A_61] : memref<10000x128xf32, #tpu.memory_space<hbm>> -> memref<10000x128xf32, #tpu.memory_space<hbm>>
      tpu.enqueue_indirect_dma source(%dma_start3A_62 : memref<10000x128xf32, #tpu.memory_space<hbm>>) target(%arg12 : memref<128x128xf32, #tpu.memory_space<vmem>>) offsets(%dma_start3A_59 : memref<128xi32, #tpu.memory_space<vmem>>) semaphore(%arg15 : memref<!tpu.dma_semaphore, #tpu.memory_space<semaphore_mem>>)
      %scan3A_63 = arith.constant 0 : i32
      %scan3A_64 = arith.constant 20 : i32
      %scan3A_65 = arith.addi %scan3A_63, %scan3A_64 : i32
      %scan3A_66 = arith.constant 1 : i32
      scf.for %scan3A_68 = %scan3A_63 to %scan3A_65 step %scan3A_66  : i32 {
        %mul3A_69 = arith.constant 2 : i32
        %mul3A_70 = arith.muli %scan3A_68, %mul3A_69 : i32
        %add3A = arith.constant 0 : i32
        %add3A_71 = arith.addi %add3A, %mul3A_70 : i32
        %dma_wait3A = arith.constant 0 : i32
        %dma_wait3A_72 = tpu.memref_slice %arg9[%add3A_71, %dma_wait3A] : memref<40x128xi32, #tpu.memory_space<vmem>> -> memref<1x128xi32, #tpu.memory_space<vmem>>
        %dma_wait3A_73 = tpu.memref_squeeze %dma_wait3A_72 : memref<1x128xi32, #tpu.memory_space<vmem>> -> memref<128xi32, #tpu.memory_space<vmem>>
        %dma_wait3A_74 = arith.constant 0 : i32
        %dma_wait3A_75 = arith.constant 0 : i32
        %dma_wait3A_76 = tpu.memref_slice %arg2[%dma_wait3A_74, %dma_wait3A_75] : memref<10000x128xf32, #tpu.memory_space<hbm>> -> memref<10000x128xf32, #tpu.memory_space<hbm>>
        tpu.wait_indirect_dma semaphore(%arg14 : memref<!tpu.dma_semaphore, #tpu.memory_space<semaphore_mem>>) src(%dma_wait3A_76 : memref<10000x128xf32, #tpu.memory_space<hbm>>) dst(%arg11 : memref<128x128xf32, #tpu.memory_space<vmem>>)
        "tpu.region"() ({
          %run_scoped3A = tpu.sem_alloc : memref<!tpu.dma_semaphore, #tpu.memory_space<semaphore_mem>>
          %dma_start3A_100 = arith.constant 0 : i32
          %dma_start3A_101 = tpu.memref_slice %arg10[%add3A_71, %dma_start3A_100] : memref<40x128xi32, #tpu.memory_space<vmem>> -> memref<1x128xi32, #tpu.memory_space<vmem>>
          %dma_start3A_102 = tpu.memref_squeeze %dma_start3A_101 : memref<1x128xi32, #tpu.memory_space<vmem>> -> memref<128xi32, #tpu.memory_space<vmem>>
          %dma_start3A_103 = arith.constant 0 : i32
          %dma_start3A_104 = arith.constant 0 : i32
          %dma_start3A_105 = tpu.memref_slice %arg13[%dma_start3A_103, %dma_start3A_104] : memref<10112x128xf32, #tpu.memory_space<vmem_shared>> -> memref<10112x128xf32, #tpu.memory_space<vmem_shared>>
          tpu.enqueue_indirect_dma source(%arg11 : memref<128x128xf32, #tpu.memory_space<vmem>>) target(%dma_start3A_105 : memref<10112x128xf32, #tpu.memory_space<vmem_shared>>) offsets(%dma_start3A_102 : memref<128xi32, #tpu.memory_space<vmem>>) semaphore(%run_scoped3A : memref<!tpu.dma_semaphore, #tpu.memory_space<semaphore_mem>>) {add = true}
          %dma_wait3A_106 = arith.constant 0 : i32
          %dma_wait3A_107 = tpu.memref_slice %arg10[%add3A_71, %dma_wait3A_106] : memref<40x128xi32, #tpu.memory_space<vmem>> -> memref<1x128xi32, #tpu.memory_space<vmem>>
          %dma_wait3A_108 = tpu.memref_squeeze %dma_wait3A_107 : memref<1x128xi32, #tpu.memory_space<vmem>> -> memref<128xi32, #tpu.memory_space<vmem>>
          %dma_wait3A_109 = arith.constant 0 : i32
          %dma_wait3A_110 = arith.constant 0 : i32
          %dma_wait3A_111 = tpu.memref_slice %arg13[%dma_wait3A_109, %dma_wait3A_110] : memref<10112x128xf32, #tpu.memory_space<vmem_shared>> -> memref<10112x128xf32, #tpu.memory_space<vmem_shared>>
          tpu.wait_indirect_dma semaphore(%run_scoped3A : memref<!tpu.dma_semaphore, #tpu.memory_space<semaphore_mem>>) src(%arg11 : memref<128x128xf32, #tpu.memory_space<vmem>>) dst(%dma_wait3A_111 : memref<10112x128xf32, #tpu.memory_space<vmem_shared>>)
          tpu.yield
        }) : () -> ()
        %add3A_77 = arith.constant 2 : i32
        %add3A_78 = arith.addi %add3A_71, %add3A_77 : i32
        %lt3A = arith.constant 40 : i32
        %lt3A_79 = arith.cmpi slt, %add3A_78, %lt3A : i32
        %convert_element_type3A_80 = arith.extui %lt3A_79 : i1 to i32
        %cond3A_81 = arith.constant 0 : i32
        %cond3A_82 = arith.cmpi ne, %convert_element_type3A_80, %cond3A_81 : i32
        scf.if %cond3A_82 {
          %add3A_100 = arith.constant 2 : i32
          %add3A_101 = arith.addi %add3A_71, %add3A_100 : i32
          %dma_start3A_102 = arith.constant 0 : i32
          %dma_start3A_103 = tpu.memref_slice %arg9[%add3A_101, %dma_start3A_102] : memref<40x128xi32, #tpu.memory_space<vmem>> -> memref<1x128xi32, #tpu.memory_space<vmem>>
          %dma_start3A_104 = tpu.memref_squeeze %dma_start3A_103 : memref<1x128xi32, #tpu.memory_space<vmem>> -> memref<128xi32, #tpu.memory_space<vmem>>
          %dma_start3A_105 = arith.constant 0 : i32
          %dma_start3A_106 = arith.constant 0 : i32
          %dma_start3A_107 = tpu.memref_slice %arg2[%dma_start3A_105, %dma_start3A_106] : memref<10000x128xf32, #tpu.memory_space<hbm>> -> memref<10000x128xf32, #tpu.memory_space<hbm>>
          tpu.enqueue_indirect_dma source(%dma_start3A_107 : memref<10000x128xf32, #tpu.memory_space<hbm>>) target(%arg11 : memref<128x128xf32, #tpu.memory_space<vmem>>) offsets(%dma_start3A_104 : memref<128xi32, #tpu.memory_space<vmem>>) semaphore(%arg14 : memref<!tpu.dma_semaphore, #tpu.memory_space<semaphore_mem>>)
        } else {
        }
        %add3A_83 = arith.constant 1 : i32
        %add3A_84 = arith.addi %add3A_71, %add3A_83 : i32
        %dma_wait3A_85 = arith.constant 0 : i32
        %dma_wait3A_86 = tpu.memref_slice %arg9[%add3A_84, %dma_wait3A_85] : memref<40x128xi32, #tpu.memory_space<vmem>> -> memref<1x128xi32, #tpu.memory_space<vmem>>
        %dma_wait3A_87 = tpu.memref_squeeze %dma_wait3A_86 : memref<1x128xi32, #tpu.memory_space<vmem>> -> memref<128xi32, #tpu.memory_space<vmem>>
        %dma_wait3A_88 = arith.constant 0 : i32
        %dma_wait3A_89 = arith.constant 0 : i32
        %dma_wait3A_90 = tpu.memref_slice %arg2[%dma_wait3A_88, %dma_wait3A_89] : memref<10000x128xf32, #tpu.memory_space<hbm>> -> memref<10000x128xf32, #tpu.memory_space<hbm>>
        tpu.wait_indirect_dma semaphore(%arg15 : memref<!tpu.dma_semaphore, #tpu.memory_space<semaphore_mem>>) src(%dma_wait3A_90 : memref<10000x128xf32, #tpu.memory_space<hbm>>) dst(%arg12 : memref<128x128xf32, #tpu.memory_space<vmem>>)
        %add3A_91 = arith.constant 1 : i32
        %add3A_92 = arith.addi %add3A_71, %add3A_91 : i32
        "tpu.region"() ({
          %run_scoped3A = tpu.sem_alloc : memref<!tpu.dma_semaphore, #tpu.memory_space<semaphore_mem>>
          %dma_start3A_100 = arith.constant 0 : i32
          %dma_start3A_101 = tpu.memref_slice %arg10[%add3A_92, %dma_start3A_100] : memref<40x128xi32, #tpu.memory_space<vmem>> -> memref<1x128xi32, #tpu.memory_space<vmem>>
          %dma_start3A_102 = tpu.memref_squeeze %dma_start3A_101 : memref<1x128xi32, #tpu.memory_space<vmem>> -> memref<128xi32, #tpu.memory_space<vmem>>
          %dma_start3A_103 = arith.constant 0 : i32
          %dma_start3A_104 = arith.constant 0 : i32
          %dma_start3A_105 = tpu.memref_slice %arg13[%dma_start3A_103, %dma_start3A_104] : memref<10112x128xf32, #tpu.memory_space<vmem_shared>> -> memref<10112x128xf32, #tpu.memory_space<vmem_shared>>
          tpu.enqueue_indirect_dma source(%arg12 : memref<128x128xf32, #tpu.memory_space<vmem>>) target(%dma_start3A_105 : memref<10112x128xf32, #tpu.memory_space<vmem_shared>>) offsets(%dma_start3A_102 : memref<128xi32, #tpu.memory_space<vmem>>) semaphore(%run_scoped3A : memref<!tpu.dma_semaphore, #tpu.memory_space<semaphore_mem>>) {add = true}
          %dma_wait3A_106 = arith.constant 0 : i32
          %dma_wait3A_107 = tpu.memref_slice %arg10[%add3A_92, %dma_wait3A_106] : memref<40x128xi32, #tpu.memory_space<vmem>> -> memref<1x128xi32, #tpu.memory_space<vmem>>
          %dma_wait3A_108 = tpu.memref_squeeze %dma_wait3A_107 : memref<1x128xi32, #tpu.memory_space<vmem>> -> memref<128xi32, #tpu.memory_space<vmem>>
          %dma_wait3A_109 = arith.constant 0 : i32
          %dma_wait3A_110 = arith.constant 0 : i32
          %dma_wait3A_111 = tpu.memref_slice %arg13[%dma_wait3A_109, %dma_wait3A_110] : memref<10112x128xf32, #tpu.memory_space<vmem_shared>> -> memref<10112x128xf32, #tpu.memory_space<vmem_shared>>
          tpu.wait_indirect_dma semaphore(%run_scoped3A : memref<!tpu.dma_semaphore, #tpu.memory_space<semaphore_mem>>) src(%arg12 : memref<128x128xf32, #tpu.memory_space<vmem>>) dst(%dma_wait3A_111 : memref<10112x128xf32, #tpu.memory_space<vmem_shared>>)
          tpu.yield
        }) : () -> ()
        %add3A_93 = arith.constant 3 : i32
        %add3A_94 = arith.addi %add3A_71, %add3A_93 : i32
        %lt3A_95 = arith.constant 40 : i32
        %lt3A_96 = arith.cmpi slt, %add3A_94, %lt3A_95 : i32
        %convert_element_type3A_97 = arith.extui %lt3A_96 : i1 to i32
        %cond3A_98 = arith.constant 0 : i32
        %cond3A_99 = arith.cmpi ne, %convert_element_type3A_97, %cond3A_98 : i32
        scf.if %cond3A_99 {
          %add3A_100 = arith.constant 3 : i32
          %add3A_101 = arith.addi %add3A_71, %add3A_100 : i32
          %dma_start3A_102 = arith.constant 0 : i32
          %dma_start3A_103 = tpu.memref_slice %arg9[%add3A_101, %dma_start3A_102] : memref<40x128xi32, #tpu.memory_space<vmem>> -> memref<1x128xi32, #tpu.memory_space<vmem>>
          %dma_start3A_104 = tpu.memref_squeeze %dma_start3A_103 : memref<1x128xi32, #tpu.memory_space<vmem>> -> memref<128xi32, #tpu.memory_space<vmem>>
          %dma_start3A_105 = arith.constant 0 : i32
          %dma_start3A_106 = arith.constant 0 : i32
          %dma_start3A_107 = tpu.memref_slice %arg2[%dma_start3A_105, %dma_start3A_106] : memref<10000x128xf32, #tpu.memory_space<hbm>> -> memref<10000x128xf32, #tpu.memory_space<hbm>>
          tpu.enqueue_indirect_dma source(%dma_start3A_107 : memref<10000x128xf32, #tpu.memory_space<hbm>>) target(%arg12 : memref<128x128xf32, #tpu.memory_space<vmem>>) offsets(%dma_start3A_104 : memref<128xi32, #tpu.memory_space<vmem>>) semaphore(%arg15 : memref<!tpu.dma_semaphore, #tpu.memory_space<semaphore_mem>>)
        } else {
        }
      }
      %scan3A_67 = arith.constant 20 : i32
    } else {
    }
    %eq3A_3 = arith.constant 1 : i32
    %eq3A_4 = arith.cmpi eq, %arg0, %eq3A_3 : i32
    %convert_element_type3A_5 = arith.extui %eq3A_4 : i1 to i32
    %cond3A_6 = arith.constant 0 : i32
    %cond3A_7 = arith.cmpi ne, %convert_element_type3A_5, %cond3A_6 : i32
    scf.if %cond3A_7 {
      "tpu.region"() ({
        %run_scoped3A = tpu.sem_alloc : memref<!tpu.dma_semaphore, #tpu.memory_space<semaphore_mem>>
        %dma_start3A_30 = arith.constant 0 : i32
        %dma_start3A_31 = arith.constant 0 : i32
        %dma_start3A_32 = tpu.memref_slice %arg5[%arg1, %dma_start3A_30, %dma_start3A_31] : memref<16x40x128xi32, #tpu.memory_space<hbm>> -> memref<1x40x128xi32, #tpu.memory_space<hbm>>
        %dma_start3A_33 = tpu.memref_squeeze %dma_start3A_32 : memref<1x40x128xi32, #tpu.memory_space<hbm>> -> memref<40x128xi32, #tpu.memory_space<hbm>>
        %dma_start3A_34 = arith.constant 0 : i32
        %dma_start3A_35 = arith.constant 0 : i32
        %dma_start3A_36 = tpu.memref_slice %arg5[%arg1, %dma_start3A_34, %dma_start3A_35] : memref<16x40x128xi32, #tpu.memory_space<hbm>> -> memref<1x40x128xi32, #tpu.memory_space<hbm>>
        %dma_start3A_37 = tpu.memref_squeeze %dma_start3A_36 : memref<1x40x128xi32, #tpu.memory_space<hbm>> -> memref<40x128xi32, #tpu.memory_space<hbm>>
        tpu.enqueue_dma source(%dma_start3A_37 : memref<40x128xi32, #tpu.memory_space<hbm>>) target(%arg9 : memref<40x128xi32, #tpu.memory_space<vmem>>) target_semaphore(%run_scoped3A : memref<!tpu.dma_semaphore, #tpu.memory_space<semaphore_mem>>)
        %dma_wait3A = arith.constant 0 : i32
        %dma_wait3A_38 = arith.constant 0 : i32
        %dma_wait3A_39 = tpu.memref_slice %arg5[%arg1, %dma_wait3A, %dma_wait3A_38] : memref<16x40x128xi32, #tpu.memory_space<hbm>> -> memref<1x40x128xi32, #tpu.memory_space<hbm>>
        %dma_wait3A_40 = tpu.memref_squeeze %dma_wait3A_39 : memref<1x40x128xi32, #tpu.memory_space<hbm>> -> memref<40x128xi32, #tpu.memory_space<hbm>>
        %dma_wait3A_41 = arith.constant 0 : i32
        %dma_wait3A_42 = arith.constant 0 : i32
        %dma_wait3A_43 = tpu.memref_slice %arg5[%arg1, %dma_wait3A_41, %dma_wait3A_42] : memref<16x40x128xi32, #tpu.memory_space<hbm>> -> memref<1x40x128xi32, #tpu.memory_space<hbm>>
        %dma_wait3A_44 = tpu.memref_squeeze %dma_wait3A_43 : memref<1x40x128xi32, #tpu.memory_space<hbm>> -> memref<40x128xi32, #tpu.memory_space<hbm>>
        tpu.wait_dma2 semaphore(%run_scoped3A : memref<!tpu.dma_semaphore, #tpu.memory_space<semaphore_mem>>) src(%dma_wait3A_44 : memref<40x128xi32, #tpu.memory_space<hbm>>) dst(%arg9 : memref<40x128xi32, #tpu.memory_space<vmem>>)
        tpu.yield
      }) : () -> ()
      "tpu.region"() ({
        %run_scoped3A = tpu.sem_alloc : memref<!tpu.dma_semaphore, #tpu.memory_space<semaphore_mem>>
        %dma_start3A_30 = arith.constant 0 : i32
        %dma_start3A_31 = arith.constant 0 : i32
        %dma_start3A_32 = tpu.memref_slice %arg6[%arg1, %dma_start3A_30, %dma_start3A_31] : memref<16x40x128xi32, #tpu.memory_space<hbm>> -> memref<1x40x128xi32, #tpu.memory_space<hbm>>
        %dma_start3A_33 = tpu.memref_squeeze %dma_start3A_32 : memref<1x40x128xi32, #tpu.memory_space<hbm>> -> memref<40x128xi32, #tpu.memory_space<hbm>>
        %dma_start3A_34 = arith.constant 0 : i32
        %dma_start3A_35 = arith.constant 0 : i32
        %dma_start3A_36 = tpu.memref_slice %arg6[%arg1, %dma_start3A_34, %dma_start3A_35] : memref<16x40x128xi32, #tpu.memory_space<hbm>> -> memref<1x40x128xi32, #tpu.memory_space<hbm>>
        %dma_start3A_37 = tpu.memref_squeeze %dma_start3A_36 : memref<1x40x128xi32, #tpu.memory_space<hbm>> -> memref<40x128xi32, #tpu.memory_space<hbm>>
        tpu.enqueue_dma source(%dma_start3A_37 : memref<40x128xi32, #tpu.memory_space<hbm>>) target(%arg10 : memref<40x128xi32, #tpu.memory_space<vmem>>) target_semaphore(%run_scoped3A : memref<!tpu.dma_semaphore, #tpu.memory_space<semaphore_mem>>)
        %dma_wait3A = arith.constant 0 : i32
        %dma_wait3A_38 = arith.constant 0 : i32
        %dma_wait3A_39 = tpu.memref_slice %arg6[%arg1, %dma_wait3A, %dma_wait3A_38] : memref<16x40x128xi32, #tpu.memory_space<hbm>> -> memref<1x40x128xi32, #tpu.memory_space<hbm>>
        %dma_wait3A_40 = tpu.memref_squeeze %dma_wait3A_39 : memref<1x40x128xi32, #tpu.memory_space<hbm>> -> memref<40x128xi32, #tpu.memory_space<hbm>>
        %dma_wait3A_41 = arith.constant 0 : i32
        %dma_wait3A_42 = arith.constant 0 : i32
        %dma_wait3A_43 = tpu.memref_slice %arg6[%arg1, %dma_wait3A_41, %dma_wait3A_42] : memref<16x40x128xi32, #tpu.memory_space<hbm>> -> memref<1x40x128xi32, #tpu.memory_space<hbm>>
        %dma_wait3A_44 = tpu.memref_squeeze %dma_wait3A_43 : memref<1x40x128xi32, #tpu.memory_space<hbm>> -> memref<40x128xi32, #tpu.memory_space<hbm>>
        tpu.wait_dma2 semaphore(%run_scoped3A : memref<!tpu.dma_semaphore, #tpu.memory_space<semaphore_mem>>) src(%dma_wait3A_44 : memref<40x128xi32, #tpu.memory_space<hbm>>) dst(%arg10 : memref<40x128xi32, #tpu.memory_space<vmem>>)
        tpu.yield
      }) : () -> ()
      %dma_start3A = arith.constant 0 : i32
      %dma_start3A_13 = arith.constant 0 : i32
      %dma_start3A_14 = tpu.memref_slice %arg9[%dma_start3A, %dma_start3A_13] : memref<40x128xi32, #tpu.memory_space<vmem>> -> memref<1x128xi32, #tpu.memory_space<vmem>>
      %dma_start3A_15 = tpu.memref_squeeze %dma_start3A_14 : memref<1x128xi32, #tpu.memory_space<vmem>> -> memref<128xi32, #tpu.memory_space<vmem>>
      %dma_start3A_16 = arith.constant 0 : i32
      %dma_start3A_17 = arith.constant 0 : i32
      %dma_start3A_18 = tpu.memref_slice %arg2[%dma_start3A_16, %dma_start3A_17] : memref<10000x128xf32, #tpu.memory_space<hbm>> -> memref<10000x128xf32, #tpu.memory_space<hbm>>
      tpu.enqueue_indirect_dma source(%dma_start3A_18 : memref<10000x128xf32, #tpu.memory_space<hbm>>) target(%arg11 : memref<128x128xf32, #tpu.memory_space<vmem>>) offsets(%dma_start3A_15 : memref<128xi32, #tpu.memory_space<vmem>>) semaphore(%arg14 : memref<!tpu.dma_semaphore, #tpu.memory_space<semaphore_mem>>)
      %dma_start3A_19 = arith.constant 1 : i32
      %dma_start3A_20 = arith.constant 0 : i32
      %dma_start3A_21 = tpu.memref_slice %arg9[%dma_start3A_19, %dma_start3A_20] : memref<40x128xi32, #tpu.memory_space<vmem>> -> memref<1x128xi32, #tpu.memory_space<vmem>>
      %dma_start3A_22 = tpu.memref_squeeze %dma_start3A_21 : memref<1x128xi32, #tpu.memory_space<vmem>> -> memref<128xi32, #tpu.memory_space<vmem>>
      %dma_start3A_23 = arith.constant 0 : i32
      %dma_start3A_24 = arith.constant 0 : i32
      %dma_start3A_25 = tpu.memref_slice %arg2[%dma_start3A_23, %dma_start3A_24] : memref<10000x128xf32, #tpu.memory_space<hbm>> -> memref<10000x128xf32, #tpu.memory_space<hbm>>
      tpu.enqueue_indirect_dma source(%dma_start3A_25 : memref<10000x128xf32, #tpu.memory_space<hbm>>) target(%arg12 : memref<128x128xf32, #tpu.memory_space<vmem>>) offsets(%dma_start3A_22 : memref<128xi32, #tpu.memory_space<vmem>>) semaphore(%arg15 : memref<!tpu.dma_semaphore, #tpu.memory_space<semaphore_mem>>)
      %scan3A = arith.constant 0 : i32
      %scan3A_26 = arith.constant 20 : i32
      %scan3A_27 = arith.addi %scan3A, %scan3A_26 : i32
      %scan3A_28 = arith.constant 1 : i32
      scf.for %scan3A_30 = %scan3A to %scan3A_27 step %scan3A_28  : i32 {
        %mul3A_31 = arith.constant 2 : i32
        %mul3A_32 = arith.muli %scan3A_30, %mul3A_31 : i32
        %add3A = arith.constant 0 : i32
        %add3A_33 = arith.addi %add3A, %mul3A_32 : i32
        %dma_wait3A = arith.constant 0 : i32
        %dma_wait3A_34 = tpu.memref_slice %arg9[%add3A_33, %dma_wait3A] : memref<40x128xi32, #tpu.memory_space<vmem>> -> memref<1x128xi32, #tpu.memory_space<vmem>>
        %dma_wait3A_35 = tpu.memref_squeeze %dma_wait3A_34 : memref<1x128xi32, #tpu.memory_space<vmem>> -> memref<128xi32, #tpu.memory_space<vmem>>
        %dma_wait3A_36 = arith.constant 0 : i32
        %dma_wait3A_37 = arith.constant 0 : i32
        %dma_wait3A_38 = tpu.memref_slice %arg2[%dma_wait3A_36, %dma_wait3A_37] : memref<10000x128xf32, #tpu.memory_space<hbm>> -> memref<10000x128xf32, #tpu.memory_space<hbm>>
        tpu.wait_indirect_dma semaphore(%arg14 : memref<!tpu.dma_semaphore, #tpu.memory_space<semaphore_mem>>) src(%dma_wait3A_38 : memref<10000x128xf32, #tpu.memory_space<hbm>>) dst(%arg11 : memref<128x128xf32, #tpu.memory_space<vmem>>)
        "tpu.region"() ({
          %run_scoped3A = tpu.sem_alloc : memref<!tpu.dma_semaphore, #tpu.memory_space<semaphore_mem>>
          %dma_start3A_62 = arith.constant 0 : i32
          %dma_start3A_63 = tpu.memref_slice %arg10[%add3A_33, %dma_start3A_62] : memref<40x128xi32, #tpu.memory_space<vmem>> -> memref<1x128xi32, #tpu.memory_space<vmem>>
          %dma_start3A_64 = tpu.memref_squeeze %dma_start3A_63 : memref<1x128xi32, #tpu.memory_space<vmem>> -> memref<128xi32, #tpu.memory_space<vmem>>
          %dma_start3A_65 = arith.constant 0 : i32
          %dma_start3A_66 = arith.constant 0 : i32
          %dma_start3A_67 = tpu.memref_slice %arg13[%dma_start3A_65, %dma_start3A_66] : memref<10112x128xf32, #tpu.memory_space<vmem_shared>> -> memref<10112x128xf32, #tpu.memory_space<vmem_shared>>
          tpu.enqueue_indirect_dma source(%arg11 : memref<128x128xf32, #tpu.memory_space<vmem>>) target(%dma_start3A_67 : memref<10112x128xf32, #tpu.memory_space<vmem_shared>>) offsets(%dma_start3A_64 : memref<128xi32, #tpu.memory_space<vmem>>) semaphore(%run_scoped3A : memref<!tpu.dma_semaphore, #tpu.memory_space<semaphore_mem>>) {add = true}
          %dma_wait3A_68 = arith.constant 0 : i32
          %dma_wait3A_69 = tpu.memref_slice %arg10[%add3A_33, %dma_wait3A_68] : memref<40x128xi32, #tpu.memory_space<vmem>> -> memref<1x128xi32, #tpu.memory_space<vmem>>
          %dma_wait3A_70 = tpu.memref_squeeze %dma_wait3A_69 : memref<1x128xi32, #tpu.memory_space<vmem>> -> memref<128xi32, #tpu.memory_space<vmem>>
          %dma_wait3A_71 = arith.constant 0 : i32
          %dma_wait3A_72 = arith.constant 0 : i32
          %dma_wait3A_73 = tpu.memref_slice %arg13[%dma_wait3A_71, %dma_wait3A_72] : memref<10112x128xf32, #tpu.memory_space<vmem_shared>> -> memref<10112x128xf32, #tpu.memory_space<vmem_shared>>
          tpu.wait_indirect_dma semaphore(%run_scoped3A : memref<!tpu.dma_semaphore, #tpu.memory_space<semaphore_mem>>) src(%arg11 : memref<128x128xf32, #tpu.memory_space<vmem>>) dst(%dma_wait3A_73 : memref<10112x128xf32, #tpu.memory_space<vmem_shared>>)
          tpu.yield
        }) : () -> ()
        %add3A_39 = arith.constant 2 : i32
        %add3A_40 = arith.addi %add3A_33, %add3A_39 : i32
        %lt3A = arith.constant 40 : i32
        %lt3A_41 = arith.cmpi slt, %add3A_40, %lt3A : i32
        %convert_element_type3A_42 = arith.extui %lt3A_41 : i1 to i32
        %cond3A_43 = arith.constant 0 : i32
        %cond3A_44 = arith.cmpi ne, %convert_element_type3A_42, %cond3A_43 : i32
        scf.if %cond3A_44 {
          %add3A_62 = arith.constant 2 : i32
          %add3A_63 = arith.addi %add3A_33, %add3A_62 : i32
          %dma_start3A_64 = arith.constant 0 : i32
          %dma_start3A_65 = tpu.memref_slice %arg9[%add3A_63, %dma_start3A_64] : memref<40x128xi32, #tpu.memory_space<vmem>> -> memref<1x128xi32, #tpu.memory_space<vmem>>
          %dma_start3A_66 = tpu.memref_squeeze %dma_start3A_65 : memref<1x128xi32, #tpu.memory_space<vmem>> -> memref<128xi32, #tpu.memory_space<vmem>>
          %dma_start3A_67 = arith.constant 0 : i32
          %dma_start3A_68 = arith.constant 0 : i32
          %dma_start3A_69 = tpu.memref_slice %arg2[%dma_start3A_67, %dma_start3A_68] : memref<10000x128xf32, #tpu.memory_space<hbm>> -> memref<10000x128xf32, #tpu.memory_space<hbm>>
          tpu.enqueue_indirect_dma source(%dma_start3A_69 : memref<10000x128xf32, #tpu.memory_space<hbm>>) target(%arg11 : memref<128x128xf32, #tpu.memory_space<vmem>>) offsets(%dma_start3A_66 : memref<128xi32, #tpu.memory_space<vmem>>) semaphore(%arg14 : memref<!tpu.dma_semaphore, #tpu.memory_space<semaphore_mem>>)
        } else {
        }
        %add3A_45 = arith.constant 1 : i32
        %add3A_46 = arith.addi %add3A_33, %add3A_45 : i32
        %dma_wait3A_47 = arith.constant 0 : i32
        %dma_wait3A_48 = tpu.memref_slice %arg9[%add3A_46, %dma_wait3A_47] : memref<40x128xi32, #tpu.memory_space<vmem>> -> memref<1x128xi32, #tpu.memory_space<vmem>>
        %dma_wait3A_49 = tpu.memref_squeeze %dma_wait3A_48 : memref<1x128xi32, #tpu.memory_space<vmem>> -> memref<128xi32, #tpu.memory_space<vmem>>
        %dma_wait3A_50 = arith.constant 0 : i32
        %dma_wait3A_51 = arith.constant 0 : i32
        %dma_wait3A_52 = tpu.memref_slice %arg2[%dma_wait3A_50, %dma_wait3A_51] : memref<10000x128xf32, #tpu.memory_space<hbm>> -> memref<10000x128xf32, #tpu.memory_space<hbm>>
        tpu.wait_indirect_dma semaphore(%arg15 : memref<!tpu.dma_semaphore, #tpu.memory_space<semaphore_mem>>) src(%dma_wait3A_52 : memref<10000x128xf32, #tpu.memory_space<hbm>>) dst(%arg12 : memref<128x128xf32, #tpu.memory_space<vmem>>)
        %add3A_53 = arith.constant 1 : i32
        %add3A_54 = arith.addi %add3A_33, %add3A_53 : i32
        "tpu.region"() ({
          %run_scoped3A = tpu.sem_alloc : memref<!tpu.dma_semaphore, #tpu.memory_space<semaphore_mem>>
          %dma_start3A_62 = arith.constant 0 : i32
          %dma_start3A_63 = tpu.memref_slice %arg10[%add3A_54, %dma_start3A_62] : memref<40x128xi32, #tpu.memory_space<vmem>> -> memref<1x128xi32, #tpu.memory_space<vmem>>
          %dma_start3A_64 = tpu.memref_squeeze %dma_start3A_63 : memref<1x128xi32, #tpu.memory_space<vmem>> -> memref<128xi32, #tpu.memory_space<vmem>>
          %dma_start3A_65 = arith.constant 0 : i32
          %dma_start3A_66 = arith.constant 0 : i32
          %dma_start3A_67 = tpu.memref_slice %arg13[%dma_start3A_65, %dma_start3A_66] : memref<10112x128xf32, #tpu.memory_space<vmem_shared>> -> memref<10112x128xf32, #tpu.memory_space<vmem_shared>>
          tpu.enqueue_indirect_dma source(%arg12 : memref<128x128xf32, #tpu.memory_space<vmem>>) target(%dma_start3A_67 : memref<10112x128xf32, #tpu.memory_space<vmem_shared>>) offsets(%dma_start3A_64 : memref<128xi32, #tpu.memory_space<vmem>>) semaphore(%run_scoped3A : memref<!tpu.dma_semaphore, #tpu.memory_space<semaphore_mem>>) {add = true}
          %dma_wait3A_68 = arith.constant 0 : i32
          %dma_wait3A_69 = tpu.memref_slice %arg10[%add3A_54, %dma_wait3A_68] : memref<40x128xi32, #tpu.memory_space<vmem>> -> memref<1x128xi32, #tpu.memory_space<vmem>>
          %dma_wait3A_70 = tpu.memref_squeeze %dma_wait3A_69 : memref<1x128xi32, #tpu.memory_space<vmem>> -> memref<128xi32, #tpu.memory_space<vmem>>
          %dma_wait3A_71 = arith.constant 0 : i32
          %dma_wait3A_72 = arith.constant 0 : i32
          %dma_wait3A_73 = tpu.memref_slice %arg13[%dma_wait3A_71, %dma_wait3A_72] : memref<10112x128xf32, #tpu.memory_space<vmem_shared>> -> memref<10112x128xf32, #tpu.memory_space<vmem_shared>>
          tpu.wait_indirect_dma semaphore(%run_scoped3A : memref<!tpu.dma_semaphore, #tpu.memory_space<semaphore_mem>>) src(%arg12 : memref<128x128xf32, #tpu.memory_space<vmem>>) dst(%dma_wait3A_73 : memref<10112x128xf32, #tpu.memory_space<vmem_shared>>)
          tpu.yield
        }) : () -> ()
        %add3A_55 = arith.constant 3 : i32
        %add3A_56 = arith.addi %add3A_33, %add3A_55 : i32
        %lt3A_57 = arith.constant 40 : i32
        %lt3A_58 = arith.cmpi slt, %add3A_56, %lt3A_57 : i32
        %convert_element_type3A_59 = arith.extui %lt3A_58 : i1 to i32
        %cond3A_60 = arith.constant 0 : i32
        %cond3A_61 = arith.cmpi ne, %convert_element_type3A_59, %cond3A_60 : i32
        scf.if %cond3A_61 {
          %add3A_62 = arith.constant 3 : i32
          %add3A_63 = arith.addi %add3A_33, %add3A_62 : i32
          %dma_start3A_64 = arith.constant 0 : i32
          %dma_start3A_65 = tpu.memref_slice %arg9[%add3A_63, %dma_start3A_64] : memref<40x128xi32, #tpu.memory_space<vmem>> -> memref<1x128xi32, #tpu.memory_space<vmem>>
          %dma_start3A_66 = tpu.memref_squeeze %dma_start3A_65 : memref<1x128xi32, #tpu.memory_space<vmem>> -> memref<128xi32, #tpu.memory_space<vmem>>
          %dma_start3A_67 = arith.constant 0 : i32
          %dma_start3A_68 = arith.constant 0 : i32
          %dma_start3A_69 = tpu.memref_slice %arg2[%dma_start3A_67, %dma_start3A_68] : memref<10000x128xf32, #tpu.memory_space<hbm>> -> memref<10000x128xf32, #tpu.memory_space<hbm>>
          tpu.enqueue_indirect_dma source(%dma_start3A_69 : memref<10000x128xf32, #tpu.memory_space<hbm>>) target(%arg12 : memref<128x128xf32, #tpu.memory_space<vmem>>) offsets(%dma_start3A_66 : memref<128xi32, #tpu.memory_space<vmem>>) semaphore(%arg15 : memref<!tpu.dma_semaphore, #tpu.memory_space<semaphore_mem>>)
        } else {
        }
      }
      %scan3A_29 = arith.constant 20 : i32
    } else {
    }
    %barrier3A_8 = arith.constant 0 : index
    tpu.barrier barrier_id(%barrier3A_8)
    %mul3A_9 = arith.constant 632 : i32
    %mul3A_10 = arith.muli %arg1, %mul3A_9 : i32
    %mul3A_11 = arith.constant 632 : i32
    %mul3A_12 = arith.muli %arg1, %mul3A_11 : i32
    "tpu.region"() ({
      %run_scoped3A = tpu.sem_alloc : memref<!tpu.dma_semaphore, #tpu.memory_space<semaphore_mem>>
      %dma_start3A = arith.constant 0 : i32
      %dma_start3A_13 = tpu.memref_slice %arg8[%arg0, %mul3A_12, %dma_start3A] : memref<2x10112x128xf32, #tpu.memory_space<hbm>> -> memref<1x632x128xf32, #tpu.memory_space<hbm>>
      %dma_start3A_14 = tpu.memref_squeeze %dma_start3A_13 : memref<1x632x128xf32, #tpu.memory_space<hbm>> -> memref<632x128xf32, #tpu.memory_space<hbm>>
      %dma_start3A_15 = arith.constant 0 : i32
      %dma_start3A_16 = tpu.memref_slice %arg13[%mul3A_10, %dma_start3A_15] : memref<10112x128xf32, #tpu.memory_space<vmem_shared>> -> memref<632x128xf32, #tpu.memory_space<vmem_shared>>
      tpu.enqueue_dma source(%dma_start3A_16 : memref<632x128xf32, #tpu.memory_space<vmem_shared>>) target(%dma_start3A_14 : memref<632x128xf32, #tpu.memory_space<hbm>>) target_semaphore(%run_scoped3A : memref<!tpu.dma_semaphore, #tpu.memory_space<semaphore_mem>>)
      %dma_wait3A = arith.constant 0 : i32
      %dma_wait3A_17 = tpu.memref_slice %arg8[%arg0, %mul3A_12, %dma_wait3A] : memref<2x10112x128xf32, #tpu.memory_space<hbm>> -> memref<1x632x128xf32, #tpu.memory_space<hbm>>
      %dma_wait3A_18 = tpu.memref_squeeze %dma_wait3A_17 : memref<1x632x128xf32, #tpu.memory_space<hbm>> -> memref<632x128xf32, #tpu.memory_space<hbm>>
      %dma_wait3A_19 = arith.constant 0 : i32
      %dma_wait3A_20 = tpu.memref_slice %arg13[%mul3A_10, %dma_wait3A_19] : memref<10112x128xf32, #tpu.memory_space<vmem_shared>> -> memref<632x128xf32, #tpu.memory_space<vmem_shared>>
      tpu.wait_dma2 semaphore(%run_scoped3A : memref<!tpu.dma_semaphore, #tpu.memory_space<semaphore_mem>>) src(%dma_wait3A_20 : memref<632x128xf32, #tpu.memory_space<vmem_shared>>) dst(%dma_wait3A_18 : memref<632x128xf32, #tpu.memory_space<hbm>>)
      tpu.yield
    }) : () -> ()
    return
  }
}

#map = affine_map<(d0, d1) -> (0, 0)>
#map1 = affine_map<(d0, d1) -> (0, 0, 0)>
module attributes {stable_mosaic.version = 14 : i64} {
  func.func @prop_kernel(%arg0: i32, %arg1: i32, %arg2: memref<10000x128xf32, #tpu.memory_space<hbm>>, %arg3: memref<16x120x128xi32, #tpu.memory_space<hbm>>, %arg4: memref<16x120x128xi32, #tpu.memory_space<hbm>>, %arg5: memref<16x40x128xi32, #tpu.memory_space<hbm>>, %arg6: memref<16x40x128xi32, #tpu.memory_space<hbm>>, %arg7: memref<632x128xf32, #tpu.memory_space<hbm>>, %arg8: memref<2x10112x128xf32, #tpu.memory_space<hbm>>, %arg9: memref<40x128xi32, #tpu.memory_space<vmem>>, %arg10: memref<40x128xi32, #tpu.memory_space<vmem>>, %arg11: memref<128x128xf32, #tpu.memory_space<vmem>>, %arg12: memref<128x128xf32, #tpu.memory_space<vmem>>, %arg13: memref<10112x128xf32, #tpu.memory_space<vmem_shared>>, %arg14: memref<!tpu.dma_semaphore, #tpu.memory_space<semaphore_mem>>, %arg15: memref<!tpu.dma_semaphore, #tpu.memory_space<semaphore_mem>>) attributes {dimension_semantics = [#tpu.dimension_semantics<core_parallel>, #tpu.dimension_semantics<subcore_parallel>], iteration_bounds = array<i64: 2, 16>, scalar_prefetch = 0 : i64, scratch_operands = 7 : i64, tpu.core_type = #tpu.core_type<sc_vector_subcore>, window_params = [{transform_indices = #map}, {transform_indices = #map1}, {transform_indices = #map1}, {transform_indices = #map1}, {transform_indices = #map1}, {transform_indices = #map}, {transform_indices = #map1}]} {
    %mul3A = arith.constant 632 : i32
    %mul3A_0 = arith.muli %arg1, %mul3A : i32
    "tpu.region"() ({
      %run_scoped3A = tpu.sem_alloc : memref<!tpu.dma_semaphore, #tpu.memory_space<semaphore_mem>>
      %dma_start3A = arith.constant 0 : i32
      %dma_start3A_13 = tpu.memref_slice %arg13[%mul3A_0, %dma_start3A] : memref<10112x128xf32, #tpu.memory_space<vmem_shared>> -> memref<632x128xf32, #tpu.memory_space<vmem_shared>>
      tpu.enqueue_dma source(%arg7 : memref<632x128xf32, #tpu.memory_space<hbm>>) target(%dma_start3A_13 : memref<632x128xf32, #tpu.memory_space<vmem_shared>>) target_semaphore(%run_scoped3A : memref<!tpu.dma_semaphore, #tpu.memory_space<semaphore_mem>>)
      %dma_wait3A = arith.constant 0 : i32
      %dma_wait3A_14 = tpu.memref_slice %arg13[%mul3A_0, %dma_wait3A] : memref<10112x128xf32, #tpu.memory_space<vmem_shared>> -> memref<632x128xf32, #tpu.memory_space<vmem_shared>>
      tpu.wait_dma2 semaphore(%run_scoped3A : memref<!tpu.dma_semaphore, #tpu.memory_space<semaphore_mem>>) src(%arg7 : memref<632x128xf32, #tpu.memory_space<hbm>>) dst(%dma_wait3A_14 : memref<632x128xf32, #tpu.memory_space<vmem_shared>>)
      tpu.yield
    }) : () -> ()
    %barrier3A = arith.constant 0 : index
    tpu.barrier barrier_id(%barrier3A)
    %eq3A = arith.constant 0 : i32
    %eq3A_1 = arith.cmpi eq, %arg0, %eq3A : i32
    %convert_element_type3A = arith.extui %eq3A_1 : i1 to i32
    %cond3A = arith.constant 0 : i32
    %cond3A_2 = arith.cmpi ne, %convert_element_type3A, %cond3A : i32
    scf.if %cond3A_2 {
      "tpu.region"() ({
        %run_scoped3A = tpu.sem_alloc : memref<!tpu.dma_semaphore, #tpu.memory_space<semaphore_mem>>
        %dma_start3A_68 = arith.constant 0 : i32
        %dma_start3A_69 = arith.constant 0 : i32
        %dma_start3A_70 = tpu.memref_slice %arg3[%arg1, %dma_start3A_68, %dma_start3A_69] : memref<16x120x128xi32, #tpu.memory_space<hbm>> -> memref<1x40x128xi32, #tpu.memory_space<hbm>>
        %dma_start3A_71 = tpu.memref_squeeze %dma_start3A_70 : memref<1x40x128xi32, #tpu.memory_space<hbm>> -> memref<40x128xi32, #tpu.memory_space<hbm>>
        %dma_start3A_72 = arith.constant 0 : i32
        %dma_start3A_73 = arith.constant 0 : i32
        %dma_start3A_74 = tpu.memref_slice %arg3[%arg1, %dma_start3A_72, %dma_start3A_73] : memref<16x120x128xi32, #tpu.memory_space<hbm>> -> memref<1x40x128xi32, #tpu.memory_space<hbm>>
        %dma_start3A_75 = tpu.memref_squeeze %dma_start3A_74 : memref<1x40x128xi32, #tpu.memory_space<hbm>> -> memref<40x128xi32, #tpu.memory_space<hbm>>
        tpu.enqueue_dma source(%dma_start3A_75 : memref<40x128xi32, #tpu.memory_space<hbm>>) target(%arg9 : memref<40x128xi32, #tpu.memory_space<vmem>>) target_semaphore(%run_scoped3A : memref<!tpu.dma_semaphore, #tpu.memory_space<semaphore_mem>>)
        %dma_wait3A = arith.constant 0 : i32
        %dma_wait3A_76 = arith.constant 0 : i32
        %dma_wait3A_77 = tpu.memref_slice %arg3[%arg1, %dma_wait3A, %dma_wait3A_76] : memref<16x120x128xi32, #tpu.memory_space<hbm>> -> memref<1x40x128xi32, #tpu.memory_space<hbm>>
        %dma_wait3A_78 = tpu.memref_squeeze %dma_wait3A_77 : memref<1x40x128xi32, #tpu.memory_space<hbm>> -> memref<40x128xi32, #tpu.memory_space<hbm>>
        %dma_wait3A_79 = arith.constant 0 : i32
        %dma_wait3A_80 = arith.constant 0 : i32
        %dma_wait3A_81 = tpu.memref_slice %arg3[%arg1, %dma_wait3A_79, %dma_wait3A_80] : memref<16x120x128xi32, #tpu.memory_space<hbm>> -> memref<1x40x128xi32, #tpu.memory_space<hbm>>
        %dma_wait3A_82 = tpu.memref_squeeze %dma_wait3A_81 : memref<1x40x128xi32, #tpu.memory_space<hbm>> -> memref<40x128xi32, #tpu.memory_space<hbm>>
        tpu.wait_dma2 semaphore(%run_scoped3A : memref<!tpu.dma_semaphore, #tpu.memory_space<semaphore_mem>>) src(%dma_wait3A_82 : memref<40x128xi32, #tpu.memory_space<hbm>>) dst(%arg9 : memref<40x128xi32, #tpu.memory_space<vmem>>)
        tpu.yield
      }) : () -> ()
      "tpu.region"() ({
        %run_scoped3A = tpu.sem_alloc : memref<!tpu.dma_semaphore, #tpu.memory_space<semaphore_mem>>
        %dma_start3A_68 = arith.constant 0 : i32
        %dma_start3A_69 = arith.constant 0 : i32
        %dma_start3A_70 = tpu.memref_slice %arg4[%arg1, %dma_start3A_68, %dma_start3A_69] : memref<16x120x128xi32, #tpu.memory_space<hbm>> -> memref<1x40x128xi32, #tpu.memory_space<hbm>>
        %dma_start3A_71 = tpu.memref_squeeze %dma_start3A_70 : memref<1x40x128xi32, #tpu.memory_space<hbm>> -> memref<40x128xi32, #tpu.memory_space<hbm>>
        %dma_start3A_72 = arith.constant 0 : i32
        %dma_start3A_73 = arith.constant 0 : i32
        %dma_start3A_74 = tpu.memref_slice %arg4[%arg1, %dma_start3A_72, %dma_start3A_73] : memref<16x120x128xi32, #tpu.memory_space<hbm>> -> memref<1x40x128xi32, #tpu.memory_space<hbm>>
        %dma_start3A_75 = tpu.memref_squeeze %dma_start3A_74 : memref<1x40x128xi32, #tpu.memory_space<hbm>> -> memref<40x128xi32, #tpu.memory_space<hbm>>
        tpu.enqueue_dma source(%dma_start3A_75 : memref<40x128xi32, #tpu.memory_space<hbm>>) target(%arg10 : memref<40x128xi32, #tpu.memory_space<vmem>>) target_semaphore(%run_scoped3A : memref<!tpu.dma_semaphore, #tpu.memory_space<semaphore_mem>>)
        %dma_wait3A = arith.constant 0 : i32
        %dma_wait3A_76 = arith.constant 0 : i32
        %dma_wait3A_77 = tpu.memref_slice %arg4[%arg1, %dma_wait3A, %dma_wait3A_76] : memref<16x120x128xi32, #tpu.memory_space<hbm>> -> memref<1x40x128xi32, #tpu.memory_space<hbm>>
        %dma_wait3A_78 = tpu.memref_squeeze %dma_wait3A_77 : memref<1x40x128xi32, #tpu.memory_space<hbm>> -> memref<40x128xi32, #tpu.memory_space<hbm>>
        %dma_wait3A_79 = arith.constant 0 : i32
        %dma_wait3A_80 = arith.constant 0 : i32
        %dma_wait3A_81 = tpu.memref_slice %arg4[%arg1, %dma_wait3A_79, %dma_wait3A_80] : memref<16x120x128xi32, #tpu.memory_space<hbm>> -> memref<1x40x128xi32, #tpu.memory_space<hbm>>
        %dma_wait3A_82 = tpu.memref_squeeze %dma_wait3A_81 : memref<1x40x128xi32, #tpu.memory_space<hbm>> -> memref<40x128xi32, #tpu.memory_space<hbm>>
        tpu.wait_dma2 semaphore(%run_scoped3A : memref<!tpu.dma_semaphore, #tpu.memory_space<semaphore_mem>>) src(%dma_wait3A_82 : memref<40x128xi32, #tpu.memory_space<hbm>>) dst(%arg10 : memref<40x128xi32, #tpu.memory_space<vmem>>)
        tpu.yield
      }) : () -> ()
      %dma_start3A = arith.constant 0 : i32
      %dma_start3A_13 = arith.constant 0 : i32
      %dma_start3A_14 = tpu.memref_slice %arg9[%dma_start3A, %dma_start3A_13] : memref<40x128xi32, #tpu.memory_space<vmem>> -> memref<1x128xi32, #tpu.memory_space<vmem>>
      %dma_start3A_15 = tpu.memref_squeeze %dma_start3A_14 : memref<1x128xi32, #tpu.memory_space<vmem>> -> memref<128xi32, #tpu.memory_space<vmem>>
      %dma_start3A_16 = arith.constant 0 : i32
      %dma_start3A_17 = arith.constant 0 : i32
      %dma_start3A_18 = tpu.memref_slice %arg2[%dma_start3A_16, %dma_start3A_17] : memref<10000x128xf32, #tpu.memory_space<hbm>> -> memref<10000x128xf32, #tpu.memory_space<hbm>>
      tpu.enqueue_indirect_dma source(%dma_start3A_18 : memref<10000x128xf32, #tpu.memory_space<hbm>>) target(%arg11 : memref<128x128xf32, #tpu.memory_space<vmem>>) offsets(%dma_start3A_15 : memref<128xi32, #tpu.memory_space<vmem>>) semaphore(%arg14 : memref<!tpu.dma_semaphore, #tpu.memory_space<semaphore_mem>>)
      %dma_start3A_19 = arith.constant 1 : i32
      %dma_start3A_20 = arith.constant 0 : i32
      %dma_start3A_21 = tpu.memref_slice %arg9[%dma_start3A_19, %dma_start3A_20] : memref<40x128xi32, #tpu.memory_space<vmem>> -> memref<1x128xi32, #tpu.memory_space<vmem>>
      %dma_start3A_22 = tpu.memref_squeeze %dma_start3A_21 : memref<1x128xi32, #tpu.memory_space<vmem>> -> memref<128xi32, #tpu.memory_space<vmem>>
      %dma_start3A_23 = arith.constant 0 : i32
      %dma_start3A_24 = arith.constant 0 : i32
      %dma_start3A_25 = tpu.memref_slice %arg2[%dma_start3A_23, %dma_start3A_24] : memref<10000x128xf32, #tpu.memory_space<hbm>> -> memref<10000x128xf32, #tpu.memory_space<hbm>>
      tpu.enqueue_indirect_dma source(%dma_start3A_25 : memref<10000x128xf32, #tpu.memory_space<hbm>>) target(%arg12 : memref<128x128xf32, #tpu.memory_space<vmem>>) offsets(%dma_start3A_22 : memref<128xi32, #tpu.memory_space<vmem>>) semaphore(%arg15 : memref<!tpu.dma_semaphore, #tpu.memory_space<semaphore_mem>>)
      %scan3A = arith.constant 0 : i32
      %scan3A_26 = arith.constant 20 : i32
      %scan3A_27 = arith.addi %scan3A, %scan3A_26 : i32
      %scan3A_28 = arith.constant 1 : i32
      scf.for %scan3A_68 = %scan3A to %scan3A_27 step %scan3A_28  : i32 {
        %mul3A_69 = arith.constant 2 : i32
        %mul3A_70 = arith.muli %scan3A_68, %mul3A_69 : i32
        %add3A = arith.constant 0 : i32
        %add3A_71 = arith.addi %add3A, %mul3A_70 : i32
        %dma_wait3A = arith.constant 0 : i32
        %dma_wait3A_72 = tpu.memref_slice %arg9[%add3A_71, %dma_wait3A] : memref<40x128xi32, #tpu.memory_space<vmem>> -> memref<1x128xi32, #tpu.memory_space<vmem>>
        %dma_wait3A_73 = tpu.memref_squeeze %dma_wait3A_72 : memref<1x128xi32, #tpu.memory_space<vmem>> -> memref<128xi32, #tpu.memory_space<vmem>>
        %dma_wait3A_74 = arith.constant 0 : i32
        %dma_wait3A_75 = arith.constant 0 : i32
        %dma_wait3A_76 = tpu.memref_slice %arg2[%dma_wait3A_74, %dma_wait3A_75] : memref<10000x128xf32, #tpu.memory_space<hbm>> -> memref<10000x128xf32, #tpu.memory_space<hbm>>
        tpu.wait_indirect_dma semaphore(%arg14 : memref<!tpu.dma_semaphore, #tpu.memory_space<semaphore_mem>>) src(%dma_wait3A_76 : memref<10000x128xf32, #tpu.memory_space<hbm>>) dst(%arg11 : memref<128x128xf32, #tpu.memory_space<vmem>>)
        "tpu.region"() ({
          %run_scoped3A = tpu.sem_alloc : memref<!tpu.dma_semaphore, #tpu.memory_space<semaphore_mem>>
          %dma_start3A_100 = arith.constant 0 : i32
          %dma_start3A_101 = tpu.memref_slice %arg10[%add3A_71, %dma_start3A_100] : memref<40x128xi32, #tpu.memory_space<vmem>> -> memref<1x128xi32, #tpu.memory_space<vmem>>
          %dma_start3A_102 = tpu.memref_squeeze %dma_start3A_101 : memref<1x128xi32, #tpu.memory_space<vmem>> -> memref<128xi32, #tpu.memory_space<vmem>>
          %dma_start3A_103 = arith.constant 0 : i32
          %dma_start3A_104 = arith.constant 0 : i32
          %dma_start3A_105 = tpu.memref_slice %arg13[%dma_start3A_103, %dma_start3A_104] : memref<10112x128xf32, #tpu.memory_space<vmem_shared>> -> memref<10112x128xf32, #tpu.memory_space<vmem_shared>>
          tpu.enqueue_indirect_dma source(%arg11 : memref<128x128xf32, #tpu.memory_space<vmem>>) target(%dma_start3A_105 : memref<10112x128xf32, #tpu.memory_space<vmem_shared>>) offsets(%dma_start3A_102 : memref<128xi32, #tpu.memory_space<vmem>>) semaphore(%run_scoped3A : memref<!tpu.dma_semaphore, #tpu.memory_space<semaphore_mem>>) {add = true}
          %dma_wait3A_106 = arith.constant 0 : i32
          %dma_wait3A_107 = tpu.memref_slice %arg10[%add3A_71, %dma_wait3A_106] : memref<40x128xi32, #tpu.memory_space<vmem>> -> memref<1x128xi32, #tpu.memory_space<vmem>>
          %dma_wait3A_108 = tpu.memref_squeeze %dma_wait3A_107 : memref<1x128xi32, #tpu.memory_space<vmem>> -> memref<128xi32, #tpu.memory_space<vmem>>
          %dma_wait3A_109 = arith.constant 0 : i32
          %dma_wait3A_110 = arith.constant 0 : i32
          %dma_wait3A_111 = tpu.memref_slice %arg13[%dma_wait3A_109, %dma_wait3A_110] : memref<10112x128xf32, #tpu.memory_space<vmem_shared>> -> memref<10112x128xf32, #tpu.memory_space<vmem_shared>>
          tpu.wait_indirect_dma semaphore(%run_scoped3A : memref<!tpu.dma_semaphore, #tpu.memory_space<semaphore_mem>>) src(%arg11 : memref<128x128xf32, #tpu.memory_space<vmem>>) dst(%dma_wait3A_111 : memref<10112x128xf32, #tpu.memory_space<vmem_shared>>)
          tpu.yield
        }) : () -> ()
        %add3A_77 = arith.constant 2 : i32
        %add3A_78 = arith.addi %add3A_71, %add3A_77 : i32
        %lt3A = arith.constant 40 : i32
        %lt3A_79 = arith.cmpi slt, %add3A_78, %lt3A : i32
        %convert_element_type3A_80 = arith.extui %lt3A_79 : i1 to i32
        %cond3A_81 = arith.constant 0 : i32
        %cond3A_82 = arith.cmpi ne, %convert_element_type3A_80, %cond3A_81 : i32
        scf.if %cond3A_82 {
          %add3A_100 = arith.constant 2 : i32
          %add3A_101 = arith.addi %add3A_71, %add3A_100 : i32
          %dma_start3A_102 = arith.constant 0 : i32
          %dma_start3A_103 = tpu.memref_slice %arg9[%add3A_101, %dma_start3A_102] : memref<40x128xi32, #tpu.memory_space<vmem>> -> memref<1x128xi32, #tpu.memory_space<vmem>>
          %dma_start3A_104 = tpu.memref_squeeze %dma_start3A_103 : memref<1x128xi32, #tpu.memory_space<vmem>> -> memref<128xi32, #tpu.memory_space<vmem>>
          %dma_start3A_105 = arith.constant 0 : i32
          %dma_start3A_106 = arith.constant 0 : i32
          %dma_start3A_107 = tpu.memref_slice %arg2[%dma_start3A_105, %dma_start3A_106] : memref<10000x128xf32, #tpu.memory_space<hbm>> -> memref<10000x128xf32, #tpu.memory_space<hbm>>
          tpu.enqueue_indirect_dma source(%dma_start3A_107 : memref<10000x128xf32, #tpu.memory_space<hbm>>) target(%arg11 : memref<128x128xf32, #tpu.memory_space<vmem>>) offsets(%dma_start3A_104 : memref<128xi32, #tpu.memory_space<vmem>>) semaphore(%arg14 : memref<!tpu.dma_semaphore, #tpu.memory_space<semaphore_mem>>)
        } else {
        }
        %add3A_83 = arith.constant 1 : i32
        %add3A_84 = arith.addi %add3A_71, %add3A_83 : i32
        %dma_wait3A_85 = arith.constant 0 : i32
        %dma_wait3A_86 = tpu.memref_slice %arg9[%add3A_84, %dma_wait3A_85] : memref<40x128xi32, #tpu.memory_space<vmem>> -> memref<1x128xi32, #tpu.memory_space<vmem>>
        %dma_wait3A_87 = tpu.memref_squeeze %dma_wait3A_86 : memref<1x128xi32, #tpu.memory_space<vmem>> -> memref<128xi32, #tpu.memory_space<vmem>>
        %dma_wait3A_88 = arith.constant 0 : i32
        %dma_wait3A_89 = arith.constant 0 : i32
        %dma_wait3A_90 = tpu.memref_slice %arg2[%dma_wait3A_88, %dma_wait3A_89] : memref<10000x128xf32, #tpu.memory_space<hbm>> -> memref<10000x128xf32, #tpu.memory_space<hbm>>
        tpu.wait_indirect_dma semaphore(%arg15 : memref<!tpu.dma_semaphore, #tpu.memory_space<semaphore_mem>>) src(%dma_wait3A_90 : memref<10000x128xf32, #tpu.memory_space<hbm>>) dst(%arg12 : memref<128x128xf32, #tpu.memory_space<vmem>>)
        %add3A_91 = arith.constant 1 : i32
        %add3A_92 = arith.addi %add3A_71, %add3A_91 : i32
        "tpu.region"() ({
          %run_scoped3A = tpu.sem_alloc : memref<!tpu.dma_semaphore, #tpu.memory_space<semaphore_mem>>
          %dma_start3A_100 = arith.constant 0 : i32
          %dma_start3A_101 = tpu.memref_slice %arg10[%add3A_92, %dma_start3A_100] : memref<40x128xi32, #tpu.memory_space<vmem>> -> memref<1x128xi32, #tpu.memory_space<vmem>>
          %dma_start3A_102 = tpu.memref_squeeze %dma_start3A_101 : memref<1x128xi32, #tpu.memory_space<vmem>> -> memref<128xi32, #tpu.memory_space<vmem>>
          %dma_start3A_103 = arith.constant 0 : i32
          %dma_start3A_104 = arith.constant 0 : i32
          %dma_start3A_105 = tpu.memref_slice %arg13[%dma_start3A_103, %dma_start3A_104] : memref<10112x128xf32, #tpu.memory_space<vmem_shared>> -> memref<10112x128xf32, #tpu.memory_space<vmem_shared>>
          tpu.enqueue_indirect_dma source(%arg12 : memref<128x128xf32, #tpu.memory_space<vmem>>) target(%dma_start3A_105 : memref<10112x128xf32, #tpu.memory_space<vmem_shared>>) offsets(%dma_start3A_102 : memref<128xi32, #tpu.memory_space<vmem>>) semaphore(%run_scoped3A : memref<!tpu.dma_semaphore, #tpu.memory_space<semaphore_mem>>) {add = true}
          %dma_wait3A_106 = arith.constant 0 : i32
          %dma_wait3A_107 = tpu.memref_slice %arg10[%add3A_92, %dma_wait3A_106] : memref<40x128xi32, #tpu.memory_space<vmem>> -> memref<1x128xi32, #tpu.memory_space<vmem>>
          %dma_wait3A_108 = tpu.memref_squeeze %dma_wait3A_107 : memref<1x128xi32, #tpu.memory_space<vmem>> -> memref<128xi32, #tpu.memory_space<vmem>>
          %dma_wait3A_109 = arith.constant 0 : i32
          %dma_wait3A_110 = arith.constant 0 : i32
          %dma_wait3A_111 = tpu.memref_slice %arg13[%dma_wait3A_109, %dma_wait3A_110] : memref<10112x128xf32, #tpu.memory_space<vmem_shared>> -> memref<10112x128xf32, #tpu.memory_space<vmem_shared>>
          tpu.wait_indirect_dma semaphore(%run_scoped3A : memref<!tpu.dma_semaphore, #tpu.memory_space<semaphore_mem>>) src(%arg12 : memref<128x128xf32, #tpu.memory_space<vmem>>) dst(%dma_wait3A_111 : memref<10112x128xf32, #tpu.memory_space<vmem_shared>>)
          tpu.yield
        }) : () -> ()
        %add3A_93 = arith.constant 3 : i32
        %add3A_94 = arith.addi %add3A_71, %add3A_93 : i32
        %lt3A_95 = arith.constant 40 : i32
        %lt3A_96 = arith.cmpi slt, %add3A_94, %lt3A_95 : i32
        %convert_element_type3A_97 = arith.extui %lt3A_96 : i1 to i32
        %cond3A_98 = arith.constant 0 : i32
        %cond3A_99 = arith.cmpi ne, %convert_element_type3A_97, %cond3A_98 : i32
        scf.if %cond3A_99 {
          %add3A_100 = arith.constant 3 : i32
          %add3A_101 = arith.addi %add3A_71, %add3A_100 : i32
          %dma_start3A_102 = arith.constant 0 : i32
          %dma_start3A_103 = tpu.memref_slice %arg9[%add3A_101, %dma_start3A_102] : memref<40x128xi32, #tpu.memory_space<vmem>> -> memref<1x128xi32, #tpu.memory_space<vmem>>
          %dma_start3A_104 = tpu.memref_squeeze %dma_start3A_103 : memref<1x128xi32, #tpu.memory_space<vmem>> -> memref<128xi32, #tpu.memory_space<vmem>>
          %dma_start3A_105 = arith.constant 0 : i32
          %dma_start3A_106 = arith.constant 0 : i32
          %dma_start3A_107 = tpu.memref_slice %arg2[%dma_start3A_105, %dma_start3A_106] : memref<10000x128xf32, #tpu.memory_space<hbm>> -> memref<10000x128xf32, #tpu.memory_space<hbm>>
          tpu.enqueue_indirect_dma source(%dma_start3A_107 : memref<10000x128xf32, #tpu.memory_space<hbm>>) target(%arg12 : memref<128x128xf32, #tpu.memory_space<vmem>>) offsets(%dma_start3A_104 : memref<128xi32, #tpu.memory_space<vmem>>) semaphore(%arg15 : memref<!tpu.dma_semaphore, #tpu.memory_space<semaphore_mem>>)
        } else {
        }
      }
      %scan3A_29 = arith.constant 20 : i32
      "tpu.region"() ({
        %run_scoped3A = tpu.sem_alloc : memref<!tpu.dma_semaphore, #tpu.memory_space<semaphore_mem>>
        %dma_start3A_68 = arith.constant 40 : i32
        %dma_start3A_69 = arith.constant 0 : i32
        %dma_start3A_70 = tpu.memref_slice %arg3[%arg1, %dma_start3A_68, %dma_start3A_69] : memref<16x120x128xi32, #tpu.memory_space<hbm>> -> memref<1x40x128xi32, #tpu.memory_space<hbm>>
        %dma_start3A_71 = tpu.memref_squeeze %dma_start3A_70 : memref<1x40x128xi32, #tpu.memory_space<hbm>> -> memref<40x128xi32, #tpu.memory_space<hbm>>
        %dma_start3A_72 = arith.constant 40 : i32
        %dma_start3A_73 = arith.constant 0 : i32
        %dma_start3A_74 = tpu.memref_slice %arg3[%arg1, %dma_start3A_72, %dma_start3A_73] : memref<16x120x128xi32, #tpu.memory_space<hbm>> -> memref<1x40x128xi32, #tpu.memory_space<hbm>>
        %dma_start3A_75 = tpu.memref_squeeze %dma_start3A_74 : memref<1x40x128xi32, #tpu.memory_space<hbm>> -> memref<40x128xi32, #tpu.memory_space<hbm>>
        tpu.enqueue_dma source(%dma_start3A_75 : memref<40x128xi32, #tpu.memory_space<hbm>>) target(%arg9 : memref<40x128xi32, #tpu.memory_space<vmem>>) target_semaphore(%run_scoped3A : memref<!tpu.dma_semaphore, #tpu.memory_space<semaphore_mem>>)
        %dma_wait3A = arith.constant 40 : i32
        %dma_wait3A_76 = arith.constant 0 : i32
        %dma_wait3A_77 = tpu.memref_slice %arg3[%arg1, %dma_wait3A, %dma_wait3A_76] : memref<16x120x128xi32, #tpu.memory_space<hbm>> -> memref<1x40x128xi32, #tpu.memory_space<hbm>>
        %dma_wait3A_78 = tpu.memref_squeeze %dma_wait3A_77 : memref<1x40x128xi32, #tpu.memory_space<hbm>> -> memref<40x128xi32, #tpu.memory_space<hbm>>
        %dma_wait3A_79 = arith.constant 40 : i32
        %dma_wait3A_80 = arith.constant 0 : i32
        %dma_wait3A_81 = tpu.memref_slice %arg3[%arg1, %dma_wait3A_79, %dma_wait3A_80] : memref<16x120x128xi32, #tpu.memory_space<hbm>> -> memref<1x40x128xi32, #tpu.memory_space<hbm>>
        %dma_wait3A_82 = tpu.memref_squeeze %dma_wait3A_81 : memref<1x40x128xi32, #tpu.memory_space<hbm>> -> memref<40x128xi32, #tpu.memory_space<hbm>>
        tpu.wait_dma2 semaphore(%run_scoped3A : memref<!tpu.dma_semaphore, #tpu.memory_space<semaphore_mem>>) src(%dma_wait3A_82 : memref<40x128xi32, #tpu.memory_space<hbm>>) dst(%arg9 : memref<40x128xi32, #tpu.memory_space<vmem>>)
        tpu.yield
      }) : () -> ()
      "tpu.region"() ({
        %run_scoped3A = tpu.sem_alloc : memref<!tpu.dma_semaphore, #tpu.memory_space<semaphore_mem>>
        %dma_start3A_68 = arith.constant 40 : i32
        %dma_start3A_69 = arith.constant 0 : i32
        %dma_start3A_70 = tpu.memref_slice %arg4[%arg1, %dma_start3A_68, %dma_start3A_69] : memref<16x120x128xi32, #tpu.memory_space<hbm>> -> memref<1x40x128xi32, #tpu.memory_space<hbm>>
        %dma_start3A_71 = tpu.memref_squeeze %dma_start3A_70 : memref<1x40x128xi32, #tpu.memory_space<hbm>> -> memref<40x128xi32, #tpu.memory_space<hbm>>
        %dma_start3A_72 = arith.constant 40 : i32
        %dma_start3A_73 = arith.constant 0 : i32
        %dma_start3A_74 = tpu.memref_slice %arg4[%arg1, %dma_start3A_72, %dma_start3A_73] : memref<16x120x128xi32, #tpu.memory_space<hbm>> -> memref<1x40x128xi32, #tpu.memory_space<hbm>>
        %dma_start3A_75 = tpu.memref_squeeze %dma_start3A_74 : memref<1x40x128xi32, #tpu.memory_space<hbm>> -> memref<40x128xi32, #tpu.memory_space<hbm>>
        tpu.enqueue_dma source(%dma_start3A_75 : memref<40x128xi32, #tpu.memory_space<hbm>>) target(%arg10 : memref<40x128xi32, #tpu.memory_space<vmem>>) target_semaphore(%run_scoped3A : memref<!tpu.dma_semaphore, #tpu.memory_space<semaphore_mem>>)
        %dma_wait3A = arith.constant 40 : i32
        %dma_wait3A_76 = arith.constant 0 : i32
        %dma_wait3A_77 = tpu.memref_slice %arg4[%arg1, %dma_wait3A, %dma_wait3A_76] : memref<16x120x128xi32, #tpu.memory_space<hbm>> -> memref<1x40x128xi32, #tpu.memory_space<hbm>>
        %dma_wait3A_78 = tpu.memref_squeeze %dma_wait3A_77 : memref<1x40x128xi32, #tpu.memory_space<hbm>> -> memref<40x128xi32, #tpu.memory_space<hbm>>
        %dma_wait3A_79 = arith.constant 40 : i32
        %dma_wait3A_80 = arith.constant 0 : i32
        %dma_wait3A_81 = tpu.memref_slice %arg4[%arg1, %dma_wait3A_79, %dma_wait3A_80] : memref<16x120x128xi32, #tpu.memory_space<hbm>> -> memref<1x40x128xi32, #tpu.memory_space<hbm>>
        %dma_wait3A_82 = tpu.memref_squeeze %dma_wait3A_81 : memref<1x40x128xi32, #tpu.memory_space<hbm>> -> memref<40x128xi32, #tpu.memory_space<hbm>>
        tpu.wait_dma2 semaphore(%run_scoped3A : memref<!tpu.dma_semaphore, #tpu.memory_space<semaphore_mem>>) src(%dma_wait3A_82 : memref<40x128xi32, #tpu.memory_space<hbm>>) dst(%arg10 : memref<40x128xi32, #tpu.memory_space<vmem>>)
        tpu.yield
      }) : () -> ()
      %dma_start3A_30 = arith.constant 0 : i32
      %dma_start3A_31 = arith.constant 0 : i32
      %dma_start3A_32 = tpu.memref_slice %arg9[%dma_start3A_30, %dma_start3A_31] : memref<40x128xi32, #tpu.memory_space<vmem>> -> memref<1x128xi32, #tpu.memory_space<vmem>>
      %dma_start3A_33 = tpu.memref_squeeze %dma_start3A_32 : memref<1x128xi32, #tpu.memory_space<vmem>> -> memref<128xi32, #tpu.memory_space<vmem>>
      %dma_start3A_34 = arith.constant 0 : i32
      %dma_start3A_35 = arith.constant 0 : i32
      %dma_start3A_36 = tpu.memref_slice %arg2[%dma_start3A_34, %dma_start3A_35] : memref<10000x128xf32, #tpu.memory_space<hbm>> -> memref<10000x128xf32, #tpu.memory_space<hbm>>
      tpu.enqueue_indirect_dma source(%dma_start3A_36 : memref<10000x128xf32, #tpu.memory_space<hbm>>) target(%arg11 : memref<128x128xf32, #tpu.memory_space<vmem>>) offsets(%dma_start3A_33 : memref<128xi32, #tpu.memory_space<vmem>>) semaphore(%arg14 : memref<!tpu.dma_semaphore, #tpu.memory_space<semaphore_mem>>)
      %dma_start3A_37 = arith.constant 1 : i32
      %dma_start3A_38 = arith.constant 0 : i32
      %dma_start3A_39 = tpu.memref_slice %arg9[%dma_start3A_37, %dma_start3A_38] : memref<40x128xi32, #tpu.memory_space<vmem>> -> memref<1x128xi32, #tpu.memory_space<vmem>>
      %dma_start3A_40 = tpu.memref_squeeze %dma_start3A_39 : memref<1x128xi32, #tpu.memory_space<vmem>> -> memref<128xi32, #tpu.memory_space<vmem>>
      %dma_start3A_41 = arith.constant 0 : i32
      %dma_start3A_42 = arith.constant 0 : i32
      %dma_start3A_43 = tpu.memref_slice %arg2[%dma_start3A_41, %dma_start3A_42] : memref<10000x128xf32, #tpu.memory_space<hbm>> -> memref<10000x128xf32, #tpu.memory_space<hbm>>
      tpu.enqueue_indirect_dma source(%dma_start3A_43 : memref<10000x128xf32, #tpu.memory_space<hbm>>) target(%arg12 : memref<128x128xf32, #tpu.memory_space<vmem>>) offsets(%dma_start3A_40 : memref<128xi32, #tpu.memory_space<vmem>>) semaphore(%arg15 : memref<!tpu.dma_semaphore, #tpu.memory_space<semaphore_mem>>)
      %scan3A_44 = arith.constant 0 : i32
      %scan3A_45 = arith.constant 20 : i32
      %scan3A_46 = arith.addi %scan3A_44, %scan3A_45 : i32
      %scan3A_47 = arith.constant 1 : i32
      scf.for %scan3A_68 = %scan3A_44 to %scan3A_46 step %scan3A_47  : i32 {
        %mul3A_69 = arith.constant 2 : i32
        %mul3A_70 = arith.muli %scan3A_68, %mul3A_69 : i32
        %add3A = arith.constant 0 : i32
        %add3A_71 = arith.addi %add3A, %mul3A_70 : i32
        %dma_wait3A = arith.constant 0 : i32
        %dma_wait3A_72 = tpu.memref_slice %arg9[%add3A_71, %dma_wait3A] : memref<40x128xi32, #tpu.memory_space<vmem>> -> memref<1x128xi32, #tpu.memory_space<vmem>>
        %dma_wait3A_73 = tpu.memref_squeeze %dma_wait3A_72 : memref<1x128xi32, #tpu.memory_space<vmem>> -> memref<128xi32, #tpu.memory_space<vmem>>
        %dma_wait3A_74 = arith.constant 0 : i32
        %dma_wait3A_75 = arith.constant 0 : i32
        %dma_wait3A_76 = tpu.memref_slice %arg2[%dma_wait3A_74, %dma_wait3A_75] : memref<10000x128xf32, #tpu.memory_space<hbm>> -> memref<10000x128xf32, #tpu.memory_space<hbm>>
        tpu.wait_indirect_dma semaphore(%arg14 : memref<!tpu.dma_semaphore, #tpu.memory_space<semaphore_mem>>) src(%dma_wait3A_76 : memref<10000x128xf32, #tpu.memory_space<hbm>>) dst(%arg11 : memref<128x128xf32, #tpu.memory_space<vmem>>)
        "tpu.region"() ({
          %run_scoped3A = tpu.sem_alloc : memref<!tpu.dma_semaphore, #tpu.memory_space<semaphore_mem>>
          %dma_start3A_100 = arith.constant 0 : i32
          %dma_start3A_101 = tpu.memref_slice %arg10[%add3A_71, %dma_start3A_100] : memref<40x128xi32, #tpu.memory_space<vmem>> -> memref<1x128xi32, #tpu.memory_space<vmem>>
          %dma_start3A_102 = tpu.memref_squeeze %dma_start3A_101 : memref<1x128xi32, #tpu.memory_space<vmem>> -> memref<128xi32, #tpu.memory_space<vmem>>
          %dma_start3A_103 = arith.constant 0 : i32
          %dma_start3A_104 = arith.constant 0 : i32
          %dma_start3A_105 = tpu.memref_slice %arg13[%dma_start3A_103, %dma_start3A_104] : memref<10112x128xf32, #tpu.memory_space<vmem_shared>> -> memref<10112x128xf32, #tpu.memory_space<vmem_shared>>
          tpu.enqueue_indirect_dma source(%arg11 : memref<128x128xf32, #tpu.memory_space<vmem>>) target(%dma_start3A_105 : memref<10112x128xf32, #tpu.memory_space<vmem_shared>>) offsets(%dma_start3A_102 : memref<128xi32, #tpu.memory_space<vmem>>) semaphore(%run_scoped3A : memref<!tpu.dma_semaphore, #tpu.memory_space<semaphore_mem>>) {add = true}
          %dma_wait3A_106 = arith.constant 0 : i32
          %dma_wait3A_107 = tpu.memref_slice %arg10[%add3A_71, %dma_wait3A_106] : memref<40x128xi32, #tpu.memory_space<vmem>> -> memref<1x128xi32, #tpu.memory_space<vmem>>
          %dma_wait3A_108 = tpu.memref_squeeze %dma_wait3A_107 : memref<1x128xi32, #tpu.memory_space<vmem>> -> memref<128xi32, #tpu.memory_space<vmem>>
          %dma_wait3A_109 = arith.constant 0 : i32
          %dma_wait3A_110 = arith.constant 0 : i32
          %dma_wait3A_111 = tpu.memref_slice %arg13[%dma_wait3A_109, %dma_wait3A_110] : memref<10112x128xf32, #tpu.memory_space<vmem_shared>> -> memref<10112x128xf32, #tpu.memory_space<vmem_shared>>
          tpu.wait_indirect_dma semaphore(%run_scoped3A : memref<!tpu.dma_semaphore, #tpu.memory_space<semaphore_mem>>) src(%arg11 : memref<128x128xf32, #tpu.memory_space<vmem>>) dst(%dma_wait3A_111 : memref<10112x128xf32, #tpu.memory_space<vmem_shared>>)
          tpu.yield
        }) : () -> ()
        %add3A_77 = arith.constant 2 : i32
        %add3A_78 = arith.addi %add3A_71, %add3A_77 : i32
        %lt3A = arith.constant 40 : i32
        %lt3A_79 = arith.cmpi slt, %add3A_78, %lt3A : i32
        %convert_element_type3A_80 = arith.extui %lt3A_79 : i1 to i32
        %cond3A_81 = arith.constant 0 : i32
        %cond3A_82 = arith.cmpi ne, %convert_element_type3A_80, %cond3A_81 : i32
        scf.if %cond3A_82 {
          %add3A_100 = arith.constant 2 : i32
          %add3A_101 = arith.addi %add3A_71, %add3A_100 : i32
          %dma_start3A_102 = arith.constant 0 : i32
          %dma_start3A_103 = tpu.memref_slice %arg9[%add3A_101, %dma_start3A_102] : memref<40x128xi32, #tpu.memory_space<vmem>> -> memref<1x128xi32, #tpu.memory_space<vmem>>
          %dma_start3A_104 = tpu.memref_squeeze %dma_start3A_103 : memref<1x128xi32, #tpu.memory_space<vmem>> -> memref<128xi32, #tpu.memory_space<vmem>>
          %dma_start3A_105 = arith.constant 0 : i32
          %dma_start3A_106 = arith.constant 0 : i32
          %dma_start3A_107 = tpu.memref_slice %arg2[%dma_start3A_105, %dma_start3A_106] : memref<10000x128xf32, #tpu.memory_space<hbm>> -> memref<10000x128xf32, #tpu.memory_space<hbm>>
          tpu.enqueue_indirect_dma source(%dma_start3A_107 : memref<10000x128xf32, #tpu.memory_space<hbm>>) target(%arg11 : memref<128x128xf32, #tpu.memory_space<vmem>>) offsets(%dma_start3A_104 : memref<128xi32, #tpu.memory_space<vmem>>) semaphore(%arg14 : memref<!tpu.dma_semaphore, #tpu.memory_space<semaphore_mem>>)
        } else {
        }
        %add3A_83 = arith.constant 1 : i32
        %add3A_84 = arith.addi %add3A_71, %add3A_83 : i32
        %dma_wait3A_85 = arith.constant 0 : i32
        %dma_wait3A_86 = tpu.memref_slice %arg9[%add3A_84, %dma_wait3A_85] : memref<40x128xi32, #tpu.memory_space<vmem>> -> memref<1x128xi32, #tpu.memory_space<vmem>>
        %dma_wait3A_87 = tpu.memref_squeeze %dma_wait3A_86 : memref<1x128xi32, #tpu.memory_space<vmem>> -> memref<128xi32, #tpu.memory_space<vmem>>
        %dma_wait3A_88 = arith.constant 0 : i32
        %dma_wait3A_89 = arith.constant 0 : i32
        %dma_wait3A_90 = tpu.memref_slice %arg2[%dma_wait3A_88, %dma_wait3A_89] : memref<10000x128xf32, #tpu.memory_space<hbm>> -> memref<10000x128xf32, #tpu.memory_space<hbm>>
        tpu.wait_indirect_dma semaphore(%arg15 : memref<!tpu.dma_semaphore, #tpu.memory_space<semaphore_mem>>) src(%dma_wait3A_90 : memref<10000x128xf32, #tpu.memory_space<hbm>>) dst(%arg12 : memref<128x128xf32, #tpu.memory_space<vmem>>)
        %add3A_91 = arith.constant 1 : i32
        %add3A_92 = arith.addi %add3A_71, %add3A_91 : i32
        "tpu.region"() ({
          %run_scoped3A = tpu.sem_alloc : memref<!tpu.dma_semaphore, #tpu.memory_space<semaphore_mem>>
          %dma_start3A_100 = arith.constant 0 : i32
          %dma_start3A_101 = tpu.memref_slice %arg10[%add3A_92, %dma_start3A_100] : memref<40x128xi32, #tpu.memory_space<vmem>> -> memref<1x128xi32, #tpu.memory_space<vmem>>
          %dma_start3A_102 = tpu.memref_squeeze %dma_start3A_101 : memref<1x128xi32, #tpu.memory_space<vmem>> -> memref<128xi32, #tpu.memory_space<vmem>>
          %dma_start3A_103 = arith.constant 0 : i32
          %dma_start3A_104 = arith.constant 0 : i32
          %dma_start3A_105 = tpu.memref_slice %arg13[%dma_start3A_103, %dma_start3A_104] : memref<10112x128xf32, #tpu.memory_space<vmem_shared>> -> memref<10112x128xf32, #tpu.memory_space<vmem_shared>>
          tpu.enqueue_indirect_dma source(%arg12 : memref<128x128xf32, #tpu.memory_space<vmem>>) target(%dma_start3A_105 : memref<10112x128xf32, #tpu.memory_space<vmem_shared>>) offsets(%dma_start3A_102 : memref<128xi32, #tpu.memory_space<vmem>>) semaphore(%run_scoped3A : memref<!tpu.dma_semaphore, #tpu.memory_space<semaphore_mem>>) {add = true}
          %dma_wait3A_106 = arith.constant 0 : i32
          %dma_wait3A_107 = tpu.memref_slice %arg10[%add3A_92, %dma_wait3A_106] : memref<40x128xi32, #tpu.memory_space<vmem>> -> memref<1x128xi32, #tpu.memory_space<vmem>>
          %dma_wait3A_108 = tpu.memref_squeeze %dma_wait3A_107 : memref<1x128xi32, #tpu.memory_space<vmem>> -> memref<128xi32, #tpu.memory_space<vmem>>
          %dma_wait3A_109 = arith.constant 0 : i32
          %dma_wait3A_110 = arith.constant 0 : i32
          %dma_wait3A_111 = tpu.memref_slice %arg13[%dma_wait3A_109, %dma_wait3A_110] : memref<10112x128xf32, #tpu.memory_space<vmem_shared>> -> memref<10112x128xf32, #tpu.memory_space<vmem_shared>>
          tpu.wait_indirect_dma semaphore(%run_scoped3A : memref<!tpu.dma_semaphore, #tpu.memory_space<semaphore_mem>>) src(%arg12 : memref<128x128xf32, #tpu.memory_space<vmem>>) dst(%dma_wait3A_111 : memref<10112x128xf32, #tpu.memory_space<vmem_shared>>)
          tpu.yield
        }) : () -> ()
        %add3A_93 = arith.constant 3 : i32
        %add3A_94 = arith.addi %add3A_71, %add3A_93 : i32
        %lt3A_95 = arith.constant 40 : i32
        %lt3A_96 = arith.cmpi slt, %add3A_94, %lt3A_95 : i32
        %convert_element_type3A_97 = arith.extui %lt3A_96 : i1 to i32
        %cond3A_98 = arith.constant 0 : i32
        %cond3A_99 = arith.cmpi ne, %convert_element_type3A_97, %cond3A_98 : i32
        scf.if %cond3A_99 {
          %add3A_100 = arith.constant 3 : i32
          %add3A_101 = arith.addi %add3A_71, %add3A_100 : i32
          %dma_start3A_102 = arith.constant 0 : i32
          %dma_start3A_103 = tpu.memref_slice %arg9[%add3A_101, %dma_start3A_102] : memref<40x128xi32, #tpu.memory_space<vmem>> -> memref<1x128xi32, #tpu.memory_space<vmem>>
          %dma_start3A_104 = tpu.memref_squeeze %dma_start3A_103 : memref<1x128xi32, #tpu.memory_space<vmem>> -> memref<128xi32, #tpu.memory_space<vmem>>
          %dma_start3A_105 = arith.constant 0 : i32
          %dma_start3A_106 = arith.constant 0 : i32
          %dma_start3A_107 = tpu.memref_slice %arg2[%dma_start3A_105, %dma_start3A_106] : memref<10000x128xf32, #tpu.memory_space<hbm>> -> memref<10000x128xf32, #tpu.memory_space<hbm>>
          tpu.enqueue_indirect_dma source(%dma_start3A_107 : memref<10000x128xf32, #tpu.memory_space<hbm>>) target(%arg12 : memref<128x128xf32, #tpu.memory_space<vmem>>) offsets(%dma_start3A_104 : memref<128xi32, #tpu.memory_space<vmem>>) semaphore(%arg15 : memref<!tpu.dma_semaphore, #tpu.memory_space<semaphore_mem>>)
        } else {
        }
      }
      %scan3A_48 = arith.constant 20 : i32
      "tpu.region"() ({
        %run_scoped3A = tpu.sem_alloc : memref<!tpu.dma_semaphore, #tpu.memory_space<semaphore_mem>>
        %dma_start3A_68 = arith.constant 80 : i32
        %dma_start3A_69 = arith.constant 0 : i32
        %dma_start3A_70 = tpu.memref_slice %arg3[%arg1, %dma_start3A_68, %dma_start3A_69] : memref<16x120x128xi32, #tpu.memory_space<hbm>> -> memref<1x40x128xi32, #tpu.memory_space<hbm>>
        %dma_start3A_71 = tpu.memref_squeeze %dma_start3A_70 : memref<1x40x128xi32, #tpu.memory_space<hbm>> -> memref<40x128xi32, #tpu.memory_space<hbm>>
        %dma_start3A_72 = arith.constant 80 : i32
        %dma_start3A_73 = arith.constant 0 : i32
        %dma_start3A_74 = tpu.memref_slice %arg3[%arg1, %dma_start3A_72, %dma_start3A_73] : memref<16x120x128xi32, #tpu.memory_space<hbm>> -> memref<1x40x128xi32, #tpu.memory_space<hbm>>
        %dma_start3A_75 = tpu.memref_squeeze %dma_start3A_74 : memref<1x40x128xi32, #tpu.memory_space<hbm>> -> memref<40x128xi32, #tpu.memory_space<hbm>>
        tpu.enqueue_dma source(%dma_start3A_75 : memref<40x128xi32, #tpu.memory_space<hbm>>) target(%arg9 : memref<40x128xi32, #tpu.memory_space<vmem>>) target_semaphore(%run_scoped3A : memref<!tpu.dma_semaphore, #tpu.memory_space<semaphore_mem>>)
        %dma_wait3A = arith.constant 80 : i32
        %dma_wait3A_76 = arith.constant 0 : i32
        %dma_wait3A_77 = tpu.memref_slice %arg3[%arg1, %dma_wait3A, %dma_wait3A_76] : memref<16x120x128xi32, #tpu.memory_space<hbm>> -> memref<1x40x128xi32, #tpu.memory_space<hbm>>
        %dma_wait3A_78 = tpu.memref_squeeze %dma_wait3A_77 : memref<1x40x128xi32, #tpu.memory_space<hbm>> -> memref<40x128xi32, #tpu.memory_space<hbm>>
        %dma_wait3A_79 = arith.constant 80 : i32
        %dma_wait3A_80 = arith.constant 0 : i32
        %dma_wait3A_81 = tpu.memref_slice %arg3[%arg1, %dma_wait3A_79, %dma_wait3A_80] : memref<16x120x128xi32, #tpu.memory_space<hbm>> -> memref<1x40x128xi32, #tpu.memory_space<hbm>>
        %dma_wait3A_82 = tpu.memref_squeeze %dma_wait3A_81 : memref<1x40x128xi32, #tpu.memory_space<hbm>> -> memref<40x128xi32, #tpu.memory_space<hbm>>
        tpu.wait_dma2 semaphore(%run_scoped3A : memref<!tpu.dma_semaphore, #tpu.memory_space<semaphore_mem>>) src(%dma_wait3A_82 : memref<40x128xi32, #tpu.memory_space<hbm>>) dst(%arg9 : memref<40x128xi32, #tpu.memory_space<vmem>>)
        tpu.yield
      }) : () -> ()
      "tpu.region"() ({
        %run_scoped3A = tpu.sem_alloc : memref<!tpu.dma_semaphore, #tpu.memory_space<semaphore_mem>>
        %dma_start3A_68 = arith.constant 80 : i32
        %dma_start3A_69 = arith.constant 0 : i32
        %dma_start3A_70 = tpu.memref_slice %arg4[%arg1, %dma_start3A_68, %dma_start3A_69] : memref<16x120x128xi32, #tpu.memory_space<hbm>> -> memref<1x40x128xi32, #tpu.memory_space<hbm>>
        %dma_start3A_71 = tpu.memref_squeeze %dma_start3A_70 : memref<1x40x128xi32, #tpu.memory_space<hbm>> -> memref<40x128xi32, #tpu.memory_space<hbm>>
        %dma_start3A_72 = arith.constant 80 : i32
        %dma_start3A_73 = arith.constant 0 : i32
        %dma_start3A_74 = tpu.memref_slice %arg4[%arg1, %dma_start3A_72, %dma_start3A_73] : memref<16x120x128xi32, #tpu.memory_space<hbm>> -> memref<1x40x128xi32, #tpu.memory_space<hbm>>
        %dma_start3A_75 = tpu.memref_squeeze %dma_start3A_74 : memref<1x40x128xi32, #tpu.memory_space<hbm>> -> memref<40x128xi32, #tpu.memory_space<hbm>>
        tpu.enqueue_dma source(%dma_start3A_75 : memref<40x128xi32, #tpu.memory_space<hbm>>) target(%arg10 : memref<40x128xi32, #tpu.memory_space<vmem>>) target_semaphore(%run_scoped3A : memref<!tpu.dma_semaphore, #tpu.memory_space<semaphore_mem>>)
        %dma_wait3A = arith.constant 80 : i32
        %dma_wait3A_76 = arith.constant 0 : i32
        %dma_wait3A_77 = tpu.memref_slice %arg4[%arg1, %dma_wait3A, %dma_wait3A_76] : memref<16x120x128xi32, #tpu.memory_space<hbm>> -> memref<1x40x128xi32, #tpu.memory_space<hbm>>
        %dma_wait3A_78 = tpu.memref_squeeze %dma_wait3A_77 : memref<1x40x128xi32, #tpu.memory_space<hbm>> -> memref<40x128xi32, #tpu.memory_space<hbm>>
        %dma_wait3A_79 = arith.constant 80 : i32
        %dma_wait3A_80 = arith.constant 0 : i32
        %dma_wait3A_81 = tpu.memref_slice %arg4[%arg1, %dma_wait3A_79, %dma_wait3A_80] : memref<16x120x128xi32, #tpu.memory_space<hbm>> -> memref<1x40x128xi32, #tpu.memory_space<hbm>>
        %dma_wait3A_82 = tpu.memref_squeeze %dma_wait3A_81 : memref<1x40x128xi32, #tpu.memory_space<hbm>> -> memref<40x128xi32, #tpu.memory_space<hbm>>
        tpu.wait_dma2 semaphore(%run_scoped3A : memref<!tpu.dma_semaphore, #tpu.memory_space<semaphore_mem>>) src(%dma_wait3A_82 : memref<40x128xi32, #tpu.memory_space<hbm>>) dst(%arg10 : memref<40x128xi32, #tpu.memory_space<vmem>>)
        tpu.yield
      }) : () -> ()
      %dma_start3A_49 = arith.constant 0 : i32
      %dma_start3A_50 = arith.constant 0 : i32
      %dma_start3A_51 = tpu.memref_slice %arg9[%dma_start3A_49, %dma_start3A_50] : memref<40x128xi32, #tpu.memory_space<vmem>> -> memref<1x128xi32, #tpu.memory_space<vmem>>
      %dma_start3A_52 = tpu.memref_squeeze %dma_start3A_51 : memref<1x128xi32, #tpu.memory_space<vmem>> -> memref<128xi32, #tpu.memory_space<vmem>>
      %dma_start3A_53 = arith.constant 0 : i32
      %dma_start3A_54 = arith.constant 0 : i32
      %dma_start3A_55 = tpu.memref_slice %arg2[%dma_start3A_53, %dma_start3A_54] : memref<10000x128xf32, #tpu.memory_space<hbm>> -> memref<10000x128xf32, #tpu.memory_space<hbm>>
      tpu.enqueue_indirect_dma source(%dma_start3A_55 : memref<10000x128xf32, #tpu.memory_space<hbm>>) target(%arg11 : memref<128x128xf32, #tpu.memory_space<vmem>>) offsets(%dma_start3A_52 : memref<128xi32, #tpu.memory_space<vmem>>) semaphore(%arg14 : memref<!tpu.dma_semaphore, #tpu.memory_space<semaphore_mem>>)
      %dma_start3A_56 = arith.constant 1 : i32
      %dma_start3A_57 = arith.constant 0 : i32
      %dma_start3A_58 = tpu.memref_slice %arg9[%dma_start3A_56, %dma_start3A_57] : memref<40x128xi32, #tpu.memory_space<vmem>> -> memref<1x128xi32, #tpu.memory_space<vmem>>
      %dma_start3A_59 = tpu.memref_squeeze %dma_start3A_58 : memref<1x128xi32, #tpu.memory_space<vmem>> -> memref<128xi32, #tpu.memory_space<vmem>>
      %dma_start3A_60 = arith.constant 0 : i32
      %dma_start3A_61 = arith.constant 0 : i32
      %dma_start3A_62 = tpu.memref_slice %arg2[%dma_start3A_60, %dma_start3A_61] : memref<10000x128xf32, #tpu.memory_space<hbm>> -> memref<10000x128xf32, #tpu.memory_space<hbm>>
      tpu.enqueue_indirect_dma source(%dma_start3A_62 : memref<10000x128xf32, #tpu.memory_space<hbm>>) target(%arg12 : memref<128x128xf32, #tpu.memory_space<vmem>>) offsets(%dma_start3A_59 : memref<128xi32, #tpu.memory_space<vmem>>) semaphore(%arg15 : memref<!tpu.dma_semaphore, #tpu.memory_space<semaphore_mem>>)
      %scan3A_63 = arith.constant 0 : i32
      %scan3A_64 = arith.constant 20 : i32
      %scan3A_65 = arith.addi %scan3A_63, %scan3A_64 : i32
      %scan3A_66 = arith.constant 1 : i32
      scf.for %scan3A_68 = %scan3A_63 to %scan3A_65 step %scan3A_66  : i32 {
        %mul3A_69 = arith.constant 2 : i32
        %mul3A_70 = arith.muli %scan3A_68, %mul3A_69 : i32
        %add3A = arith.constant 0 : i32
        %add3A_71 = arith.addi %add3A, %mul3A_70 : i32
        %dma_wait3A = arith.constant 0 : i32
        %dma_wait3A_72 = tpu.memref_slice %arg9[%add3A_71, %dma_wait3A] : memref<40x128xi32, #tpu.memory_space<vmem>> -> memref<1x128xi32, #tpu.memory_space<vmem>>
        %dma_wait3A_73 = tpu.memref_squeeze %dma_wait3A_72 : memref<1x128xi32, #tpu.memory_space<vmem>> -> memref<128xi32, #tpu.memory_space<vmem>>
        %dma_wait3A_74 = arith.constant 0 : i32
        %dma_wait3A_75 = arith.constant 0 : i32
        %dma_wait3A_76 = tpu.memref_slice %arg2[%dma_wait3A_74, %dma_wait3A_75] : memref<10000x128xf32, #tpu.memory_space<hbm>> -> memref<10000x128xf32, #tpu.memory_space<hbm>>
        tpu.wait_indirect_dma semaphore(%arg14 : memref<!tpu.dma_semaphore, #tpu.memory_space<semaphore_mem>>) src(%dma_wait3A_76 : memref<10000x128xf32, #tpu.memory_space<hbm>>) dst(%arg11 : memref<128x128xf32, #tpu.memory_space<vmem>>)
        "tpu.region"() ({
          %run_scoped3A = tpu.sem_alloc : memref<!tpu.dma_semaphore, #tpu.memory_space<semaphore_mem>>
          %dma_start3A_100 = arith.constant 0 : i32
          %dma_start3A_101 = tpu.memref_slice %arg10[%add3A_71, %dma_start3A_100] : memref<40x128xi32, #tpu.memory_space<vmem>> -> memref<1x128xi32, #tpu.memory_space<vmem>>
          %dma_start3A_102 = tpu.memref_squeeze %dma_start3A_101 : memref<1x128xi32, #tpu.memory_space<vmem>> -> memref<128xi32, #tpu.memory_space<vmem>>
          %dma_start3A_103 = arith.constant 0 : i32
          %dma_start3A_104 = arith.constant 0 : i32
          %dma_start3A_105 = tpu.memref_slice %arg13[%dma_start3A_103, %dma_start3A_104] : memref<10112x128xf32, #tpu.memory_space<vmem_shared>> -> memref<10112x128xf32, #tpu.memory_space<vmem_shared>>
          tpu.enqueue_indirect_dma source(%arg11 : memref<128x128xf32, #tpu.memory_space<vmem>>) target(%dma_start3A_105 : memref<10112x128xf32, #tpu.memory_space<vmem_shared>>) offsets(%dma_start3A_102 : memref<128xi32, #tpu.memory_space<vmem>>) semaphore(%run_scoped3A : memref<!tpu.dma_semaphore, #tpu.memory_space<semaphore_mem>>) {add = true}
          %dma_wait3A_106 = arith.constant 0 : i32
          %dma_wait3A_107 = tpu.memref_slice %arg10[%add3A_71, %dma_wait3A_106] : memref<40x128xi32, #tpu.memory_space<vmem>> -> memref<1x128xi32, #tpu.memory_space<vmem>>
          %dma_wait3A_108 = tpu.memref_squeeze %dma_wait3A_107 : memref<1x128xi32, #tpu.memory_space<vmem>> -> memref<128xi32, #tpu.memory_space<vmem>>
          %dma_wait3A_109 = arith.constant 0 : i32
          %dma_wait3A_110 = arith.constant 0 : i32
          %dma_wait3A_111 = tpu.memref_slice %arg13[%dma_wait3A_109, %dma_wait3A_110] : memref<10112x128xf32, #tpu.memory_space<vmem_shared>> -> memref<10112x128xf32, #tpu.memory_space<vmem_shared>>
          tpu.wait_indirect_dma semaphore(%run_scoped3A : memref<!tpu.dma_semaphore, #tpu.memory_space<semaphore_mem>>) src(%arg11 : memref<128x128xf32, #tpu.memory_space<vmem>>) dst(%dma_wait3A_111 : memref<10112x128xf32, #tpu.memory_space<vmem_shared>>)
          tpu.yield
        }) : () -> ()
        %add3A_77 = arith.constant 2 : i32
        %add3A_78 = arith.addi %add3A_71, %add3A_77 : i32
        %lt3A = arith.constant 40 : i32
        %lt3A_79 = arith.cmpi slt, %add3A_78, %lt3A : i32
        %convert_element_type3A_80 = arith.extui %lt3A_79 : i1 to i32
        %cond3A_81 = arith.constant 0 : i32
        %cond3A_82 = arith.cmpi ne, %convert_element_type3A_80, %cond3A_81 : i32
        scf.if %cond3A_82 {
          %add3A_100 = arith.constant 2 : i32
          %add3A_101 = arith.addi %add3A_71, %add3A_100 : i32
          %dma_start3A_102 = arith.constant 0 : i32
          %dma_start3A_103 = tpu.memref_slice %arg9[%add3A_101, %dma_start3A_102] : memref<40x128xi32, #tpu.memory_space<vmem>> -> memref<1x128xi32, #tpu.memory_space<vmem>>
          %dma_start3A_104 = tpu.memref_squeeze %dma_start3A_103 : memref<1x128xi32, #tpu.memory_space<vmem>> -> memref<128xi32, #tpu.memory_space<vmem>>
          %dma_start3A_105 = arith.constant 0 : i32
          %dma_start3A_106 = arith.constant 0 : i32
          %dma_start3A_107 = tpu.memref_slice %arg2[%dma_start3A_105, %dma_start3A_106] : memref<10000x128xf32, #tpu.memory_space<hbm>> -> memref<10000x128xf32, #tpu.memory_space<hbm>>
          tpu.enqueue_indirect_dma source(%dma_start3A_107 : memref<10000x128xf32, #tpu.memory_space<hbm>>) target(%arg11 : memref<128x128xf32, #tpu.memory_space<vmem>>) offsets(%dma_start3A_104 : memref<128xi32, #tpu.memory_space<vmem>>) semaphore(%arg14 : memref<!tpu.dma_semaphore, #tpu.memory_space<semaphore_mem>>)
        } else {
        }
        %add3A_83 = arith.constant 1 : i32
        %add3A_84 = arith.addi %add3A_71, %add3A_83 : i32
        %dma_wait3A_85 = arith.constant 0 : i32
        %dma_wait3A_86 = tpu.memref_slice %arg9[%add3A_84, %dma_wait3A_85] : memref<40x128xi32, #tpu.memory_space<vmem>> -> memref<1x128xi32, #tpu.memory_space<vmem>>
        %dma_wait3A_87 = tpu.memref_squeeze %dma_wait3A_86 : memref<1x128xi32, #tpu.memory_space<vmem>> -> memref<128xi32, #tpu.memory_space<vmem>>
        %dma_wait3A_88 = arith.constant 0 : i32
        %dma_wait3A_89 = arith.constant 0 : i32
        %dma_wait3A_90 = tpu.memref_slice %arg2[%dma_wait3A_88, %dma_wait3A_89] : memref<10000x128xf32, #tpu.memory_space<hbm>> -> memref<10000x128xf32, #tpu.memory_space<hbm>>
        tpu.wait_indirect_dma semaphore(%arg15 : memref<!tpu.dma_semaphore, #tpu.memory_space<semaphore_mem>>) src(%dma_wait3A_90 : memref<10000x128xf32, #tpu.memory_space<hbm>>) dst(%arg12 : memref<128x128xf32, #tpu.memory_space<vmem>>)
        %add3A_91 = arith.constant 1 : i32
        %add3A_92 = arith.addi %add3A_71, %add3A_91 : i32
        "tpu.region"() ({
          %run_scoped3A = tpu.sem_alloc : memref<!tpu.dma_semaphore, #tpu.memory_space<semaphore_mem>>
          %dma_start3A_100 = arith.constant 0 : i32
          %dma_start3A_101 = tpu.memref_slice %arg10[%add3A_92, %dma_start3A_100] : memref<40x128xi32, #tpu.memory_space<vmem>> -> memref<1x128xi32, #tpu.memory_space<vmem>>
          %dma_start3A_102 = tpu.memref_squeeze %dma_start3A_101 : memref<1x128xi32, #tpu.memory_space<vmem>> -> memref<128xi32, #tpu.memory_space<vmem>>
          %dma_start3A_103 = arith.constant 0 : i32
          %dma_start3A_104 = arith.constant 0 : i32
          %dma_start3A_105 = tpu.memref_slice %arg13[%dma_start3A_103, %dma_start3A_104] : memref<10112x128xf32, #tpu.memory_space<vmem_shared>> -> memref<10112x128xf32, #tpu.memory_space<vmem_shared>>
          tpu.enqueue_indirect_dma source(%arg12 : memref<128x128xf32, #tpu.memory_space<vmem>>) target(%dma_start3A_105 : memref<10112x128xf32, #tpu.memory_space<vmem_shared>>) offsets(%dma_start3A_102 : memref<128xi32, #tpu.memory_space<vmem>>) semaphore(%run_scoped3A : memref<!tpu.dma_semaphore, #tpu.memory_space<semaphore_mem>>) {add = true}
          %dma_wait3A_106 = arith.constant 0 : i32
          %dma_wait3A_107 = tpu.memref_slice %arg10[%add3A_92, %dma_wait3A_106] : memref<40x128xi32, #tpu.memory_space<vmem>> -> memref<1x128xi32, #tpu.memory_space<vmem>>
          %dma_wait3A_108 = tpu.memref_squeeze %dma_wait3A_107 : memref<1x128xi32, #tpu.memory_space<vmem>> -> memref<128xi32, #tpu.memory_space<vmem>>
          %dma_wait3A_109 = arith.constant 0 : i32
          %dma_wait3A_110 = arith.constant 0 : i32
          %dma_wait3A_111 = tpu.memref_slice %arg13[%dma_wait3A_109, %dma_wait3A_110] : memref<10112x128xf32, #tpu.memory_space<vmem_shared>> -> memref<10112x128xf32, #tpu.memory_space<vmem_shared>>
          tpu.wait_indirect_dma semaphore(%run_scoped3A : memref<!tpu.dma_semaphore, #tpu.memory_space<semaphore_mem>>) src(%arg12 : memref<128x128xf32, #tpu.memory_space<vmem>>) dst(%dma_wait3A_111 : memref<10112x128xf32, #tpu.memory_space<vmem_shared>>)
          tpu.yield
        }) : () -> ()
        %add3A_93 = arith.constant 3 : i32
        %add3A_94 = arith.addi %add3A_71, %add3A_93 : i32
        %lt3A_95 = arith.constant 40 : i32
        %lt3A_96 = arith.cmpi slt, %add3A_94, %lt3A_95 : i32
        %convert_element_type3A_97 = arith.extui %lt3A_96 : i1 to i32
        %cond3A_98 = arith.constant 0 : i32
        %cond3A_99 = arith.cmpi ne, %convert_element_type3A_97, %cond3A_98 : i32
        scf.if %cond3A_99 {
          %add3A_100 = arith.constant 3 : i32
          %add3A_101 = arith.addi %add3A_71, %add3A_100 : i32
          %dma_start3A_102 = arith.constant 0 : i32
          %dma_start3A_103 = tpu.memref_slice %arg9[%add3A_101, %dma_start3A_102] : memref<40x128xi32, #tpu.memory_space<vmem>> -> memref<1x128xi32, #tpu.memory_space<vmem>>
          %dma_start3A_104 = tpu.memref_squeeze %dma_start3A_103 : memref<1x128xi32, #tpu.memory_space<vmem>> -> memref<128xi32, #tpu.memory_space<vmem>>
          %dma_start3A_105 = arith.constant 0 : i32
          %dma_start3A_106 = arith.constant 0 : i32
          %dma_start3A_107 = tpu.memref_slice %arg2[%dma_start3A_105, %dma_start3A_106] : memref<10000x128xf32, #tpu.memory_space<hbm>> -> memref<10000x128xf32, #tpu.memory_space<hbm>>
          tpu.enqueue_indirect_dma source(%dma_start3A_107 : memref<10000x128xf32, #tpu.memory_space<hbm>>) target(%arg12 : memref<128x128xf32, #tpu.memory_space<vmem>>) offsets(%dma_start3A_104 : memref<128xi32, #tpu.memory_space<vmem>>) semaphore(%arg15 : memref<!tpu.dma_semaphore, #tpu.memory_space<semaphore_mem>>)
        } else {
        }
      }
      %scan3A_67 = arith.constant 20 : i32
    } else {
    }
    %eq3A_3 = arith.constant 1 : i32
    %eq3A_4 = arith.cmpi eq, %arg0, %eq3A_3 : i32
    %convert_element_type3A_5 = arith.extui %eq3A_4 : i1 to i32
    %cond3A_6 = arith.constant 0 : i32
    %cond3A_7 = arith.cmpi ne, %convert_element_type3A_5, %cond3A_6 : i32
    scf.if %cond3A_7 {
      "tpu.region"() ({
        %run_scoped3A = tpu.sem_alloc : memref<!tpu.dma_semaphore, #tpu.memory_space<semaphore_mem>>
        %dma_start3A_30 = arith.constant 0 : i32
        %dma_start3A_31 = arith.constant 0 : i32
        %dma_start3A_32 = tpu.memref_slice %arg5[%arg1, %dma_start3A_30, %dma_start3A_31] : memref<16x40x128xi32, #tpu.memory_space<hbm>> -> memref<1x40x128xi32, #tpu.memory_space<hbm>>
        %dma_start3A_33 = tpu.memref_squeeze %dma_start3A_32 : memref<1x40x128xi32, #tpu.memory_space<hbm>> -> memref<40x128xi32, #tpu.memory_space<hbm>>
        %dma_start3A_34 = arith.constant 0 : i32
        %dma_start3A_35 = arith.constant 0 : i32
        %dma_start3A_36 = tpu.memref_slice %arg5[%arg1, %dma_start3A_34, %dma_start3A_35] : memref<16x40x128xi32, #tpu.memory_space<hbm>> -> memref<1x40x128xi32, #tpu.memory_space<hbm>>
        %dma_start3A_37 = tpu.memref_squeeze %dma_start3A_36 : memref<1x40x128xi32, #tpu.memory_space<hbm>> -> memref<40x128xi32, #tpu.memory_space<hbm>>
        tpu.enqueue_dma source(%dma_start3A_37 : memref<40x128xi32, #tpu.memory_space<hbm>>) target(%arg9 : memref<40x128xi32, #tpu.memory_space<vmem>>) target_semaphore(%run_scoped3A : memref<!tpu.dma_semaphore, #tpu.memory_space<semaphore_mem>>)
        %dma_wait3A = arith.constant 0 : i32
        %dma_wait3A_38 = arith.constant 0 : i32
        %dma_wait3A_39 = tpu.memref_slice %arg5[%arg1, %dma_wait3A, %dma_wait3A_38] : memref<16x40x128xi32, #tpu.memory_space<hbm>> -> memref<1x40x128xi32, #tpu.memory_space<hbm>>
        %dma_wait3A_40 = tpu.memref_squeeze %dma_wait3A_39 : memref<1x40x128xi32, #tpu.memory_space<hbm>> -> memref<40x128xi32, #tpu.memory_space<hbm>>
        %dma_wait3A_41 = arith.constant 0 : i32
        %dma_wait3A_42 = arith.constant 0 : i32
        %dma_wait3A_43 = tpu.memref_slice %arg5[%arg1, %dma_wait3A_41, %dma_wait3A_42] : memref<16x40x128xi32, #tpu.memory_space<hbm>> -> memref<1x40x128xi32, #tpu.memory_space<hbm>>
        %dma_wait3A_44 = tpu.memref_squeeze %dma_wait3A_43 : memref<1x40x128xi32, #tpu.memory_space<hbm>> -> memref<40x128xi32, #tpu.memory_space<hbm>>
        tpu.wait_dma2 semaphore(%run_scoped3A : memref<!tpu.dma_semaphore, #tpu.memory_space<semaphore_mem>>) src(%dma_wait3A_44 : memref<40x128xi32, #tpu.memory_space<hbm>>) dst(%arg9 : memref<40x128xi32, #tpu.memory_space<vmem>>)
        tpu.yield
      }) : () -> ()
      "tpu.region"() ({
        %run_scoped3A = tpu.sem_alloc : memref<!tpu.dma_semaphore, #tpu.memory_space<semaphore_mem>>
        %dma_start3A_30 = arith.constant 0 : i32
        %dma_start3A_31 = arith.constant 0 : i32
        %dma_start3A_32 = tpu.memref_slice %arg6[%arg1, %dma_start3A_30, %dma_start3A_31] : memref<16x40x128xi32, #tpu.memory_space<hbm>> -> memref<1x40x128xi32, #tpu.memory_space<hbm>>
        %dma_start3A_33 = tpu.memref_squeeze %dma_start3A_32 : memref<1x40x128xi32, #tpu.memory_space<hbm>> -> memref<40x128xi32, #tpu.memory_space<hbm>>
        %dma_start3A_34 = arith.constant 0 : i32
        %dma_start3A_35 = arith.constant 0 : i32
        %dma_start3A_36 = tpu.memref_slice %arg6[%arg1, %dma_start3A_34, %dma_start3A_35] : memref<16x40x128xi32, #tpu.memory_space<hbm>> -> memref<1x40x128xi32, #tpu.memory_space<hbm>>
        %dma_start3A_37 = tpu.memref_squeeze %dma_start3A_36 : memref<1x40x128xi32, #tpu.memory_space<hbm>> -> memref<40x128xi32, #tpu.memory_space<hbm>>
        tpu.enqueue_dma source(%dma_start3A_37 : memref<40x128xi32, #tpu.memory_space<hbm>>) target(%arg10 : memref<40x128xi32, #tpu.memory_space<vmem>>) target_semaphore(%run_scoped3A : memref<!tpu.dma_semaphore, #tpu.memory_space<semaphore_mem>>)
        %dma_wait3A = arith.constant 0 : i32
        %dma_wait3A_38 = arith.constant 0 : i32
        %dma_wait3A_39 = tpu.memref_slice %arg6[%arg1, %dma_wait3A, %dma_wait3A_38] : memref<16x40x128xi32, #tpu.memory_space<hbm>> -> memref<1x40x128xi32, #tpu.memory_space<hbm>>
        %dma_wait3A_40 = tpu.memref_squeeze %dma_wait3A_39 : memref<1x40x128xi32, #tpu.memory_space<hbm>> -> memref<40x128xi32, #tpu.memory_space<hbm>>
        %dma_wait3A_41 = arith.constant 0 : i32
        %dma_wait3A_42 = arith.constant 0 : i32
        %dma_wait3A_43 = tpu.memref_slice %arg6[%arg1, %dma_wait3A_41, %dma_wait3A_42] : memref<16x40x128xi32, #tpu.memory_space<hbm>> -> memref<1x40x128xi32, #tpu.memory_space<hbm>>
        %dma_wait3A_44 = tpu.memref_squeeze %dma_wait3A_43 : memref<1x40x128xi32, #tpu.memory_space<hbm>> -> memref<40x128xi32, #tpu.memory_space<hbm>>
        tpu.wait_dma2 semaphore(%run_scoped3A : memref<!tpu.dma_semaphore, #tpu.memory_space<semaphore_mem>>) src(%dma_wait3A_44 : memref<40x128xi32, #tpu.memory_space<hbm>>) dst(%arg10 : memref<40x128xi32, #tpu.memory_space<vmem>>)
        tpu.yield
      }) : () -> ()
      %dma_start3A = arith.constant 0 : i32
      %dma_start3A_13 = arith.constant 0 : i32
      %dma_start3A_14 = tpu.memref_slice %arg9[%dma_start3A, %dma_start3A_13] : memref<40x128xi32, #tpu.memory_space<vmem>> -> memref<1x128xi32, #tpu.memory_space<vmem>>
      %dma_start3A_15 = tpu.memref_squeeze %dma_start3A_14 : memref<1x128xi32, #tpu.memory_space<vmem>> -> memref<128xi32, #tpu.memory_space<vmem>>
      %dma_start3A_16 = arith.constant 0 : i32
      %dma_start3A_17 = arith.constant 0 : i32
      %dma_start3A_18 = tpu.memref_slice %arg2[%dma_start3A_16, %dma_start3A_17] : memref<10000x128xf32, #tpu.memory_space<hbm>> -> memref<10000x128xf32, #tpu.memory_space<hbm>>
      tpu.enqueue_indirect_dma source(%dma_start3A_18 : memref<10000x128xf32, #tpu.memory_space<hbm>>) target(%arg11 : memref<128x128xf32, #tpu.memory_space<vmem>>) offsets(%dma_start3A_15 : memref<128xi32, #tpu.memory_space<vmem>>) semaphore(%arg14 : memref<!tpu.dma_semaphore, #tpu.memory_space<semaphore_mem>>)
      %dma_start3A_19 = arith.constant 1 : i32
      %dma_start3A_20 = arith.constant 0 : i32
      %dma_start3A_21 = tpu.memref_slice %arg9[%dma_start3A_19, %dma_start3A_20] : memref<40x128xi32, #tpu.memory_space<vmem>> -> memref<1x128xi32, #tpu.memory_space<vmem>>
      %dma_start3A_22 = tpu.memref_squeeze %dma_start3A_21 : memref<1x128xi32, #tpu.memory_space<vmem>> -> memref<128xi32, #tpu.memory_space<vmem>>
      %dma_start3A_23 = arith.constant 0 : i32
      %dma_start3A_24 = arith.constant 0 : i32
      %dma_start3A_25 = tpu.memref_slice %arg2[%dma_start3A_23, %dma_start3A_24] : memref<10000x128xf32, #tpu.memory_space<hbm>> -> memref<10000x128xf32, #tpu.memory_space<hbm>>
      tpu.enqueue_indirect_dma source(%dma_start3A_25 : memref<10000x128xf32, #tpu.memory_space<hbm>>) target(%arg12 : memref<128x128xf32, #tpu.memory_space<vmem>>) offsets(%dma_start3A_22 : memref<128xi32, #tpu.memory_space<vmem>>) semaphore(%arg15 : memref<!tpu.dma_semaphore, #tpu.memory_space<semaphore_mem>>)
      %scan3A = arith.constant 0 : i32
      %scan3A_26 = arith.constant 20 : i32
      %scan3A_27 = arith.addi %scan3A, %scan3A_26 : i32
      %scan3A_28 = arith.constant 1 : i32
      scf.for %scan3A_30 = %scan3A to %scan3A_27 step %scan3A_28  : i32 {
        %mul3A_31 = arith.constant 2 : i32
        %mul3A_32 = arith.muli %scan3A_30, %mul3A_31 : i32
        %add3A = arith.constant 0 : i32
        %add3A_33 = arith.addi %add3A, %mul3A_32 : i32
        %dma_wait3A = arith.constant 0 : i32
        %dma_wait3A_34 = tpu.memref_slice %arg9[%add3A_33, %dma_wait3A] : memref<40x128xi32, #tpu.memory_space<vmem>> -> memref<1x128xi32, #tpu.memory_space<vmem>>
        %dma_wait3A_35 = tpu.memref_squeeze %dma_wait3A_34 : memref<1x128xi32, #tpu.memory_space<vmem>> -> memref<128xi32, #tpu.memory_space<vmem>>
        %dma_wait3A_36 = arith.constant 0 : i32
        %dma_wait3A_37 = arith.constant 0 : i32
        %dma_wait3A_38 = tpu.memref_slice %arg2[%dma_wait3A_36, %dma_wait3A_37] : memref<10000x128xf32, #tpu.memory_space<hbm>> -> memref<10000x128xf32, #tpu.memory_space<hbm>>
        tpu.wait_indirect_dma semaphore(%arg14 : memref<!tpu.dma_semaphore, #tpu.memory_space<semaphore_mem>>) src(%dma_wait3A_38 : memref<10000x128xf32, #tpu.memory_space<hbm>>) dst(%arg11 : memref<128x128xf32, #tpu.memory_space<vmem>>)
        "tpu.region"() ({
          %run_scoped3A = tpu.sem_alloc : memref<!tpu.dma_semaphore, #tpu.memory_space<semaphore_mem>>
          %dma_start3A_62 = arith.constant 0 : i32
          %dma_start3A_63 = tpu.memref_slice %arg10[%add3A_33, %dma_start3A_62] : memref<40x128xi32, #tpu.memory_space<vmem>> -> memref<1x128xi32, #tpu.memory_space<vmem>>
          %dma_start3A_64 = tpu.memref_squeeze %dma_start3A_63 : memref<1x128xi32, #tpu.memory_space<vmem>> -> memref<128xi32, #tpu.memory_space<vmem>>
          %dma_start3A_65 = arith.constant 0 : i32
          %dma_start3A_66 = arith.constant 0 : i32
          %dma_start3A_67 = tpu.memref_slice %arg13[%dma_start3A_65, %dma_start3A_66] : memref<10112x128xf32, #tpu.memory_space<vmem_shared>> -> memref<10112x128xf32, #tpu.memory_space<vmem_shared>>
          tpu.enqueue_indirect_dma source(%arg11 : memref<128x128xf32, #tpu.memory_space<vmem>>) target(%dma_start3A_67 : memref<10112x128xf32, #tpu.memory_space<vmem_shared>>) offsets(%dma_start3A_64 : memref<128xi32, #tpu.memory_space<vmem>>) semaphore(%run_scoped3A : memref<!tpu.dma_semaphore, #tpu.memory_space<semaphore_mem>>) {add = true}
          %dma_wait3A_68 = arith.constant 0 : i32
          %dma_wait3A_69 = tpu.memref_slice %arg10[%add3A_33, %dma_wait3A_68] : memref<40x128xi32, #tpu.memory_space<vmem>> -> memref<1x128xi32, #tpu.memory_space<vmem>>
          %dma_wait3A_70 = tpu.memref_squeeze %dma_wait3A_69 : memref<1x128xi32, #tpu.memory_space<vmem>> -> memref<128xi32, #tpu.memory_space<vmem>>
          %dma_wait3A_71 = arith.constant 0 : i32
          %dma_wait3A_72 = arith.constant 0 : i32
          %dma_wait3A_73 = tpu.memref_slice %arg13[%dma_wait3A_71, %dma_wait3A_72] : memref<10112x128xf32, #tpu.memory_space<vmem_shared>> -> memref<10112x128xf32, #tpu.memory_space<vmem_shared>>
          tpu.wait_indirect_dma semaphore(%run_scoped3A : memref<!tpu.dma_semaphore, #tpu.memory_space<semaphore_mem>>) src(%arg11 : memref<128x128xf32, #tpu.memory_space<vmem>>) dst(%dma_wait3A_73 : memref<10112x128xf32, #tpu.memory_space<vmem_shared>>)
          tpu.yield
        }) : () -> ()
        %add3A_39 = arith.constant 2 : i32
        %add3A_40 = arith.addi %add3A_33, %add3A_39 : i32
        %lt3A = arith.constant 40 : i32
        %lt3A_41 = arith.cmpi slt, %add3A_40, %lt3A : i32
        %convert_element_type3A_42 = arith.extui %lt3A_41 : i1 to i32
        %cond3A_43 = arith.constant 0 : i32
        %cond3A_44 = arith.cmpi ne, %convert_element_type3A_42, %cond3A_43 : i32
        scf.if %cond3A_44 {
          %add3A_62 = arith.constant 2 : i32
          %add3A_63 = arith.addi %add3A_33, %add3A_62 : i32
          %dma_start3A_64 = arith.constant 0 : i32
          %dma_start3A_65 = tpu.memref_slice %arg9[%add3A_63, %dma_start3A_64] : memref<40x128xi32, #tpu.memory_space<vmem>> -> memref<1x128xi32, #tpu.memory_space<vmem>>
          %dma_start3A_66 = tpu.memref_squeeze %dma_start3A_65 : memref<1x128xi32, #tpu.memory_space<vmem>> -> memref<128xi32, #tpu.memory_space<vmem>>
          %dma_start3A_67 = arith.constant 0 : i32
          %dma_start3A_68 = arith.constant 0 : i32
          %dma_start3A_69 = tpu.memref_slice %arg2[%dma_start3A_67, %dma_start3A_68] : memref<10000x128xf32, #tpu.memory_space<hbm>> -> memref<10000x128xf32, #tpu.memory_space<hbm>>
          tpu.enqueue_indirect_dma source(%dma_start3A_69 : memref<10000x128xf32, #tpu.memory_space<hbm>>) target(%arg11 : memref<128x128xf32, #tpu.memory_space<vmem>>) offsets(%dma_start3A_66 : memref<128xi32, #tpu.memory_space<vmem>>) semaphore(%arg14 : memref<!tpu.dma_semaphore, #tpu.memory_space<semaphore_mem>>)
        } else {
        }
        %add3A_45 = arith.constant 1 : i32
        %add3A_46 = arith.addi %add3A_33, %add3A_45 : i32
        %dma_wait3A_47 = arith.constant 0 : i32
        %dma_wait3A_48 = tpu.memref_slice %arg9[%add3A_46, %dma_wait3A_47] : memref<40x128xi32, #tpu.memory_space<vmem>> -> memref<1x128xi32, #tpu.memory_space<vmem>>
        %dma_wait3A_49 = tpu.memref_squeeze %dma_wait3A_48 : memref<1x128xi32, #tpu.memory_space<vmem>> -> memref<128xi32, #tpu.memory_space<vmem>>
        %dma_wait3A_50 = arith.constant 0 : i32
        %dma_wait3A_51 = arith.constant 0 : i32
        %dma_wait3A_52 = tpu.memref_slice %arg2[%dma_wait3A_50, %dma_wait3A_51] : memref<10000x128xf32, #tpu.memory_space<hbm>> -> memref<10000x128xf32, #tpu.memory_space<hbm>>
        tpu.wait_indirect_dma semaphore(%arg15 : memref<!tpu.dma_semaphore, #tpu.memory_space<semaphore_mem>>) src(%dma_wait3A_52 : memref<10000x128xf32, #tpu.memory_space<hbm>>) dst(%arg12 : memref<128x128xf32, #tpu.memory_space<vmem>>)
        %add3A_53 = arith.constant 1 : i32
        %add3A_54 = arith.addi %add3A_33, %add3A_53 : i32
        "tpu.region"() ({
          %run_scoped3A = tpu.sem_alloc : memref<!tpu.dma_semaphore, #tpu.memory_space<semaphore_mem>>
          %dma_start3A_62 = arith.constant 0 : i32
          %dma_start3A_63 = tpu.memref_slice %arg10[%add3A_54, %dma_start3A_62] : memref<40x128xi32, #tpu.memory_space<vmem>> -> memref<1x128xi32, #tpu.memory_space<vmem>>
          %dma_start3A_64 = tpu.memref_squeeze %dma_start3A_63 : memref<1x128xi32, #tpu.memory_space<vmem>> -> memref<128xi32, #tpu.memory_space<vmem>>
          %dma_start3A_65 = arith.constant 0 : i32
          %dma_start3A_66 = arith.constant 0 : i32
          %dma_start3A_67 = tpu.memref_slice %arg13[%dma_start3A_65, %dma_start3A_66] : memref<10112x128xf32, #tpu.memory_space<vmem_shared>> -> memref<10112x128xf32, #tpu.memory_space<vmem_shared>>
          tpu.enqueue_indirect_dma source(%arg12 : memref<128x128xf32, #tpu.memory_space<vmem>>) target(%dma_start3A_67 : memref<10112x128xf32, #tpu.memory_space<vmem_shared>>) offsets(%dma_start3A_64 : memref<128xi32, #tpu.memory_space<vmem>>) semaphore(%run_scoped3A : memref<!tpu.dma_semaphore, #tpu.memory_space<semaphore_mem>>) {add = true}
          %dma_wait3A_68 = arith.constant 0 : i32
          %dma_wait3A_69 = tpu.memref_slice %arg10[%add3A_54, %dma_wait3A_68] : memref<40x128xi32, #tpu.memory_space<vmem>> -> memref<1x128xi32, #tpu.memory_space<vmem>>
          %dma_wait3A_70 = tpu.memref_squeeze %dma_wait3A_69 : memref<1x128xi32, #tpu.memory_space<vmem>> -> memref<128xi32, #tpu.memory_space<vmem>>
          %dma_wait3A_71 = arith.constant 0 : i32
          %dma_wait3A_72 = arith.constant 0 : i32
          %dma_wait3A_73 = tpu.memref_slice %arg13[%dma_wait3A_71, %dma_wait3A_72] : memref<10112x128xf32, #tpu.memory_space<vmem_shared>> -> memref<10112x128xf32, #tpu.memory_space<vmem_shared>>
          tpu.wait_indirect_dma semaphore(%run_scoped3A : memref<!tpu.dma_semaphore, #tpu.memory_space<semaphore_mem>>) src(%arg12 : memref<128x128xf32, #tpu.memory_space<vmem>>) dst(%dma_wait3A_73 : memref<10112x128xf32, #tpu.memory_space<vmem_shared>>)
          tpu.yield
        }) : () -> ()
        %add3A_55 = arith.constant 3 : i32
        %add3A_56 = arith.addi %add3A_33, %add3A_55 : i32
        %lt3A_57 = arith.constant 40 : i32
        %lt3A_58 = arith.cmpi slt, %add3A_56, %lt3A_57 : i32
        %convert_element_type3A_59 = arith.extui %lt3A_58 : i1 to i32
        %cond3A_60 = arith.constant 0 : i32
        %cond3A_61 = arith.cmpi ne, %convert_element_type3A_59, %cond3A_60 : i32
        scf.if %cond3A_61 {
          %add3A_62 = arith.constant 3 : i32
          %add3A_63 = arith.addi %add3A_33, %add3A_62 : i32
          %dma_start3A_64 = arith.constant 0 : i32
          %dma_start3A_65 = tpu.memref_slice %arg9[%add3A_63, %dma_start3A_64] : memref<40x128xi32, #tpu.memory_space<vmem>> -> memref<1x128xi32, #tpu.memory_space<vmem>>
          %dma_start3A_66 = tpu.memref_squeeze %dma_start3A_65 : memref<1x128xi32, #tpu.memory_space<vmem>> -> memref<128xi32, #tpu.memory_space<vmem>>
          %dma_start3A_67 = arith.constant 0 : i32
          %dma_start3A_68 = arith.constant 0 : i32
          %dma_start3A_69 = tpu.memref_slice %arg2[%dma_start3A_67, %dma_start3A_68] : memref<10000x128xf32, #tpu.memory_space<hbm>> -> memref<10000x128xf32, #tpu.memory_space<hbm>>
          tpu.enqueue_indirect_dma source(%dma_start3A_69 : memref<10000x128xf32, #tpu.memory_space<hbm>>) target(%arg12 : memref<128x128xf32, #tpu.memory_space<vmem>>) offsets(%dma_start3A_66 : memref<128xi32, #tpu.memory_space<vmem>>) semaphore(%arg15 : memref<!tpu.dma_semaphore, #tpu.memory_space<semaphore_mem>>)
        } else {
        }
      }
      %scan3A_29 = arith.constant 20 : i32
    } else {
    }
    %barrier3A_8 = arith.constant 0 : index
    tpu.barrier barrier_id(%barrier3A_8)
    %mul3A_9 = arith.constant 632 : i32
    %mul3A_10 = arith.muli %arg1, %mul3A_9 : i32
    %mul3A_11 = arith.constant 632 : i32
    %mul3A_12 = arith.muli %arg1, %mul3A_11 : i32
    "tpu.region"() ({
      %run_scoped3A = tpu.sem_alloc : memref<!tpu.dma_semaphore, #tpu.memory_space<semaphore_mem>>
      %dma_start3A = arith.constant 0 : i32
      %dma_start3A_13 = tpu.memref_slice %arg8[%arg0, %mul3A_12, %dma_start3A] : memref<2x10112x128xf32, #tpu.memory_space<hbm>> -> memref<1x632x128xf32, #tpu.memory_space<hbm>>
      %dma_start3A_14 = tpu.memref_squeeze %dma_start3A_13 : memref<1x632x128xf32, #tpu.memory_space<hbm>> -> memref<632x128xf32, #tpu.memory_space<hbm>>
      %dma_start3A_15 = arith.constant 0 : i32
      %dma_start3A_16 = tpu.memref_slice %arg13[%mul3A_10, %dma_start3A_15] : memref<10112x128xf32, #tpu.memory_space<vmem_shared>> -> memref<632x128xf32, #tpu.memory_space<vmem_shared>>
      tpu.enqueue_dma source(%dma_start3A_16 : memref<632x128xf32, #tpu.memory_space<vmem_shared>>) target(%dma_start3A_14 : memref<632x128xf32, #tpu.memory_space<hbm>>) target_semaphore(%run_scoped3A : memref<!tpu.dma_semaphore, #tpu.memory_space<semaphore_mem>>)
      %dma_wait3A = arith.constant 0 : i32
      %dma_wait3A_17 = tpu.memref_slice %arg8[%arg0, %mul3A_12, %dma_wait3A] : memref<2x10112x128xf32, #tpu.memory_space<hbm>> -> memref<1x632x128xf32, #tpu.memory_space<hbm>>
      %dma_wait3A_18 = tpu.memref_squeeze %dma_wait3A_17 : memref<1x632x128xf32, #tpu.memory_space<hbm>> -> memref<632x128xf32, #tpu.memory_space<hbm>>
      %dma_wait3A_19 = arith.constant 0 : i32
      %dma_wait3A_20 = tpu.memref_slice %arg13[%mul3A_10, %dma_wait3A_19] : memref<10112x128xf32, #tpu.memory_space<vmem_shared>> -> memref<632x128xf32, #tpu.memory_space<vmem_shared>>
      tpu.wait_dma2 semaphore(%run_scoped3A : memref<!tpu.dma_semaphore, #tpu.memory_space<semaphore_mem>>) src(%dma_wait3A_20 : memref<632x128xf32, #tpu.memory_space<vmem_shared>>) dst(%dma_wait3A_18 : memref<632x128xf32, #tpu.memory_space<hbm>>)
      tpu.yield
    }) : () -> ()
    return
  }
}

module attributes {stable_mosaic.version = 14 : i64} {
  func.func @_tc_scale_body(%arg0: memref<2x1x10240xf32, #tpu.memory_space<vmem>>, %arg1: memref<10000x128xf32, #tpu.memory_space<vmem>>, %arg2: memref<10000x128xf32, #tpu.memory_space<vmem>>, %arg3: memref<10000x1xf32, #tpu.memory_space<vmem>>) attributes {dimension_semantics = [], scalar_prefetch = 0 : i64, scratch_operands = 0 : i64, tpu.core_type = #tpu.core_type<tc>} {
    %get3A = arith.constant 0 : index
    %get3A_0 = arith.constant 0 : index
    %get3A_1 = arith.constant 0 : index
    %get3A_2 = vector.load %arg0[%get3A, %get3A_0, %get3A_1] : memref<2x1x10240xf32, #tpu.memory_space<vmem>>, vector<1x1x10000xf32>
    %get3A_3 = vector.shape_cast %get3A_2 : vector<1x1x10000xf32> to vector<10000xf32>
    %get3A_4 = arith.constant 1 : index
    %get3A_5 = arith.constant 0 : index
    %get3A_6 = arith.constant 0 : index
    %get3A_7 = vector.load %arg0[%get3A_4, %get3A_5, %get3A_6] : memref<2x1x10240xf32, #tpu.memory_space<vmem>>, vector<1x1x10000xf32>
    %get3A_8 = vector.shape_cast %get3A_7 : vector<1x1x10000xf32> to vector<10000xf32>
    %add3A = arith.addf %get3A_3, %get3A_8 : vector<10000xf32>
    %reshape3A = vector.shape_cast %add3A : vector<10000xf32> to vector<10000x1xf32>
    %max3A = arith.constant 1.000000e+00 : f32
    %max3A_9 = vector.broadcast %max3A : f32 to vector<10000x1xf32>
    %max3A_10 = arith.maximumf %reshape3A, %max3A_9 : vector<10000x1xf32>
    %rsqrt3A = math.rsqrt %max3A_10 : vector<10000x1xf32>
    %swap3A = arith.constant 0 : index
    %swap3A_11 = arith.constant 0 : index
    %swap3A_12 = vector.load %arg3[%swap3A, %swap3A_11] : memref<10000x1xf32, #tpu.memory_space<vmem>>, vector<10000x1xf32>
    tpu.vector_store %arg3[%swap3A, %swap3A_11], %rsqrt3A {strides = array<i32>} : memref<10000x1xf32, #tpu.memory_space<vmem>>, vector<10000x1xf32>,
    %get3A_13 = arith.constant 0 : index
    %get3A_14 = arith.constant 0 : index
    %get3A_15 = vector.load %arg1[%get3A_13, %get3A_14] : memref<10000x128xf32, #tpu.memory_space<vmem>>, vector<10000x128xf32>
    %mul3A = vector.broadcast %rsqrt3A : vector<10000x1xf32> to vector<10000x128xf32>
    %mul3A_16 = arith.mulf %get3A_15, %mul3A : vector<10000x128xf32>
    %swap3A_17 = arith.constant 0 : index
    %swap3A_18 = arith.constant 0 : index
    %swap3A_19 = vector.load %arg2[%swap3A_17, %swap3A_18] : memref<10000x128xf32, #tpu.memory_space<vmem>>, vector<10000x128xf32>
    tpu.vector_store %arg2[%swap3A_17, %swap3A_18], %mul3A_16 {strides = array<i32>} : memref<10000x128xf32, #tpu.memory_space<vmem>>, vector<10000x128xf32>,
    return
  }
}

module attributes {stable_mosaic.version = 14 : i64} {
  func.func @_tc_dense_body(%arg0: memref<2x10112x128xf32, #tpu.memory_space<vmem>>, %arg1: memref<10000x1xf32, #tpu.memory_space<vmem>>, %arg2: memref<128x128xf32, #tpu.memory_space<vmem>>, %arg3: memref<1x128xf32, #tpu.memory_space<vmem>>, %arg4: memref<128x64xf32, #tpu.memory_space<vmem>>, %arg5: memref<10000x128xf32, #tpu.memory_space<vmem>>) attributes {dimension_semantics = [], scalar_prefetch = 0 : i64, scratch_operands = 0 : i64, tpu.core_type = #tpu.core_type<tc>} {
    %get3A = arith.constant 0 : index
    %get3A_0 = arith.constant 0 : index
    %get3A_1 = arith.constant 0 : index
    %get3A_2 = vector.load %arg0[%get3A, %get3A_0, %get3A_1] : memref<2x10112x128xf32, #tpu.memory_space<vmem>>, vector<1x10000x128xf32>
    %get3A_3 = vector.shape_cast %get3A_2 : vector<1x10000x128xf32> to vector<10000x128xf32>
    %get3A_4 = arith.constant 1 : index
    %get3A_5 = arith.constant 0 : index
    %get3A_6 = arith.constant 0 : index
    %get3A_7 = vector.load %arg0[%get3A_4, %get3A_5, %get3A_6] : memref<2x10112x128xf32, #tpu.memory_space<vmem>>, vector<1x10000x128xf32>
    %get3A_8 = vector.shape_cast %get3A_7 : vector<1x10000x128xf32> to vector<10000x128xf32>
    %add3A = arith.addf %get3A_3, %get3A_8 : vector<10000x128xf32>
    %get3A_9 = arith.constant 0 : index
    %get3A_10 = arith.constant 0 : index
    %get3A_11 = vector.load %arg1[%get3A_9, %get3A_10] : memref<10000x1xf32, #tpu.memory_space<vmem>>, vector<10000x1xf32>
    %mul3A = vector.broadcast %get3A_11 : vector<10000x1xf32> to vector<10000x128xf32>
    %mul3A_12 = arith.mulf %add3A, %mul3A : vector<10000x128xf32>
    %get3A_13 = arith.constant 0 : index
    %get3A_14 = arith.constant 0 : index
    %get3A_15 = vector.load %arg2[%get3A_13, %get3A_14] : memref<128x128xf32, #tpu.memory_space<vmem>>, vector<128x128xf32>
    %dot_general3A = arith.constant dense<0.000000e+00> : vector<10000x128xf32>
    %dot_general3A_16 = tpu.matmul %mul3A_12, %get3A_15, %dot_general3A {dimension_numbers = #tpu.dot_dimension_numbers<[1], [0], [0], [1], [0, 0, 1, 1], [], []>, transpose_lhs_hint = false} : vector<10000x128xf32>, vector<128x128xf32>, vector<10000x128xf32> -> vector<10000x128xf32>
    %get3A_17 = arith.constant 0 : index
    %get3A_18 = arith.constant 0 : index
    %get3A_19 = vector.load %arg3[%get3A_17, %get3A_18] : memref<1x128xf32, #tpu.memory_space<vmem>>, vector<1x128xf32>
    %add3A_20 = vector.broadcast %get3A_19 : vector<1x128xf32> to vector<10000x128xf32>
    %add3A_21 = arith.addf %dot_general3A_16, %add3A_20 : vector<10000x128xf32>
    %max3A = arith.constant 0.000000e+00 : f32
    %max3A_22 = vector.broadcast %max3A : f32 to vector<10000x128xf32>
    %max3A_23 = arith.maximumf %add3A_21, %max3A_22 : vector<10000x128xf32>
    %get3A_24 = arith.constant 0 : index
    %get3A_25 = arith.constant 0 : index
    %get3A_26 = vector.load %arg4[%get3A_24, %get3A_25] : memref<128x64xf32, #tpu.memory_space<vmem>>, vector<128x64xf32>
    %dot_general3A_27 = arith.constant dense<0.000000e+00> : vector<10000x64xf32>
    %dot_general3A_28 = tpu.matmul %max3A_23, %get3A_26, %dot_general3A_27 {dimension_numbers = #tpu.dot_dimension_numbers<[1], [0], [0], [1], [0, 0, 1, 1], [], []>, transpose_lhs_hint = false} : vector<10000x128xf32>, vector<128x64xf32>, vector<10000x64xf32> -> vector<10000x64xf32>
    %get3A_29 = arith.constant 0 : index
    %get3A_30 = arith.constant 0 : index
    %get3A_31 = vector.load %arg1[%get3A_29, %get3A_30] : memref<10000x1xf32, #tpu.memory_space<vmem>>, vector<10000x1xf32>
    %mul3A_32 = vector.broadcast %get3A_31 : vector<10000x1xf32> to vector<10000x64xf32>
    %mul3A_33 = arith.mulf %dot_general3A_28, %mul3A_32 : vector<10000x64xf32>
    %broadcast_in_dim3A = arith.constant 0.000000e+00 : f32
    %broadcast_in_dim3A_34 = vector.broadcast %broadcast_in_dim3A : f32 to vector<10000x64xf32>
    %concatenate3A = tpu.concatenate %mul3A_33, %broadcast_in_dim3A_34 in 1 : vector<10000x64xf32>, vector<10000x64xf32> -> vector<10000x128xf32>
    %swap3A = arith.constant 0 : index
    %swap3A_35 = arith.constant 0 : index
    %swap3A_36 = vector.load %arg5[%swap3A, %swap3A_35] : memref<10000x128xf32, #tpu.memory_space<vmem>>, vector<10000x128xf32>
    tpu.vector_store %arg5[%swap3A, %swap3A_35], %concatenate3A {strides = array<i32>} : memref<10000x128xf32, #tpu.memory_space<vmem>>, vector<10000x128xf32>,
    return
  }
}

module attributes {stable_mosaic.version = 14 : i64} {
  func.func @_tc_out_body(%arg0: memref<2x10112x128xf32, #tpu.memory_space<vmem>>, %arg1: memref<10000x1xf32, #tpu.memory_space<vmem>>, %arg2: memref<1x64xf32, #tpu.memory_space<vmem>>, %arg3: memref<10000x64xf32, #tpu.memory_space<vmem>>) attributes {dimension_semantics = [], scalar_prefetch = 0 : i64, scratch_operands = 0 : i64, tpu.core_type = #tpu.core_type<tc>} {
    %get3A = arith.constant 0 : index
    %get3A_0 = arith.constant 0 : index
    %get3A_1 = arith.constant 0 : index
    %get3A_2 = vector.load %arg0[%get3A, %get3A_0, %get3A_1] : memref<2x10112x128xf32, #tpu.memory_space<vmem>>, vector<1x10000x64xf32>
    %get3A_3 = vector.shape_cast %get3A_2 : vector<1x10000x64xf32> to vector<10000x64xf32>
    %get3A_4 = arith.constant 1 : index
    %get3A_5 = arith.constant 0 : index
    %get3A_6 = arith.constant 0 : index
    %get3A_7 = vector.load %arg0[%get3A_4, %get3A_5, %get3A_6] : memref<2x10112x128xf32, #tpu.memory_space<vmem>>, vector<1x10000x64xf32>
    %get3A_8 = vector.shape_cast %get3A_7 : vector<1x10000x64xf32> to vector<10000x64xf32>
    %add3A = arith.addf %get3A_3, %get3A_8 : vector<10000x64xf32>
    %get3A_9 = arith.constant 0 : index
    %get3A_10 = arith.constant 0 : index
    %get3A_11 = vector.load %arg1[%get3A_9, %get3A_10] : memref<10000x1xf32, #tpu.memory_space<vmem>>, vector<10000x1xf32>
    %mul3A = vector.broadcast %get3A_11 : vector<10000x1xf32> to vector<10000x64xf32>
    %mul3A_12 = arith.mulf %add3A, %mul3A : vector<10000x64xf32>
    %get3A_13 = arith.constant 0 : index
    %get3A_14 = arith.constant 0 : index
    %get3A_15 = vector.load %arg2[%get3A_13, %get3A_14] : memref<1x64xf32, #tpu.memory_space<vmem>>, vector<1x64xf32>
    %add3A_16 = vector.broadcast %get3A_15 : vector<1x64xf32> to vector<10000x64xf32>
    %add3A_17 = arith.addf %mul3A_12, %add3A_16 : vector<10000x64xf32>
    %swap3A = arith.constant 0 : index
    %swap3A_18 = arith.constant 0 : index
    %swap3A_19 = vector.load %arg3[%swap3A, %swap3A_18] : memref<10000x64xf32, #tpu.memory_space<vmem>>, vector<10000x64xf32>
    tpu.vector_store %arg3[%swap3A, %swap3A_18], %add3A_17 {strides = array<i32>} : memref<10000x64xf32, #tpu.memory_space<vmem>>, vector<10000x64xf32>,
    return
  }
}

</mosaic_0001>

<sc_bundles>
// kernel: kernel.11.cloned.1.call-start
scs
__scs_entry_jumppad:
0x0: {  	(pc) =	sbr.rel $0x88, $3  }
0x1: {  	(tag) =	ssettag $0x0;
	lr =	simm.s32 $0x1  }
0x2: {  	[smem:$0x3F9B] =	sst lr;
	_ =	strace $0xD0000000  }
0x3: {  	_ = 	snop  }
0x4: {  	_ = 	snop  }
0x5: {  	_ = 	snop  }
0x6: {  	_ = 	snop  }
0x7: {  	_ = 	snop  }
__scs_overlays_trampoline_lowered:
0x8: {  	[smem:$0x3FAA] =	sst s0  }
0x9: {  	[smem:$0x3FAB] =	sst s1  }
0xa: {  	[smem:$0x3FAC] =	sst s2  }
0xb: {  	[smem:$0x3FAD] =	sst s3  }
0xc: {  	[smem:$0x3FAE] =	sst s4  }
0xd: {  	[smem:$0x3FAF] =	sst s5  }
0xe: {  	[smem:$0x3FB0] =	sst s6  }
0xf: {  	[smem:$0x3FB1] =	sst s7  }
0x10: {  	[smem:$0x3FB2] =	sst s8  }
0x11: {  	[smem:$0x3FB3] =	sst s9;
	s0 =	simm.s32 @!p0 $0x0  }
0x12: {  	s1 =	sld [smem:$0x3F99];
	s0 =	simm.s32 @p0 $0x1  }
0x13: {  	[smem:$0x3FB4] =	sst s0;
	s0 =	simm.s32 @!p1 $0x0  }
0x14: {  	s2 =	sld [smem:$0x3F98];
	s0 =	simm.s32 @p1 $0x1  }
0x15: {  	[smem:$0x3FB5] =	sst s0;
	s0 =	simm.s32 @!p2 $0x0  }
0x16: {  	s3 =	sld [smem:$0x3FDB];
	s0 =	simm.s32 @p2 $0x1  }
0x17: {  	s4 =	simm.s32 $0x1BF5;
	[smem:$0x3FB7] =	sst s0  }
0x18: {  	s0 =	sld [smem:$0x3F9A];
	_ =	swait.ge [sflag:s4], $0x0  }
0x19: {  	s7 =	sld [smem:$0x3F9B]  }
0x1a: {  	s8 =	sadd.s32 $0xFFFFE003, lr  }
0x1b: {  	s9 =	sadd.s32 $0xFFFFFEF7, lr;
	s5 =	simm.s32 $0xFFFFFFFF;
	p2 =	slt.u32 s8, $0xFFFFF086  }
0x1c: {  	p1 =	slt.u32 s9, $0xF7A;
	s5 =	simm.s32 @!p2 $0x0  }
0x1d: {  	s5 =	simm.s32 @p1 $0x1;
	p0 =	seq.s32 s7, s2  }
0x1e: {  	s7 =	smul.u32 @!p0 $0xF7A, s2;
	p2 =	seq.s32 @!p0 s5, $0x0  }
0x1f: {  	s9 =	smul.u32 $0xF7A, s1;
	s8 =	simm.s32 @!p0 $0x1BF5;
	p2 =	por !p2, p0  }
0x20: {  	[sflag:s8] =	ssyncset.s32 @!p0 $0xFFFFF086;
	s6 =	sadd.s32 @!p0 s3, s7;
	s7 =	simm.s32 @!p0 $0x108  }
0x21: {  	s3 =	sadd.s32 s3, s9;
	s6 =	sadd.s32 @!p0 $0x88, s6;
	s7 =	simm.s32 @p2 $0x1082  }
0x22: {  	[simem:s7], [sflag:s8] =	dma.local @!p0 [hbm:s6], $0xF7A  }
0x23: {  	s9 =	sor.u32 $0xD0000000, s2;
	s6 =	simm.s32 $0x108;
	_ =	swait.ge @!p0 [sflag:s8], $0x0  }
0x24: {  	s3 =	sadd.s32 $0x88, s3;
	s6 =	simm.s32 @!p1 $0x1082;
	[sflag:s4] =	ssyncset.s32 $0xFFFFF086  }
0x25: {  	[simem:s6], [sflag:s4] =	dma.local [hbm:s3], $0xF7A  }
0x26: {  	[smem:$0x3F9B] =	sst s1;
	(tag) =	ssettag s2;
	_ =	strace s9  }
0x27: {  	s1 =	sld [smem:$0x3FAB]  }
0x28: {  	s2 =	sld [smem:$0x3FAC]  }
0x29: {  	s4 =	sld [smem:$0x3FAE]  }
0x2a: {  	p0 =	seq.s32 s5, $0x0;
	s5 =	sld [smem:$0x3FAF]  }
0x2b: {  	s6 =	sld [smem:$0x3FB0]  }
0x2c: {  	s7 =	sld [smem:$0x3FB1]  }
0x2d: {  	s3 =	simm.s32 $0x108;
	s8 =	sld [smem:$0x3FB2]  }
0x2e: {  	s3 =	simm.s32 @!p0 $0x1082;
	s9 =	sld [smem:$0x3FB3]  }
0x2f: {  	lr =	sadd.s32 s0, s3;
	s0 =	sld [smem:$0x3FAA]  }
0x30: {  	s3 =	sld [smem:$0x3FAD]  }
0x31: {  	[smem:$0x3FB6] =	sst s10  }
0x32: {  	s10 =	sld [smem:$0x3FB4];
	_ =	sdelay $0x3  }
0x33: {  	p0 =	seq.s32 s10, $0x1;
	s10 =	sld [smem:$0x3FB6];
	_ =	sdelay $0x3  }
0x34: {  	[smem:$0x3FB6] =	sst s10  }
0x35: {  	s10 =	sld [smem:$0x3FB5];
	_ =	sdelay $0x3  }
0x36: {  	p1 =	seq.s32 s10, $0x1;
	s10 =	sld [smem:$0x3FB6];
	_ =	sdelay $0x3  }
0x37: {  	[smem:$0x3FB6] =	sst s10  }
0x38: {  	s10 =	sld [smem:$0x3FB7]  }
0x39: {  	_ = 	snop;
	(pc) =	sbr.ind lr, $3  }
0x3a: {  	_ = 	snop  }
0x3b: {  	_ = 	snop  }
0x3c: {  	p2 =	seq.s32 s10, $0x1;
	s10 =	sld [smem:$0x3FB6]  }
0x3d: {  	_ =	shalt  }
0x3e: {  	_ =	shalt  }
0x3f: {  	_ =	shalt  }
0x40: {  	_ =	shalt  }
0x41: {  	_ =	shalt  }
0x42: {  	_ =	shalt  }
0x43: {  	_ =	shalt  }
0x44: {  	_ =	shalt  }
0x45: {  	_ =	shalt  }
0x46: {  	_ =	shalt  }
0x47: {  	_ =	shalt  }
0x48: {  	_ =	shalt  }
0x49: {  	_ =	shalt  }
0x4a: {  	_ =	shalt  }
0x4b: {  	_ =	shalt  }
0x4c: {  	_ =	shalt  }
0x4d: {  	_ =	shalt  }
0x4e: {  	_ =	shalt  }
0x4f: {  	_ =	shalt  }
0x50: {  	_ =	shalt  }
0x51: {  	_ =	shalt  }
0x52: {  	_ =	shalt  }
0x53: {  	_ =	shalt  }
0x54: {  	_ =	shalt  }
0x55: {  	_ =	shalt  }
0x56: {  	_ =	shalt  }
0x57: {  	_ =	shalt  }
0x58: {  	_ =	shalt  }
0x59: {  	_ =	shalt  }
0x5a: {  	_ =	shalt  }
0x5b: {  	_ =	shalt  }
0x5c: {  	_ =	shalt  }
0x5d: {  	_ =	shalt  }
0x5e: {  	_ =	shalt  }
0x5f: {  	_ =	shalt  }
0x60: {  	_ =	shalt  }
0x61: {  	_ =	shalt  }
0x62: {  	_ =	shalt  }
0x63: {  	_ =	shalt  }
0x64: {  	_ =	shalt  }
0x65: {  	_ =	shalt  }
0x66: {  	_ =	shalt  }
0x67: {  	_ =	shalt  }
0x68: {  	_ =	shalt  }
0x69: {  	_ =	shalt  }
0x6a: {  	_ =	shalt  }
0x6b: {  	_ =	shalt  }
0x6c: {  	_ =	shalt  }
0x6d: {  	_ =	shalt  }
0x6e: {  	_ =	shalt  }
0x6f: {  	_ =	shalt  }
0x70: {  	_ =	shalt  }
0x71: {  	_ =	shalt  }
0x72: {  	_ =	shalt  }
0x73: {  	_ =	shalt  }
0x74: {  	_ =	shalt  }
0x75: {  	_ =	shalt  }
0x76: {  	_ =	shalt  }
0x77: {  	_ =	shalt  }
0x78: {  	_ =	shalt  }
0x79: {  	_ =	shalt  }
0x7a: {  	_ =	shalt  }
0x7b: {  	_ =	shalt  }
0x7c: {  	_ =	shalt  }
0x7d: {  	_ =	shalt  }
0x7e: {  	_ =	shalt  }
0x7f: {  	_ =	shalt  }
0x80: {  	_ =	shalt  }
0x81: {  	_ =	shalt  }
0x82: {  	_ =	shalt  }
0x83: {  	_ =	shalt  }
0x84: {  	_ =	shalt  }
0x85: {  	_ =	shalt  }
0x86: {  	_ =	shalt  }
0x87: {  	_ =	shalt  }
.Lfunc_end0:
.L_simem_size_0:
called_computation.1_lowered:
.L_overlay_start_0:
0x88: {  	s2 =	sld [smem:$0x3FD9]  }
0x89: {  	s3 =	sld [smem:$0x3FFE];
	_ =	sdelay $0x1  }
0x8a: {  	s1 =	srdreg.scid  }
0x8b: {  	s0 =	sand.u32 $0x1, s1  }
0x8c: {  	s17 =	sshll.u32 s0, $0xA;
	s2 =	sadd.s32 s3, s2  }
0x8d: {  	s2 =	sadd.s32 s2, s17  }
0x8e: {  	[smem:$0x3FC2] =	sst s2  }
0x8f: {  	_ = 	snop  }
0x90: {  	s2 =	sld [smem:$0x3FD0];
	(tm) =	ssettm $0x1  }
0x91: {  	s18 =	sld [smem:$0x3FFB];
	_ =	sdelay $0x3  }
0x92: {  	_ =	strace s18  }
0x93: {  	s3 =	sld [smem:$0x3FFC];
	_ =	sdelay $0x3  }
0x94: {  	_ =	strace s3  }
0x95: {  	s3 =	sld [smem:$0x3FFD];
	_ =	sdelay $0x3  }
0x96: {  	_ =	strace s3  }
0x97: {  	_ =	strace $0x8FFFFFFF  }
0x98: {  	s19 =	sld [smem:$0x3FDB];
	_ =	sdelay $0x1  }
0x99: {  	s4 =	simm.s32 $_scs_section_size  }
0x9a: {  	s5 =	simm.s32 $_size__tile_overlayer_lowered;
	s6 =	simm.s32 $_tile_overlayer_lowered  }
0x9b: {  	s22 =	simm.s32 $0x1BFF;
	s21 =	sshll.u32 s6, $0x1;
	s3 =	sadd.s32 s4, s19  }
0x9c: {  	s7 =	simm.s32 $0x0;
	s20 =	sshll.u32 s5, $0x1;
	s5 =	sadd.s32 s21, s3  }
0x9d: {  	[timem:s7], [sflag:s22] =	dma.local [hbm:s5], s20  }
0x9e: {  	_ =	swait.ge [sflag:s22], s20  }
0x9f: {  	s4 =	ssub.s32 $0x0, s20;
	[sflag:s22] =	ssyncset.done $0x0  }
0xa0: {  	[sflag:s22] =	ssyncadd.s32 s4;
	_ =	sdelay $0x1  }
0xa1: {  	s23 =	simm.s32 $0x1B8B  }
0xa2: {  	_ =	swait.ge [sflag:s23], $0x1  }
0xa3: {  	[sflag:s23] =	ssyncset.done $0x0  }
0xa4: {  	s25 =	simm.s32 $0x1B8E;
	s24 =	sld [smem:$0x3FFE];
	[sflag:s23] =	ssyncadd.s32 $0xFFFFFFFF  }
0xa5: {  	s26 =	simm.s32 $execute0_lowered;
	[smem:$0x3FD2] =	sst s25  }
0xa6: {  	s5 =	sshll.u32 s26, $0x1;
	_ =	strace $0x80000049;
	[dreg:$0x1] =	wrdreg $0xFFFFFFFF  }
0xa7: {  	s28 =	simm.s32 $_size_execute0_lowered;
	s3 =	sadd.s32 s3, s5;
	[dreg:$0x0] =	wrdreg $0x0  }
0xa8: {  	s5 =	sshll.u32 s28, $0x1;
	[dreg:$0x2] =	wrdreg s3  }
0xa9: {  	[dreg:$0x3] =	wrdreg s5  }
0xaa: {  	[dreg:$0x4] =	wrdreg $0xC0  }
0xab: {  	_ =	task [dreg:s7], $0x5FFFF  }
0xac: {  	[dreg:$0x1] =	wrdreg $0xFFFFFFFF  }
0xad: {  	[dreg:$0x0] =	wrdreg $0x60  }
0xae: {  	[dreg:$0x2] =	wrdreg s24  }
0xaf: {  	[dreg:$0x3] =	wrdreg s2  }
0xb0: {  	[dreg:$0x4] =	wrdreg $0xA8000  }
0xb1: {  	[dreg:$0x5] =	wrdreg $0x9  }
0xb2: {  	_ =	task.clear_ibuf [dreg:s7], $0x6FFFF;
	_ =	strace $0x90000049  }
0xb3: {  	s29 =	simm.s32 $0x9;
	_ =	strace $0x8000004B  }
0xb4: {  	_ =	swait.ge [sflag:s29], $0x1  }
0xb5: {  	[sflag:s29] =	ssyncadd.s32 $0xFFFFFFFF  }
0xb6: {  	_ =	strace $0x9000004B  }
0xb7: {  	_ =	sfence  }
0xb8: {  	s30 =	sld [smem:$0x0];
	_ =	sdelay $0x2  }
0xb9: {  	s31 =	sshll.u32 s1, $0xD;
	s1 =	sshrl.u32 s1, $0x2  }
0xba: {  	s3 =	sand.u32 $0x4000, s31;
	s1 =	sadd.s32 s1, s30  }
0xbb: {  	s0 =	sor.u32 s3, s0;
	s1 =	sshll.u32 s1, $0x11  }
0xbc: {  	s0 =	sor.u32 s1, s0  }
0xbd: {  	s0 =	sadd.s32 $0x8F2B, s0  }
0xbe: {  	[sflag:s0] =	ssyncadd.remote.s32 $0x1  }
0xbf: {  	_ =	sfence.sel $0xFFFF  }
0xc0: {  	[dreg:$0x0] =	wrdreg $0xFFFFFFFF;
	(pc) =	sbr.abs _section_cstart, $3  }
0xc1: {  	[dreg:$0x1] =	wrdreg $0xFFFFFFFF  }
0xc2: {  	_ =	task.clear_ibuf [dreg:s7], $0x2FFFF;
	_ =	strace $0x9FFFFFFF  }
0xc3: {  	(tm) =	ssettm $0x7FFFFFFF  }
tec
execute0_lowered:
.L_overlay_start_1:
0x0: {  	(tag) =	ssettag $0x1  }
0x1: {  	s6 =	rddreg [dreg:$0x0]  }
0x2: {  	s2 =	rddreg [dreg:$0x1]  }
0x3: {  	s3 =	rddreg [dreg:$0x2]  }
0x4: {  	s0 =	rddreg [dreg:$0x3]  }
0x5: {  	s1 =	stileid.u32;
	s5 =	srdreg.scid  }
0x6: {  	s4 =	simm.s32 $0x0;
	s19 =	simm.s32 $0x1400;
	s20 =	simm.s32 $0x80  }
0x7: {  	s21 =	simm.s32 $0x2800;
	s22 =	simm.s32 $0x6800;
	s7 =	smul.u32 $0x280, s1  }
0x8: {  	s8 =	sand.u32 $0x1, s5;
	[smem:$0x7FF] =	sst s4;
	s10 =	smul.u32 $0x13C00, s1  }
0x9: {  	s5 =	sadd.s32 $0x17200, s6;
	s11 =	sadd.s32 $0xFA00, s6;
	s25 =	smul.u32 $0x4F000, s1  }
0xa: {  	s12 =	sadd.s32 $0x8200, s6;
	s15 =	smul.u32 $0x3C00, s1;
	s28 =	sshll.u32 s1, $0x6  }
0xb: {  	s9 =	smul.u32 $0x13C000, s8;
	_ =	strace $0x8000004A;
	s24 =	ssub.s32 $0x2, s8  }
0xc: {  	p0 =	seq.s32 s8, $0x1;
	s14 =	sadd.s32 s7, s6;
	s13 =	sshrl.u32 s24, $0x1  }
0xd: {  	s26 =	sshrl.u32 s25, $0x2;
	s29 =	sshrl.u32 s15, $0x3;
	s25 =	simm.s32 $0x2700  }
0xe: {  	s23 =	sadd.s32 s10, s9;
	s17 =	ssub.s32 s24, s13;
	s18 =	sadd.s32 s26, s3  }
0xf: {  	s8 =	sadd.s32 s12, s29;
	s30 =	sadd.s32 $0x280, s29;
	s31 =	sadd.s32 $0x500, s29  }
0x10: {  	s13 =	sadd.s32 $0x5A00, s14;
	s14 =	sadd.s32 $0x3200, s14;
	s24 =	simm.s32 $0x2  }
.Ltmp0:
0x11: {  	s26 =	simm.s32 $0x2780;
	s7 =	sshrl.u32 s23, $0x3;
	(pc) =	sbr.rel .LBB2_1-.Ltmp0, $4  }
0x12: {  	s9 =	sadd.s32 s11, s30;
	s10 =	sadd.s32 s12, s30;
	s12 =	sadd.s32 s12, s31  }
0x13: {  	s23 =	simm.s32 $0x1;
	s16 =	sadd.s32 s7, s6;
	s6 =	sor.u32 $0x1C03, s28  }
0x14: {  	s7 =	sadd.s32 s11, s29;
	s11 =	sadd.s32 s11, s31;
	s15 =	sadd.s32 $0x3E400, s16  }
0x15: {  	s16 =	smax.u32 s17, $0x1;
	s17 =	sshrl.u32 s18, $0x3;
	s18 =	simm.s32 $0x3  }
.LBB2_11:
0x16: {  	[tilespmem:s22], [sflag:$0x2] =	stream.indirect.gather [hbm4b:s5+s20], $0x80, s29, s20, $0xb8;
	[tilespmem:$0x1E400] =	vst v63  }
.LBB2_12:
0x17: {  	_ =	swait.ge [sflag:s23], $0x4000  }
0x18: {  	[sflag:s23] =	ssyncset.done $0x0  }
0x19: {  	[sflag:s23] =	ssyncadd.s32 $0xFFFFC000  }
0x1a: {  	[spmem:s3] =	stream.indirect.scatter.add.f32 [tilespmem:s21], [sflag:$0x3], $0x80, s25, s20, $0xb8;
	[tilespmem:$0x1E400] =	vst v63  }
0x1b: {  	_ =	swait.ge [sflag:s18], $0x4000  }
0x1c: {  	[sflag:s18] =	ssyncset.done $0x0  }
0x1d: {  	[sflag:s18] =	ssyncadd.s32 $0xFFFFC000  }
0x1e: {  	_ =	swait.ge [sflag:s24], $0x4000  }
0x1f: {  	[sflag:s24] =	ssyncset.done $0x0  }
0x20: {  	[sflag:s24] =	ssyncadd.s32 $0xFFFFC000  }
0x21: {  	[spmem:s3] =	stream.indirect.scatter.add.f32 [tilespmem:s22], [sflag:$0x3], $0x80, s26, s20, $0xb8;
	[tilespmem:$0x1E400] =	vst v63  }
0x22: {  	_ =	swait.ge [sflag:s18], $0x4000  }
0x23: {  	s4 =	sadd.s32 $0x1, s4;
	[sflag:s18] =	ssyncset.done $0x0  }
0x24: {  	p1 =	sne.s32 s4, s16;
	[sflag:s18] =	ssyncadd.s32 $0xFFFFC000  }
.Ltmp1:
0x25: {  	[bflag:$0x0] =	sbarrier.arrive $0xFFFF;
	(pc) =	sbr.rel @!p1 .LBB2_13-.Ltmp1, $4  }
0x26: {  	[hbm:s15], [sflag:s6] =	dma.local [spmem:s17], $0x2780  }
0x27: {  	_ =	swait.ge [sflag:s18], $0x2780  }
0x28: {  	[sflag:s18] =	ssyncset.done $0x0  }
0x29: {  	[sflag:s18] =	ssyncadd.s32 $0xFFFFD880  }
.LBB2_1:
0x2a: {  	[spmem:s17], [sflag:s6] =	dma.local [hbm:s2], $0x2780  }
.Ltmp2:
0x2b: {  	_ =	swait.ge [sflag:s18], $0x2780;
	(pc) =	sbr.rel @!p0 .LBB2_2-.Ltmp2, $4  }
0x2c: {  	[sflag:s18] =	ssyncset.done $0x0  }
0x2d: {  	[sflag:s18] =	ssyncadd.s32 $0xFFFFD880  }
0x2e: {  	[bflag:$0x0] =	sbarrier.arrive $0xFFFF  }
0x2f: {  	s28 =	simm.s32 $0x0  }
0x30: {  	[tilespmem:s28], [sflag:$0x3] =	stream.linear.gather [hbm4b:s13+s28], $0x1400, $0x38;
	[tilespmem:$0x1E400] =	vst v63  }
0x31: {  	_ =	swait.ge [sflag:s18], $0x1400  }
0x32: {  	[sflag:s18] =	ssyncset.done $0x0  }
0x33: {  	[sflag:s18] =	ssyncadd.s32 $0xFFFFEC00  }
0x34: {  	[tilespmem:s19], [sflag:$0x3] =	stream.linear.gather [hbm4b:s14+s28], $0x1400, $0x38;
	[tilespmem:$0x1E400] =	vst v63  }
0x35: {  	_ =	swait.ge [sflag:s18], $0x1400  }
0x36: {  	[sflag:s18] =	ssyncset.done $0x0  }
0x37: {  	[sflag:s18] =	ssyncadd.s32 $0xFFFFEC00  }
0x38: {  	[tilespmem:s21], [sflag:$0x1] =	stream.indirect.gather [hbm4b:s5+s20], $0x80, s28, s20, $0xb8;
	[tilespmem:$0x1E400] =	vst v63  }
0x39: {  	_ = 	snop  }
0x3a: {  	[tilespmem:s22], [sflag:$0x2] =	stream.indirect.gather [hbm4b:s5+s20], $0x80, s20, s20, $0xb8;
	[tilespmem:$0x1E400] =	vst v63  }
0x3b: {  	_ =	swait.ge [sflag:s23], $0x4000  }
0x3c: {  	[sflag:s23] =	ssyncset.done $0x0  }
0x3d: {  	s28 =	simm.s32 $0x1400;
	[sflag:s23] =	ssyncadd.s32 $0xFFFFC000  }
0x3e: {  	[spmem:s3] =	stream.indirect.scatter.add.f32 [tilespmem:s21], [sflag:$0x3], $0x80, s28, s20, $0xb8;
	[tilespmem:$0x1E400] =	vst v63  }
0x3f: {  	_ =	swait.ge [sflag:s18], $0x4000  }
0x40: {  	[sflag:s18] =	ssyncset.done $0x0  }
0x41: {  	s28 =	simm.s32 $0x100;
	[sflag:s18] =	ssyncadd.s32 $0xFFFFC000  }
0x42: {  	[tilespmem:s21], [sflag:$0x1] =	stream.indirect.gather [hbm4b:s5+s20], $0x80, s28, s20, $0xb8;
	[tilespmem:$0x1E400] =	vst v63  }
0x43: {  	_ =	swait.ge [sflag:s24], $0x4000  }
0x44: {  	[sflag:s24] =	ssyncset.done $0x0  }
0x45: {  	s28 =	simm.s32 $0x1480;
	[sflag:s24] =	ssyncadd.s32 $0xFFFFC000  }
0x46: {  	[spmem:s3] =	stream.indirect.scatter.add.f32 [tilespmem:s22], [sflag:$0x3], $0x80, s28, s20, $0xb8;
	[tilespmem:$0x1E400] =	vst v63  }
0x47: {  	_ =	swait.ge [sflag:s18], $0x4000  }
0x48: {  	[sflag:s18] =	ssyncset.done $0x0  }
0x49: {  	s29 =	simm.s32 $0x180;
	s28 =	simm.s32 $0x400;
	[sflag:s18] =	ssyncadd.s32 $0xFFFFC000  }
.LBB2_10:
0x4a: {  	[tilespmem:s22], [sflag:$0x2] =	stream.indirect.gather [hbm4b:s5+s20], $0x80, s29, s20, $0xb8;
	[tilespmem:$0x1E400] =	vst v63  }
0x4b: {  	s29 =	smov.u32 s28  }
0x4c: {  	p1 =	sne.s32 s28, $0x4800;
	s28 =	sadd.s32 $0x400, s28;
	_ =	swait.ge [sflag:s23], $0x4000  }
0x4d: {  	s29 =	sshra.s32 s29, $0x2;
	[sflag:s23] =	ssyncset.done $0x0  }
0x4e: {  	s30 =	sadd.s32 $0x1400, s29;
	[sflag:s23] =	ssyncadd.s32 $0xFFFFC000  }
0x4f: {  	[spmem:s3] =	stream.indirect.scatter.add.f32 [tilespmem:s21], [sflag:$0x3], $0x80, s30, s20, $0xb8;
	[tilespmem:$0x1E400] =	vst v63  }
0x50: {  	_ =	swait.ge [sflag:s18], $0x4000  }
0x51: {  	[sflag:s18] =	ssyncset.done $0x0  }
0x52: {  	s30 =	sadd.s32 $0x100, s29;
	[sflag:s18] =	ssyncadd.s32 $0xFFFFC000  }
0x53: {  	[tilespmem:s21], [sflag:$0x1] =	stream.indirect.gather [hbm4b:s5+s20], $0x80, s30, s20, $0xb8;
	[tilespmem:$0x1E400] =	vst v63  }
0x54: {  	_ =	swait.ge [sflag:s24], $0x4000  }
0x55: {  	[sflag:s24] =	ssyncset.done $0x0  }
.Ltmp3:
0x56: {  	s30 =	sadd.s32 $0x1480, s29;
	[sflag:s24] =	ssyncadd.s32 $0xFFFFC000;
	(pc) =	sbr.rel @p1 .LBB2_10-.Ltmp3, $4  }
0x57: {  	[spmem:s3] =	stream.indirect.scatter.add.f32 [tilespmem:s22], [sflag:$0x3], $0x80, s30, s20, $0xb8;
	[tilespmem:$0x1E400] =	vst v63  }
0x58: {  	_ =	swait.ge [sflag:s18], $0x4000  }
0x59: {  	[sflag:s18] =	ssyncset.done $0x0  }
0x5a: {  	s29 =	sadd.s32 $0x180, s29;
	[sflag:s18] =	ssyncadd.s32 $0xFFFFC000  }
.Ltmp4:
0x5b: {  	_ = 	snop;
	(pc) =	sbr.rel .LBB2_11-.Ltmp4, $1  }
0x5c: {  	_ =	sdelay $0x3  }
.LBB2_2:
0x5d: {  	[tilespmem:s28], [sflag:$0x3] =	stream.linear.gather [hbm4b:s7+s28], $0x1400, $0x38;
	[tilespmem:$0x1E400] =	vst v63  }
0x5e: {  	_ =	swait.ge [sflag:s18], $0x1400  }
0x5f: {  	[sflag:s18] =	ssyncset.done $0x0  }
0x60: {  	[sflag:s18] =	ssyncadd.s32 $0xFFFFEC00  }
0x61: {  	[tilespmem:s19], [sflag:$0x3] =	stream.linear.gather [hbm4b:s8+s28], $0x1400, $0x38;
	[tilespmem:$0x1E400] =	vst v63  }
0x62: {  	_ =	swait.ge [sflag:s18], $0x1400  }
0x63: {  	[sflag:s18] =	ssyncset.done $0x0  }
0x64: {  	[sflag:s18] =	ssyncadd.s32 $0xFFFFEC00  }
0x65: {  	[tilespmem:s21], [sflag:$0x1] =	stream.indirect.gather [hbm4b:s5+s20], $0x80, s28, s20, $0xb8;
	[tilespmem:$0x1E400] =	vst v63  }
0x66: {  	_ = 	snop  }
0x67: {  	[tilespmem:s22], [sflag:$0x2] =	stream.indirect.gather [hbm4b:s5+s20], $0x80, s20, s20, $0xb8;
	[tilespmem:$0x1E400] =	vst v63  }
0x68: {  	_ =	swait.ge [sflag:s23], $0x4000  }
0x69: {  	[sflag:s23] =	ssyncset.done $0x0  }
0x6a: {  	s28 =	simm.s32 $0x1400;
	[sflag:s23] =	ssyncadd.s32 $0xFFFFC000  }
0x6b: {  	[spmem:s3] =	stream.indirect.scatter.add.f32 [tilespmem:s21], [sflag:$0x3], $0x80, s28, s20, $0xb8;
	[tilespmem:$0x1E400] =	vst v63  }
0x6c: {  	_ =	swait.ge [sflag:s18], $0x4000  }
0x6d: {  	[sflag:s18] =	ssyncset.done $0x0  }
0x6e: {  	s28 =	simm.s32 $0x100;
	[sflag:s18] =	ssyncadd.s32 $0xFFFFC000  }
0x6f: {  	[tilespmem:s21], [sflag:$0x1] =	stream.indirect.gather [hbm4b:s5+s20], $0x80, s28, s20, $0xb8;
	[tilespmem:$0x1E400] =	vst v63  }
0x70: {  	_ =	swait.ge [sflag:s24], $0x4000  }
0x71: {  	[sflag:s24] =	ssyncset.done $0x0  }
0x72: {  	s28 =	simm.s32 $0x1480;
	[sflag:s24] =	ssyncadd.s32 $0xFFFFC000  }
0x73: {  	[spmem:s3] =	stream.indirect.scatter.add.f32 [tilespmem:s22], [sflag:$0x3], $0x80, s28, s20, $0xb8;
	[tilespmem:$0x1E400] =	vst v63  }
0x74: {  	_ =	swait.ge [sflag:s18], $0x4000  }
0x75: {  	[sflag:s18] =	ssyncset.done $0x0  }
0x76: {  	s29 =	simm.s32 $0x180;
	s28 =	simm.s32 $0x400;
	[sflag:s18] =	ssyncadd.s32 $0xFFFFC000  }
.LBB2_3:
0x77: {  	[tilespmem:s22], [sflag:$0x2] =	stream.indirect.gather [hbm4b:s5+s20], $0x80, s29, s20, $0xb8;
	[tilespmem:$0x1E400] =	vst v63  }
0x78: {  	s29 =	smov.u32 s28  }
0x79: {  	p1 =	sne.s32 s28, $0x4800;
	s28 =	sadd.s32 $0x400, s28;
	_ =	swait.ge [sflag:s23], $0x4000  }
0x7a: {  	s29 =	sshra.s32 s29, $0x2;
	[sflag:s23] =	ssyncset.done $0x0  }
0x7b: {  	s30 =	sadd.s32 $0x1400, s29;
	[sflag:s23] =	ssyncadd.s32 $0xFFFFC000  }
0x7c: {  	[spmem:s3] =	stream.indirect.scatter.add.f32 [tilespmem:s21], [sflag:$0x3], $0x80, s30, s20, $0xb8;
	[tilespmem:$0x1E400] =	vst v63  }
0x7d: {  	_ =	swait.ge [sflag:s18], $0x4000  }
0x7e: {  	[sflag:s18] =	ssyncset.done $0x0  }
0x7f: {  	s30 =	sadd.s32 $0x100, s29;
	[sflag:s18] =	ssyncadd.s32 $0xFFFFC000  }
0x80: {  	[tilespmem:s21], [sflag:$0x1] =	stream.indirect.gather [hbm4b:s5+s20], $0x80, s30, s20, $0xb8;
	[tilespmem:$0x1E400] =	vst v63  }
0x81: {  	_ =	swait.ge [sflag:s24], $0x4000  }
0x82: {  	[sflag:s24] =	ssyncset.done $0x0  }
.Ltmp5:
0x83: {  	s30 =	sadd.s32 $0x1480, s29;
	[sflag:s24] =	ssyncadd.s32 $0xFFFFC000;
	(pc) =	sbr.rel @p1 .LBB2_3-.Ltmp5, $4  }
0x84: {  	[spmem:s3] =	stream.indirect.scatter.add.f32 [tilespmem:s22], [sflag:$0x3], $0x80, s30, s20, $0xb8;
	[tilespmem:$0x1E400] =	vst v63  }
0x85: {  	_ =	swait.ge [sflag:s18], $0x4000  }
0x86: {  	[sflag:s18] =	ssyncset.done $0x0  }
0x87: {  	s29 =	sadd.s32 $0x180, s29;
	[sflag:s18] =	ssyncadd.s32 $0xFFFFC000  }
0x88: {  	[tilespmem:s22], [sflag:$0x2] =	stream.indirect.gather [hbm4b:s5+s20], $0x80, s29, s20, $0xb8;
	[tilespmem:$0x1E400] =	vst v63  }
0x89: {  	_ =	swait.ge [sflag:s23], $0x4000  }
0x8a: {  	[sflag:s23] =	ssyncset.done $0x0  }
0x8b: {  	[sflag:s23] =	ssyncadd.s32 $0xFFFFC000  }
0x8c: {  	[spmem:s3] =	stream.indirect.scatter.add.f32 [tilespmem:s21], [sflag:$0x3], $0x80, s25, s20, $0xb8;
	[tilespmem:$0x1E400] =	vst v63  }
0x8d: {  	_ =	swait.ge [sflag:s18], $0x4000  }
0x8e: {  	[sflag:s18] =	ssyncset.done $0x0  }
0x8f: {  	[sflag:s18] =	ssyncadd.s32 $0xFFFFC000  }
0x90: {  	_ =	swait.ge [sflag:s24], $0x4000  }
0x91: {  	[sflag:s24] =	ssyncset.done $0x0  }
0x92: {  	[sflag:s24] =	ssyncadd.s32 $0xFFFFC000  }
0x93: {  	[spmem:s3] =	stream.indirect.scatter.add.f32 [tilespmem:s22], [sflag:$0x3], $0x80, s26, s20, $0xb8;
	[tilespmem:$0x1E400] =	vst v63  }
0x94: {  	_ =	swait.ge [sflag:s18], $0x4000  }
0x95: {  	[sflag:s18] =	ssyncset.done $0x0  }
0x96: {  	s28 =	simm.s32 $0x0;
	[sflag:s18] =	ssyncadd.s32 $0xFFFFC000  }
0x97: {  	[tilespmem:s28], [sflag:$0x3] =	stream.linear.gather [hbm4b:s9+s28], $0x1400, $0x38;
	[tilespmem:$0x1E400] =	vst v63  }
0x98: {  	_ =	swait.ge [sflag:s18], $0x1400  }
0x99: {  	[sflag:s18] =	ssyncset.done $0x0  }
0x9a: {  	[sflag:s18] =	ssyncadd.s32 $0xFFFFEC00  }
0x9b: {  	[tilespmem:s19], [sflag:$0x3] =	stream.linear.gather [hbm4b:s10+s28], $0x1400, $0x38;
	[tilespmem:$0x1E400] =	vst v63  }
0x9c: {  	_ =	swait.ge [sflag:s18], $0x1400  }
0x9d: {  	[sflag:s18] =	ssyncset.done $0x0  }
0x9e: {  	[sflag:s18] =	ssyncadd.s32 $0xFFFFEC00  }
0x9f: {  	[tilespmem:s21], [sflag:$0x1] =	stream.indirect.gather [hbm4b:s5+s20], $0x80, s28, s20, $0xb8;
	[tilespmem:$0x1E400] =	vst v63  }
0xa0: {  	_ = 	snop  }
0xa1: {  	[tilespmem:s22], [sflag:$0x2] =	stream.indirect.gather [hbm4b:s5+s20], $0x80, s20, s20, $0xb8;
	[tilespmem:$0x1E400] =	vst v63  }
0xa2: {  	_ =	swait.ge [sflag:s23], $0x4000  }
0xa3: {  	[sflag:s23] =	ssyncset.done $0x0  }
0xa4: {  	s28 =	simm.s32 $0x1400;
	[sflag:s23] =	ssyncadd.s32 $0xFFFFC000  }
0xa5: {  	[spmem:s3] =	stream.indirect.scatter.add.f32 [tilespmem:s21], [sflag:$0x3], $0x80, s28, s20, $0xb8;
	[tilespmem:$0x1E400] =	vst v63  }
0xa6: {  	_ =	swait.ge [sflag:s18], $0x4000  }
0xa7: {  	[sflag:s18] =	ssyncset.done $0x0  }
0xa8: {  	s28 =	simm.s32 $0x100;
	[sflag:s18] =	ssyncadd.s32 $0xFFFFC000  }
0xa9: {  	[tilespmem:s21], [sflag:$0x1] =	stream.indirect.gather [hbm4b:s5+s20], $0x80, s28, s20, $0xb8;
	[tilespmem:$0x1E400] =	vst v63  }
0xaa: {  	_ =	swait.ge [sflag:s24], $0x4000  }
0xab: {  	[sflag:s24] =	ssyncset.done $0x0  }
0xac: {  	s28 =	simm.s32 $0x1480;
	[sflag:s24] =	ssyncadd.s32 $0xFFFFC000  }
0xad: {  	[spmem:s3] =	stream.indirect.scatter.add.f32 [tilespmem:s22], [sflag:$0x3], $0x80, s28, s20, $0xb8;
	[tilespmem:$0x1E400] =	vst v63  }
0xae: {  	_ =	swait.ge [sflag:s18], $0x4000  }
0xaf: {  	[sflag:s18] =	ssyncset.done $0x0  }
0xb0: {  	s29 =	simm.s32 $0x180;
	s28 =	simm.s32 $0x400;
	[sflag:s18] =	ssyncadd.s32 $0xFFFFC000  }
.LBB2_5:
0xb1: {  	[tilespmem:s22], [sflag:$0x2] =	stream.indirect.gather [hbm4b:s5+s20], $0x80, s29, s20, $0xb8;
	[tilespmem:$0x1E400] =	vst v63  }
0xb2: {  	s29 =	smov.u32 s28  }
0xb3: {  	p1 =	sne.s32 s28, $0x4800;
	s28 =	sadd.s32 $0x400, s28;
	_ =	swait.ge [sflag:s23], $0x4000  }
0xb4: {  	s29 =	sshra.s32 s29, $0x2;
	[sflag:s23] =	ssyncset.done $0x0  }
0xb5: {  	s30 =	sadd.s32 $0x1400, s29;
	[sflag:s23] =	ssyncadd.s32 $0xFFFFC000  }
0xb6: {  	[spmem:s3] =	stream.indirect.scatter.add.f32 [tilespmem:s21], [sflag:$0x3], $0x80, s30, s20, $0xb8;
	[tilespmem:$0x1E400] =	vst v63  }
0xb7: {  	_ =	swait.ge [sflag:s18], $0x4000  }
0xb8: {  	[sflag:s18] =	ssyncset.done $0x0  }
0xb9: {  	s30 =	sadd.s32 $0x100, s29;
	[sflag:s18] =	ssyncadd.s32 $0xFFFFC000  }
0xba: {  	[tilespmem:s21], [sflag:$0x1] =	stream.indirect.gather [hbm4b:s5+s20], $0x80, s30, s20, $0xb8;
	[tilespmem:$0x1E400] =	vst v63  }
0xbb: {  	_ =	swait.ge [sflag:s24], $0x4000  }
0xbc: {  	[sflag:s24] =	ssyncset.done $0x0  }
.Ltmp6:
0xbd: {  	s30 =	sadd.s32 $0x1480, s29;
	[sflag:s24] =	ssyncadd.s32 $0xFFFFC000;
	(pc) =	sbr.rel @p1 .LBB2_5-.Ltmp6, $4  }
0xbe: {  	[spmem:s3] =	stream.indirect.scatter.add.f32 [tilespmem:s22], [sflag:$0x3], $0x80, s30, s20, $0xb8;
	[tilespmem:$0x1E400] =	vst v63  }
0xbf: {  	_ =	swait.ge [sflag:s18], $0x4000  }
0xc0: {  	[sflag:s18] =	ssyncset.done $0x0  }
0xc1: {  	s29 =	sadd.s32 $0x180, s29;
	[sflag:s18] =	ssyncadd.s32 $0xFFFFC000  }
0xc2: {  	[tilespmem:s22], [sflag:$0x2] =	stream.indirect.gather [hbm4b:s5+s20], $0x80, s29, s20, $0xb8;
	[tilespmem:$0x1E400] =	vst v63  }
0xc3: {  	_ =	swait.ge [sflag:s23], $0x4000  }
0xc4: {  	[sflag:s23] =	ssyncset.done $0x0  }
0xc5: {  	[sflag:s23] =	ssyncadd.s32 $0xFFFFC000  }
0xc6: {  	[spmem:s3] =	stream.indirect.scatter.add.f32 [tilespmem:s21], [sflag:$0x3], $0x80, s25, s20, $0xb8;
	[tilespmem:$0x1E400] =	vst v63  }
0xc7: {  	_ =	swait.ge [sflag:s18], $0x4000  }
0xc8: {  	[sflag:s18] =	ssyncset.done $0x0  }
0xc9: {  	[sflag:s18] =	ssyncadd.s32 $0xFFFFC000  }
0xca: {  	_ =	swait.ge [sflag:s24], $0x4000  }
0xcb: {  	[sflag:s24] =	ssyncset.done $0x0  }
0xcc: {  	[sflag:s24] =	ssyncadd.s32 $0xFFFFC000  }
0xcd: {  	[spmem:s3] =	stream.indirect.scatter.add.f32 [tilespmem:s22], [sflag:$0x3], $0x80, s26, s20, $0xb8;
	[tilespmem:$0x1E400] =	vst v63  }
0xce: {  	_ =	swait.ge [sflag:s18], $0x4000  }
0xcf: {  	[sflag:s18] =	ssyncset.done $0x0  }
0xd0: {  	s28 =	simm.s32 $0x0;
	[sflag:s18] =	ssyncadd.s32 $0xFFFFC000  }
0xd1: {  	[tilespmem:s28], [sflag:$0x3] =	stream.linear.gather [hbm4b:s11+s28], $0x1400, $0x38;
	[tilespmem:$0x1E400] =	vst v63  }
0xd2: {  	_ =	swait.ge [sflag:s18], $0x1400  }
0xd3: {  	[sflag:s18] =	ssyncset.done $0x0  }
0xd4: {  	[sflag:s18] =	ssyncadd.s32 $0xFFFFEC00  }
0xd5: {  	[tilespmem:s19], [sflag:$0x3] =	stream.linear.gather [hbm4b:s12+s28], $0x1400, $0x38;
	[tilespmem:$0x1E400] =	vst v63  }
0xd6: {  	_ =	swait.ge [sflag:s18], $0x1400  }
0xd7: {  	[sflag:s18] =	ssyncset.done $0x0  }
0xd8: {  	[sflag:s18] =	ssyncadd.s32 $0xFFFFEC00  }
0xd9: {  	[tilespmem:s21], [sflag:$0x1] =	stream.indirect.gather [hbm4b:s5+s20], $0x80, s28, s20, $0xb8;
	[tilespmem:$0x1E400] =	vst v63  }
0xda: {  	_ = 	snop  }
0xdb: {  	[tilespmem:s22], [sflag:$0x2] =	stream.indirect.gather [hbm4b:s5+s20], $0x80, s20, s20, $0xb8;
	[tilespmem:$0x1E400] =	vst v63  }
0xdc: {  	_ =	swait.ge [sflag:s23], $0x4000  }
0xdd: {  	[sflag:s23] =	ssyncset.done $0x0  }
0xde: {  	s28 =	simm.s32 $0x1400;
	[sflag:s23] =	ssyncadd.s32 $0xFFFFC000  }
0xdf: {  	[spmem:s3] =	stream.indirect.scatter.add.f32 [tilespmem:s21], [sflag:$0x3], $0x80, s28, s20, $0xb8;
	[tilespmem:$0x1E400] =	vst v63  }
0xe0: {  	_ =	swait.ge [sflag:s18], $0x4000  }
0xe1: {  	[sflag:s18] =	ssyncset.done $0x0  }
0xe2: {  	s28 =	simm.s32 $0x100;
	[sflag:s18] =	ssyncadd.s32 $0xFFFFC000  }
0xe3: {  	[tilespmem:s21], [sflag:$0x1] =	stream.indirect.gather [hbm4b:s5+s20], $0x80, s28, s20, $0xb8;
	[tilespmem:$0x1E400] =	vst v63  }
0xe4: {  	_ =	swait.ge [sflag:s24], $0x4000  }
0xe5: {  	[sflag:s24] =	ssyncset.done $0x0  }
0xe6: {  	s28 =	simm.s32 $0x1480;
	[sflag:s24] =	ssyncadd.s32 $0xFFFFC000  }
0xe7: {  	[spmem:s3] =	stream.indirect.scatter.add.f32 [tilespmem:s22], [sflag:$0x3], $0x80, s28, s20, $0xb8;
	[tilespmem:$0x1E400] =	vst v63  }
0xe8: {  	_ =	swait.ge [sflag:s18], $0x4000  }
0xe9: {  	[sflag:s18] =	ssyncset.done $0x0  }
0xea: {  	s29 =	simm.s32 $0x180;
	s28 =	simm.s32 $0x400;
	[sflag:s18] =	ssyncadd.s32 $0xFFFFC000  }
.LBB2_7:
0xeb: {  	[tilespmem:s22], [sflag:$0x2] =	stream.indirect.gather [hbm4b:s5+s20], $0x80, s29, s20, $0xb8;
	[tilespmem:$0x1E400] =	vst v63  }
0xec: {  	s29 =	smov.u32 s28  }
0xed: {  	p1 =	seq.s32 s28, $0x4800;
	s28 =	sadd.s32 $0x400, s28;
	_ =	swait.ge [sflag:s23], $0x4000  }
0xee: {  	s29 =	sshra.s32 s29, $0x2;
	[sflag:s23] =	ssyncset.done $0x0  }
0xef: {  	s30 =	sadd.s32 $0x1400, s29;
	[sflag:s23] =	ssyncadd.s32 $0xFFFFC000  }
0xf0: {  	[spmem:s3] =	stream.indirect.scatter.add.f32 [tilespmem:s21], [sflag:$0x3], $0x80, s30, s20, $0xb8;
	[tilespmem:$0x1E400] =	vst v63  }
0xf1: {  	_ =	swait.ge [sflag:s18], $0x4000  }
0xf2: {  	[sflag:s18] =	ssyncset.done $0x0  }
0xf3: {  	s30 =	sadd.s32 $0x100, s29;
	[sflag:s18] =	ssyncadd.s32 $0xFFFFC000  }
0xf4: {  	[tilespmem:s21], [sflag:$0x1] =	stream.indirect.gather [hbm4b:s5+s20], $0x80, s30, s20, $0xb8;
	[tilespmem:$0x1E400] =	vst v63  }
0xf5: {  	_ =	swait.ge [sflag:s24], $0x4000  }
0xf6: {  	[sflag:s24] =	ssyncset.done $0x0  }
.Ltmp7:
0xf7: {  	s30 =	sadd.s32 $0x1480, s29;
	[sflag:s24] =	ssyncadd.s32 $0xFFFFC000;
	(pc) =	sbr.rel @!p1 .LBB2_7-.Ltmp7, $4  }
0xf8: {  	[spmem:s3] =	stream.indirect.scatter.add.f32 [tilespmem:s22], [sflag:$0x3], $0x80, s30, s20, $0xb8;
	[tilespmem:$0x1E400] =	vst v63  }
0xf9: {  	_ =	swait.ge [sflag:s18], $0x4000  }
0xfa: {  	[sflag:s18] =	ssyncset.done $0x0  }
0xfb: {  	s29 =	sadd.s32 $0x180, s29;
	[sflag:s18] =	ssyncadd.s32 $0xFFFFC000  }
.Ltmp8:
0xfc: {  	(pc) =	sbr.rel .LBB2_12-.Ltmp8, $2  }
0xfd: {  	_ =	sdelay $0x2  }
0xfe: {  	[tilespmem:s22], [sflag:$0x2] =	stream.indirect.gather [hbm4b:s5+s20], $0x80, s29, s20, $0xb8;
	[tilespmem:$0x1E400] =	vst v63  }
.LBB2_13:
0xff: {  	_ =	sfence.sel $0x180000  }
0x100: {  	[bflag:$0x0] =	sbarrier.arrive $0xFFFF  }
0x101: {  	p0 =	sne.s32 s1, $0x0;
	_ =	strace $0x9000004A  }
0x102: {  	s0 =	sadd.s32 @!p0 $0x100000, s0;
	[bflag:$0x2] =	sbarrier.arrive $0xFFFF  }
0x103: {  	[sflag:s0] =	ssyncadd.tile.s32 @!p0 $0x1;
	_ =	shalt  }
.Lfunc_end2:
_tile_overlayer_lowered:
.L_overlay_start_2:
0x104: {  	(tag) =	ssettag $0x2  }
0x105: {  	s0 =	rddreg [dreg:$0x0];
	s2 =	stileid.u32  }
0x106: {  	s1 =	rddreg [dreg:$0x1];
	p0 =	sne.s32 s2, $0x0  }
0x107: {  	s3 =	rddreg [dreg:$0x2];
	[bflag:$0x3] =	sbarrier.arrive $0xFFFF;
	s2 =	simm.s32 @!p0 $0x1C03  }
0x108: {  	[timem:s3], [sflag:s2] =	dma.local @!p0 [hbm:s0], s1  }
0x109: {  	s0 =	simm.s32 @!p0 $0x3  }
0x10a: {  	_ =	swait.ge @!p0 [sflag:s0], s1  }
0x10b: {  	s1 =	ssub.s32 @!p0 $0x0, s1;
	[sflag:s0] =	ssyncset.done @!p0 $0x0  }
0x10c: {  	[sflag:s0] =	ssyncadd.s32 @!p0 s1  }
0x10d: {  	[bflag:$0x3] =	sbarrier.arrive $0xFFFF  }
0x10e: {  	_ =	shalt  }

// kernel: kernel.14.cloned.1.call-start
scs
__scs_entry_jumppad:
0x0: {  	(pc) =	sbr.rel $0x88, $3  }
0x1: {  	(tag) =	ssettag $0x0;
	lr =	simm.s32 $0x1  }
0x2: {  	[smem:$0x3F9B] =	sst lr;
	_ =	strace $0xD0000000  }
0x3: {  	_ = 	snop  }
0x4: {  	_ = 	snop  }
0x5: {  	_ = 	snop  }
0x6: {  	_ = 	snop  }
0x7: {  	_ = 	snop  }
__scs_overlays_trampoline_lowered:
0x8: {  	[smem:$0x3FAA] =	sst s0  }
0x9: {  	[smem:$0x3FAB] =	sst s1  }
0xa: {  	[smem:$0x3FAC] =	sst s2  }
0xb: {  	[smem:$0x3FAD] =	sst s3  }
0xc: {  	[smem:$0x3FAE] =	sst s4  }
0xd: {  	[smem:$0x3FAF] =	sst s5  }
0xe: {  	[smem:$0x3FB0] =	sst s6  }
0xf: {  	[smem:$0x3FB1] =	sst s7  }
0x10: {  	[smem:$0x3FB2] =	sst s8  }
0x11: {  	[smem:$0x3FB3] =	sst s9;
	s0 =	simm.s32 @!p0 $0x0  }
0x12: {  	s1 =	sld [smem:$0x3F99];
	s0 =	simm.s32 @p0 $0x1  }
0x13: {  	[smem:$0x3FB4] =	sst s0;
	s0 =	simm.s32 @!p1 $0x0  }
0x14: {  	s2 =	sld [smem:$0x3F98];
	s0 =	simm.s32 @p1 $0x1  }
0x15: {  	[smem:$0x3FB5] =	sst s0;
	s0 =	simm.s32 @!p2 $0x0  }
0x16: {  	s3 =	sld [smem:$0x3FDB];
	s0 =	simm.s32 @p2 $0x1  }
0x17: {  	s4 =	simm.s32 $0x1BF5;
	[smem:$0x3FB7] =	sst s0  }
0x18: {  	s0 =	sld [smem:$0x3F9A];
	_ =	swait.ge [sflag:s4], $0x0  }
0x19: {  	s7 =	sld [smem:$0x3F9B]  }
0x1a: {  	s8 =	sadd.s32 $0xFFFFE003, lr  }
0x1b: {  	s9 =	sadd.s32 $0xFFFFFEF7, lr;
	s5 =	simm.s32 $0xFFFFFFFF;
	p2 =	slt.u32 s8, $0xFFFFF086  }
0x1c: {  	p1 =	slt.u32 s9, $0xF7A;
	s5 =	simm.s32 @!p2 $0x0  }
0x1d: {  	s5 =	simm.s32 @p1 $0x1;
	p0 =	seq.s32 s7, s2  }
0x1e: {  	s7 =	smul.u32 @!p0 $0xF7A, s2;
	p2 =	seq.s32 @!p0 s5, $0x0  }
0x1f: {  	s9 =	smul.u32 $0xF7A, s1;
	s8 =	simm.s32 @!p0 $0x1BF5;
	p2 =	por !p2, p0  }
0x20: {  	[sflag:s8] =	ssyncset.s32 @!p0 $0xFFFFF086;
	s6 =	sadd.s32 @!p0 s3, s7;
	s7 =	simm.s32 @!p0 $0x108  }
0x21: {  	s3 =	sadd.s32 s3, s9;
	s6 =	sadd.s32 @!p0 $0x88, s6;
	s7 =	simm.s32 @p2 $0x1082  }
0x22: {  	[simem:s7], [sflag:s8] =	dma.local @!p0 [hbm:s6], $0xF7A  }
0x23: {  	s9 =	sor.u32 $0xD0000000, s2;
	s6 =	simm.s32 $0x108;
	_ =	swait.ge @!p0 [sflag:s8], $0x0  }
0x24: {  	s3 =	sadd.s32 $0x88, s3;
	s6 =	simm.s32 @!p1 $0x1082;
	[sflag:s4] =	ssyncset.s32 $0xFFFFF086  }
0x25: {  	[simem:s6], [sflag:s4] =	dma.local [hbm:s3], $0xF7A  }
0x26: {  	[smem:$0x3F9B] =	sst s1;
	(tag) =	ssettag s2;
	_ =	strace s9  }
0x27: {  	s1 =	sld [smem:$0x3FAB]  }
0x28: {  	s2 =	sld [smem:$0x3FAC]  }
0x29: {  	s4 =	sld [smem:$0x3FAE]  }
0x2a: {  	p0 =	seq.s32 s5, $0x0;
	s5 =	sld [smem:$0x3FAF]  }
0x2b: {  	s6 =	sld [smem:$0x3FB0]  }
0x2c: {  	s7 =	sld [smem:$0x3FB1]  }
0x2d: {  	s3 =	simm.s32 $0x108;
	s8 =	sld [smem:$0x3FB2]  }
0x2e: {  	s3 =	simm.s32 @!p0 $0x1082;
	s9 =	sld [smem:$0x3FB3]  }
0x2f: {  	lr =	sadd.s32 s0, s3;
	s0 =	sld [smem:$0x3FAA]  }
0x30: {  	s3 =	sld [smem:$0x3FAD]  }
0x31: {  	[smem:$0x3FB6] =	sst s10  }
0x32: {  	s10 =	sld [smem:$0x3FB4];
	_ =	sdelay $0x3  }
0x33: {  	p0 =	seq.s32 s10, $0x1;
	s10 =	sld [smem:$0x3FB6];
	_ =	sdelay $0x3  }
0x34: {  	[smem:$0x3FB6] =	sst s10  }
0x35: {  	s10 =	sld [smem:$0x3FB5];
	_ =	sdelay $0x3  }
0x36: {  	p1 =	seq.s32 s10, $0x1;
	s10 =	sld [smem:$0x3FB6];
	_ =	sdelay $0x3  }
0x37: {  	[smem:$0x3FB6] =	sst s10  }
0x38: {  	s10 =	sld [smem:$0x3FB7]  }
0x39: {  	_ = 	snop;
	(pc) =	sbr.ind lr, $3  }
0x3a: {  	_ = 	snop  }
0x3b: {  	_ = 	snop  }
0x3c: {  	p2 =	seq.s32 s10, $0x1;
	s10 =	sld [smem:$0x3FB6]  }
0x3d: {  	_ =	shalt  }
0x3e: {  	_ =	shalt  }
0x3f: {  	_ =	shalt  }
0x40: {  	_ =	shalt  }
0x41: {  	_ =	shalt  }
0x42: {  	_ =	shalt  }
0x43: {  	_ =	shalt  }
0x44: {  	_ =	shalt  }
0x45: {  	_ =	shalt  }
0x46: {  	_ =	shalt  }
0x47: {  	_ =	shalt  }
0x48: {  	_ =	shalt  }
0x49: {  	_ =	shalt  }
0x4a: {  	_ =	shalt  }
0x4b: {  	_ =	shalt  }
0x4c: {  	_ =	shalt  }
0x4d: {  	_ =	shalt  }
0x4e: {  	_ =	shalt  }
0x4f: {  	_ =	shalt  }
0x50: {  	_ =	shalt  }
0x51: {  	_ =	shalt  }
0x52: {  	_ =	shalt  }
0x53: {  	_ =	shalt  }
0x54: {  	_ =	shalt  }
0x55: {  	_ =	shalt  }
0x56: {  	_ =	shalt  }
0x57: {  	_ =	shalt  }
0x58: {  	_ =	shalt  }
0x59: {  	_ =	shalt  }
0x5a: {  	_ =	shalt  }
0x5b: {  	_ =	shalt  }
0x5c: {  	_ =	shalt  }
0x5d: {  	_ =	shalt  }
0x5e: {  	_ =	shalt  }
0x5f: {  	_ =	shalt  }
0x60: {  	_ =	shalt  }
0x61: {  	_ =	shalt  }
0x62: {  	_ =	shalt  }
0x63: {  	_ =	shalt  }
0x64: {  	_ =	shalt  }
0x65: {  	_ =	shalt  }
0x66: {  	_ =	shalt  }
0x67: {  	_ =	shalt  }
0x68: {  	_ =	shalt  }
0x69: {  	_ =	shalt  }
0x6a: {  	_ =	shalt  }
0x6b: {  	_ =	shalt  }
0x6c: {  	_ =	shalt  }
0x6d: {  	_ =	shalt  }
0x6e: {  	_ =	shalt  }
0x6f: {  	_ =	shalt  }
0x70: {  	_ =	shalt  }
0x71: {  	_ =	shalt  }
0x72: {  	_ =	shalt  }
0x73: {  	_ =	shalt  }
0x74: {  	_ =	shalt  }
0x75: {  	_ =	shalt  }
0x76: {  	_ =	shalt  }
0x77: {  	_ =	shalt  }
0x78: {  	_ =	shalt  }
0x79: {  	_ =	shalt  }
0x7a: {  	_ =	shalt  }
0x7b: {  	_ =	shalt  }
0x7c: {  	_ =	shalt  }
0x7d: {  	_ =	shalt  }
0x7e: {  	_ =	shalt  }
0x7f: {  	_ =	shalt  }
0x80: {  	_ =	shalt  }
0x81: {  	_ =	shalt  }
0x82: {  	_ =	shalt  }
0x83: {  	_ =	shalt  }
0x84: {  	_ =	shalt  }
0x85: {  	_ =	shalt  }
0x86: {  	_ =	shalt  }
0x87: {  	_ =	shalt  }
.Lfunc_end0:
.L_simem_size_0:
called_computation.2_lowered:
.L_overlay_start_0:
0x88: {  	s2 =	sld [smem:$0x3FD9]  }
0x89: {  	s3 =	sld [smem:$0x3FFE];
	_ =	sdelay $0x1  }
0x8a: {  	s1 =	srdreg.scid  }
0x8b: {  	s0 =	sand.u32 $0x1, s1  }
0x8c: {  	s17 =	sshll.u32 s0, $0xA;
	s2 =	sadd.s32 s3, s2  }
0x8d: {  	s2 =	sadd.s32 s2, s17  }
0x8e: {  	[smem:$0x3FC2] =	sst s2  }
0x8f: {  	_ = 	snop  }
0x90: {  	s2 =	sld [smem:$0x3FD0];
	(tm) =	ssettm $0x1  }
0x91: {  	s18 =	sld [smem:$0x3FFB];
	_ =	sdelay $0x3  }
0x92: {  	_ =	strace s18  }
0x93: {  	s3 =	sld [smem:$0x3FFC];
	_ =	sdelay $0x3  }
0x94: {  	_ =	strace s3  }
0x95: {  	s3 =	sld [smem:$0x3FFD];
	_ =	sdelay $0x3  }
0x96: {  	_ =	strace s3  }
0x97: {  	_ =	strace $0x8FFFFFFF  }
0x98: {  	s19 =	sld [smem:$0x3FDB];
	_ =	sdelay $0x1  }
0x99: {  	s4 =	simm.s32 $_scs_section_size  }
0x9a: {  	s5 =	simm.s32 $_size__tile_overlayer_lowered;
	s6 =	simm.s32 $_tile_overlayer_lowered  }
0x9b: {  	s22 =	simm.s32 $0x1BFF;
	s21 =	sshll.u32 s6, $0x1;
	s3 =	sadd.s32 s4, s19  }
0x9c: {  	s7 =	simm.s32 $0x0;
	s20 =	sshll.u32 s5, $0x1;
	s5 =	sadd.s32 s21, s3  }
0x9d: {  	[timem:s7], [sflag:s22] =	dma.local [hbm:s5], s20  }
0x9e: {  	_ =	swait.ge [sflag:s22], s20  }
0x9f: {  	s4 =	ssub.s32 $0x0, s20;
	[sflag:s22] =	ssyncset.done $0x0  }
0xa0: {  	[sflag:s22] =	ssyncadd.s32 s4;
	_ =	sdelay $0x1  }
0xa1: {  	s23 =	simm.s32 $0x1B8B  }
0xa2: {  	_ =	swait.ge [sflag:s23], $0x1  }
0xa3: {  	[sflag:s23] =	ssyncset.done $0x0  }
0xa4: {  	s25 =	simm.s32 $0x1B8E;
	s24 =	sld [smem:$0x3FFE];
	[sflag:s23] =	ssyncadd.s32 $0xFFFFFFFF  }
0xa5: {  	s26 =	simm.s32 $execute0_lowered;
	[smem:$0x3FD2] =	sst s25  }
0xa6: {  	s5 =	sshll.u32 s26, $0x1;
	_ =	strace $0x8000004C;
	[dreg:$0x1] =	wrdreg $0xFFFFFFFF  }
0xa7: {  	s28 =	simm.s32 $_size_execute0_lowered;
	s3 =	sadd.s32 s3, s5;
	[dreg:$0x0] =	wrdreg $0x0  }
0xa8: {  	s5 =	sshll.u32 s28, $0x1;
	[dreg:$0x2] =	wrdreg s3  }
0xa9: {  	[dreg:$0x3] =	wrdreg s5  }
0xaa: {  	[dreg:$0x4] =	wrdreg $0xC0  }
0xab: {  	_ =	task [dreg:s7], $0x5FFFF  }
0xac: {  	[dreg:$0x1] =	wrdreg $0xFFFFFFFF  }
0xad: {  	[dreg:$0x0] =	wrdreg $0x60  }
0xae: {  	[dreg:$0x2] =	wrdreg s24  }
0xaf: {  	[dreg:$0x3] =	wrdreg s2  }
0xb0: {  	[dreg:$0x4] =	wrdreg $0xA8000  }
0xb1: {  	[dreg:$0x5] =	wrdreg $0x9  }
0xb2: {  	_ =	task.clear_ibuf [dreg:s7], $0x6FFFF;
	_ =	strace $0x9000004C  }
0xb3: {  	s29 =	simm.s32 $0x9;
	_ =	strace $0x8000004E  }
0xb4: {  	_ =	swait.ge [sflag:s29], $0x1  }
0xb5: {  	[sflag:s29] =	ssyncadd.s32 $0xFFFFFFFF  }
0xb6: {  	_ =	strace $0x9000004E  }
0xb7: {  	_ =	sfence  }
0xb8: {  	s30 =	sld [smem:$0x0];
	_ =	sdelay $0x2  }
0xb9: {  	s31 =	sshll.u32 s1, $0xD;
	s1 =	sshrl.u32 s1, $0x2  }
0xba: {  	s3 =	sand.u32 $0x4000, s31;
	s1 =	sadd.s32 s1, s30  }
0xbb: {  	s0 =	sor.u32 s3, s0;
	s1 =	sshll.u32 s1, $0x11  }
0xbc: {  	s0 =	sor.u32 s1, s0  }
0xbd: {  	s0 =	sadd.s32 $0x8F2B, s0  }
0xbe: {  	[sflag:s0] =	ssyncadd.remote.s32 $0x1  }
0xbf: {  	_ =	sfence.sel $0xFFFF  }
0xc0: {  	[dreg:$0x0] =	wrdreg $0xFFFFFFFF;
	(pc) =	sbr.abs _section_cstart, $3  }
0xc1: {  	[dreg:$0x1] =	wrdreg $0xFFFFFFFF  }
0xc2: {  	_ =	task.clear_ibuf [dreg:s7], $0x2FFFF;
	_ =	strace $0x9FFFFFFF  }
0xc3: {  	(tm) =	ssettm $0x7FFFFFFF  }
tec
execute0_lowered:
.L_overlay_start_1:
0x0: {  	(tag) =	ssettag $0x1  }
0x1: {  	s6 =	rddreg [dreg:$0x0]  }
0x2: {  	s2 =	rddreg [dreg:$0x1]  }
0x3: {  	s3 =	rddreg [dreg:$0x2]  }
0x4: {  	s0 =	rddreg [dreg:$0x3]  }
0x5: {  	s1 =	stileid.u32;
	s5 =	srdreg.scid  }
0x6: {  	s4 =	simm.s32 $0x0;
	s19 =	simm.s32 $0x1400;
	s20 =	simm.s32 $0x80  }
0x7: {  	s21 =	simm.s32 $0x2800;
	s22 =	simm.s32 $0x6800;
	s7 =	smul.u32 $0x280, s1  }
0x8: {  	s8 =	sand.u32 $0x1, s5;
	[smem:$0x7FF] =	sst s4;
	s10 =	smul.u32 $0x13C00, s1  }
0x9: {  	s5 =	sadd.s32 $0x17200, s6;
	s11 =	sadd.s32 $0xFA00, s6;
	s25 =	smul.u32 $0x4F000, s1  }
0xa: {  	s12 =	sadd.s32 $0x8200, s6;
	s15 =	smul.u32 $0x3C00, s1;
	s28 =	sshll.u32 s1, $0x6  }
0xb: {  	s9 =	smul.u32 $0x13C000, s8;
	_ =	strace $0x8000004D;
	s24 =	ssub.s32 $0x2, s8  }
0xc: {  	p0 =	seq.s32 s8, $0x1;
	s14 =	sadd.s32 s7, s6;
	s13 =	sshrl.u32 s24, $0x1  }
0xd: {  	s26 =	sshrl.u32 s25, $0x2;
	s29 =	sshrl.u32 s15, $0x3;
	s25 =	simm.s32 $0x2700  }
0xe: {  	s23 =	sadd.s32 s10, s9;
	s17 =	ssub.s32 s24, s13;
	s18 =	sadd.s32 s26, s3  }
0xf: {  	s8 =	sadd.s32 s12, s29;
	s30 =	sadd.s32 $0x280, s29;
	s31 =	sadd.s32 $0x500, s29  }
0x10: {  	s13 =	sadd.s32 $0x5A00, s14;
	s14 =	sadd.s32 $0x3200, s14;
	s24 =	simm.s32 $0x2  }
.Ltmp0:
0x11: {  	s26 =	simm.s32 $0x2780;
	s7 =	sshrl.u32 s23, $0x3;
	(pc) =	sbr.rel .LBB2_1-.Ltmp0, $4  }
0x12: {  	s9 =	sadd.s32 s11, s30;
	s10 =	sadd.s32 s12, s30;
	s12 =	sadd.s32 s12, s31  }
0x13: {  	s23 =	simm.s32 $0x1;
	s16 =	sadd.s32 s7, s6;
	s6 =	sor.u32 $0x1C03, s28  }
0x14: {  	s7 =	sadd.s32 s11, s29;
	s11 =	sadd.s32 s11, s31;
	s15 =	sadd.s32 $0x3E400, s16  }
0x15: {  	s16 =	smax.u32 s17, $0x1;
	s17 =	sshrl.u32 s18, $0x3;
	s18 =	simm.s32 $0x3  }
.LBB2_11:
0x16: {  	[tilespmem:s22], [sflag:$0x2] =	stream.indirect.gather [hbm4b:s5+s20], $0x80, s29, s20, $0xb8;
	[tilespmem:$0x1E400] =	vst v63  }
.LBB2_12:
0x17: {  	_ =	swait.ge [sflag:s23], $0x4000  }
0x18: {  	[sflag:s23] =	ssyncset.done $0x0  }
0x19: {  	[sflag:s23] =	ssyncadd.s32 $0xFFFFC000  }
0x1a: {  	[spmem:s3] =	stream.indirect.scatter.add.f32 [tilespmem:s21], [sflag:$0x3], $0x80, s25, s20, $0xb8;
	[tilespmem:$0x1E400] =	vst v63  }
0x1b: {  	_ =	swait.ge [sflag:s18], $0x4000  }
0x1c: {  	[sflag:s18] =	ssyncset.done $0x0  }
0x1d: {  	[sflag:s18] =	ssyncadd.s32 $0xFFFFC000  }
0x1e: {  	_ =	swait.ge [sflag:s24], $0x4000  }
0x1f: {  	[sflag:s24] =	ssyncset.done $0x0  }
0x20: {  	[sflag:s24] =	ssyncadd.s32 $0xFFFFC000  }
0x21: {  	[spmem:s3] =	stream.indirect.scatter.add.f32 [tilespmem:s22], [sflag:$0x3], $0x80, s26, s20, $0xb8;
	[tilespmem:$0x1E400] =	vst v63  }
0x22: {  	_ =	swait.ge [sflag:s18], $0x4000  }
0x23: {  	s4 =	sadd.s32 $0x1, s4;
	[sflag:s18] =	ssyncset.done $0x0  }
0x24: {  	p1 =	sne.s32 s4, s16;
	[sflag:s18] =	ssyncadd.s32 $0xFFFFC000  }
.Ltmp1:
0x25: {  	[bflag:$0x0] =	sbarrier.arrive $0xFFFF;
	(pc) =	sbr.rel @!p1 .LBB2_13-.Ltmp1, $4  }
0x26: {  	[hbm:s15], [sflag:s6] =	dma.local [spmem:s17], $0x2780  }
0x27: {  	_ =	swait.ge [sflag:s18], $0x2780  }
0x28: {  	[sflag:s18] =	ssyncset.done $0x0  }
0x29: {  	[sflag:s18] =	ssyncadd.s32 $0xFFFFD880  }
.LBB2_1:
0x2a: {  	[spmem:s17], [sflag:s6] =	dma.local [hbm:s2], $0x2780  }
.Ltmp2:
0x2b: {  	_ =	swait.ge [sflag:s18], $0x2780;
	(pc) =	sbr.rel @!p0 .LBB2_2-.Ltmp2, $4  }
0x2c: {  	[sflag:s18] =	ssyncset.done $0x0  }
0x2d: {  	[sflag:s18] =	ssyncadd.s32 $0xFFFFD880  }
0x2e: {  	[bflag:$0x0] =	sbarrier.arrive $0xFFFF  }
0x2f: {  	s28 =	simm.s32 $0x0  }
0x30: {  	[tilespmem:s28], [sflag:$0x3] =	stream.linear.gather [hbm4b:s13+s28], $0x1400, $0x38;
	[tilespmem:$0x1E400] =	vst v63  }
0x31: {  	_ =	swait.ge [sflag:s18], $0x1400  }
0x32: {  	[sflag:s18] =	ssyncset.done $0x0  }
0x33: {  	[sflag:s18] =	ssyncadd.s32 $0xFFFFEC00  }
0x34: {  	[tilespmem:s19], [sflag:$0x3] =	stream.linear.gather [hbm4b:s14+s28], $0x1400, $0x38;
	[tilespmem:$0x1E400] =	vst v63  }
0x35: {  	_ =	swait.ge [sflag:s18], $0x1400  }
0x36: {  	[sflag:s18] =	ssyncset.done $0x0  }
0x37: {  	[sflag:s18] =	ssyncadd.s32 $0xFFFFEC00  }
0x38: {  	[tilespmem:s21], [sflag:$0x1] =	stream.indirect.gather [hbm4b:s5+s20], $0x80, s28, s20, $0xb8;
	[tilespmem:$0x1E400] =	vst v63  }
0x39: {  	_ = 	snop  }
0x3a: {  	[tilespmem:s22], [sflag:$0x2] =	stream.indirect.gather [hbm4b:s5+s20], $0x80, s20, s20, $0xb8;
	[tilespmem:$0x1E400] =	vst v63  }
0x3b: {  	_ =	swait.ge [sflag:s23], $0x4000  }
0x3c: {  	[sflag:s23] =	ssyncset.done $0x0  }
0x3d: {  	s28 =	simm.s32 $0x1400;
	[sflag:s23] =	ssyncadd.s32 $0xFFFFC000  }
0x3e: {  	[spmem:s3] =	stream.indirect.scatter.add.f32 [tilespmem:s21], [sflag:$0x3], $0x80, s28, s20, $0xb8;
	[tilespmem:$0x1E400] =	vst v63  }
0x3f: {  	_ =	swait.ge [sflag:s18], $0x4000  }
0x40: {  	[sflag:s18] =	ssyncset.done $0x0  }
0x41: {  	s28 =	simm.s32 $0x100;
	[sflag:s18] =	ssyncadd.s32 $0xFFFFC000  }
0x42: {  	[tilespmem:s21], [sflag:$0x1] =	stream.indirect.gather [hbm4b:s5+s20], $0x80, s28, s20, $0xb8;
	[tilespmem:$0x1E400] =	vst v63  }
0x43: {  	_ =	swait.ge [sflag:s24], $0x4000  }
0x44: {  	[sflag:s24] =	ssyncset.done $0x0  }
0x45: {  	s28 =	simm.s32 $0x1480;
	[sflag:s24] =	ssyncadd.s32 $0xFFFFC000  }
0x46: {  	[spmem:s3] =	stream.indirect.scatter.add.f32 [tilespmem:s22], [sflag:$0x3], $0x80, s28, s20, $0xb8;
	[tilespmem:$0x1E400] =	vst v63  }
0x47: {  	_ =	swait.ge [sflag:s18], $0x4000  }
0x48: {  	[sflag:s18] =	ssyncset.done $0x0  }
0x49: {  	s29 =	simm.s32 $0x180;
	s28 =	simm.s32 $0x400;
	[sflag:s18] =	ssyncadd.s32 $0xFFFFC000  }
.LBB2_10:
0x4a: {  	[tilespmem:s22], [sflag:$0x2] =	stream.indirect.gather [hbm4b:s5+s20], $0x80, s29, s20, $0xb8;
	[tilespmem:$0x1E400] =	vst v63  }
0x4b: {  	s29 =	smov.u32 s28  }
0x4c: {  	p1 =	sne.s32 s28, $0x4800;
	s28 =	sadd.s32 $0x400, s28;
	_ =	swait.ge [sflag:s23], $0x4000  }
0x4d: {  	s29 =	sshra.s32 s29, $0x2;
	[sflag:s23] =	ssyncset.done $0x0  }
0x4e: {  	s30 =	sadd.s32 $0x1400, s29;
	[sflag:s23] =	ssyncadd.s32 $0xFFFFC000  }
0x4f: {  	[spmem:s3] =	stream.indirect.scatter.add.f32 [tilespmem:s21], [sflag:$0x3], $0x80, s30, s20, $0xb8;
	[tilespmem:$0x1E400] =	vst v63  }
0x50: {  	_ =	swait.ge [sflag:s18], $0x4000  }
0x51: {  	[sflag:s18] =	ssyncset.done $0x0  }
0x52: {  	s30 =	sadd.s32 $0x100, s29;
	[sflag:s18] =	ssyncadd.s32 $0xFFFFC000  }
0x53: {  	[tilespmem:s21], [sflag:$0x1] =	stream.indirect.gather [hbm4b:s5+s20], $0x80, s30, s20, $0xb8;
	[tilespmem:$0x1E400] =	vst v63  }
0x54: {  	_ =	swait.ge [sflag:s24], $0x4000  }
0x55: {  	[sflag:s24] =	ssyncset.done $0x0  }
.Ltmp3:
0x56: {  	s30 =	sadd.s32 $0x1480, s29;
	[sflag:s24] =	ssyncadd.s32 $0xFFFFC000;
	(pc) =	sbr.rel @p1 .LBB2_10-.Ltmp3, $4  }
0x57: {  	[spmem:s3] =	stream.indirect.scatter.add.f32 [tilespmem:s22], [sflag:$0x3], $0x80, s30, s20, $0xb8;
	[tilespmem:$0x1E400] =	vst v63  }
0x58: {  	_ =	swait.ge [sflag:s18], $0x4000  }
0x59: {  	[sflag:s18] =	ssyncset.done $0x0  }
0x5a: {  	s29 =	sadd.s32 $0x180, s29;
	[sflag:s18] =	ssyncadd.s32 $0xFFFFC000  }
.Ltmp4:
0x5b: {  	_ = 	snop;
	(pc) =	sbr.rel .LBB2_11-.Ltmp4, $1  }
0x5c: {  	_ =	sdelay $0x3  }
.LBB2_2:
0x5d: {  	[tilespmem:s28], [sflag:$0x3] =	stream.linear.gather [hbm4b:s7+s28], $0x1400, $0x38;
	[tilespmem:$0x1E400] =	vst v63  }
0x5e: {  	_ =	swait.ge [sflag:s18], $0x1400  }
0x5f: {  	[sflag:s18] =	ssyncset.done $0x0  }
0x60: {  	[sflag:s18] =	ssyncadd.s32 $0xFFFFEC00  }
0x61: {  	[tilespmem:s19], [sflag:$0x3] =	stream.linear.gather [hbm4b:s8+s28], $0x1400, $0x38;
	[tilespmem:$0x1E400] =	vst v63  }
0x62: {  	_ =	swait.ge [sflag:s18], $0x1400  }
0x63: {  	[sflag:s18] =	ssyncset.done $0x0  }
0x64: {  	[sflag:s18] =	ssyncadd.s32 $0xFFFFEC00  }
0x65: {  	[tilespmem:s21], [sflag:$0x1] =	stream.indirect.gather [hbm4b:s5+s20], $0x80, s28, s20, $0xb8;
	[tilespmem:$0x1E400] =	vst v63  }
0x66: {  	_ = 	snop  }
0x67: {  	[tilespmem:s22], [sflag:$0x2] =	stream.indirect.gather [hbm4b:s5+s20], $0x80, s20, s20, $0xb8;
	[tilespmem:$0x1E400] =	vst v63  }
0x68: {  	_ =	swait.ge [sflag:s23], $0x4000  }
0x69: {  	[sflag:s23] =	ssyncset.done $0x0  }
0x6a: {  	s28 =	simm.s32 $0x1400;
	[sflag:s23] =	ssyncadd.s32 $0xFFFFC000  }
0x6b: {  	[spmem:s3] =	stream.indirect.scatter.add.f32 [tilespmem:s21], [sflag:$0x3], $0x80, s28, s20, $0xb8;
	[tilespmem:$0x1E400] =	vst v63  }
0x6c: {  	_ =	swait.ge [sflag:s18], $0x4000  }
0x6d: {  	[sflag:s18] =	ssyncset.done $0x0  }
0x6e: {  	s28 =	simm.s32 $0x100;
	[sflag:s18] =	ssyncadd.s32 $0xFFFFC000  }
0x6f: {  	[tilespmem:s21], [sflag:$0x1] =	stream.indirect.gather [hbm4b:s5+s20], $0x80, s28, s20, $0xb8;
	[tilespmem:$0x1E400] =	vst v63  }
0x70: {  	_ =	swait.ge [sflag:s24], $0x4000  }
0x71: {  	[sflag:s24] =	ssyncset.done $0x0  }
0x72: {  	s28 =	simm.s32 $0x1480;
	[sflag:s24] =	ssyncadd.s32 $0xFFFFC000  }
0x73: {  	[spmem:s3] =	stream.indirect.scatter.add.f32 [tilespmem:s22], [sflag:$0x3], $0x80, s28, s20, $0xb8;
	[tilespmem:$0x1E400] =	vst v63  }
0x74: {  	_ =	swait.ge [sflag:s18], $0x4000  }
0x75: {  	[sflag:s18] =	ssyncset.done $0x0  }
0x76: {  	s29 =	simm.s32 $0x180;
	s28 =	simm.s32 $0x400;
	[sflag:s18] =	ssyncadd.s32 $0xFFFFC000  }
.LBB2_3:
0x77: {  	[tilespmem:s22], [sflag:$0x2] =	stream.indirect.gather [hbm4b:s5+s20], $0x80, s29, s20, $0xb8;
	[tilespmem:$0x1E400] =	vst v63  }
0x78: {  	s29 =	smov.u32 s28  }
0x79: {  	p1 =	sne.s32 s28, $0x4800;
	s28 =	sadd.s32 $0x400, s28;
	_ =	swait.ge [sflag:s23], $0x4000  }
0x7a: {  	s29 =	sshra.s32 s29, $0x2;
	[sflag:s23] =	ssyncset.done $0x0  }
0x7b: {  	s30 =	sadd.s32 $0x1400, s29;
	[sflag:s23] =	ssyncadd.s32 $0xFFFFC000  }
0x7c: {  	[spmem:s3] =	stream.indirect.scatter.add.f32 [tilespmem:s21], [sflag:$0x3], $0x80, s30, s20, $0xb8;
	[tilespmem:$0x1E400] =	vst v63  }
0x7d: {  	_ =	swait.ge [sflag:s18], $0x4000  }
0x7e: {  	[sflag:s18] =	ssyncset.done $0x0  }
0x7f: {  	s30 =	sadd.s32 $0x100, s29;
	[sflag:s18] =	ssyncadd.s32 $0xFFFFC000  }
0x80: {  	[tilespmem:s21], [sflag:$0x1] =	stream.indirect.gather [hbm4b:s5+s20], $0x80, s30, s20, $0xb8;
	[tilespmem:$0x1E400] =	vst v63  }
0x81: {  	_ =	swait.ge [sflag:s24], $0x4000  }
0x82: {  	[sflag:s24] =	ssyncset.done $0x0  }
.Ltmp5:
0x83: {  	s30 =	sadd.s32 $0x1480, s29;
	[sflag:s24] =	ssyncadd.s32 $0xFFFFC000;
	(pc) =	sbr.rel @p1 .LBB2_3-.Ltmp5, $4  }
0x84: {  	[spmem:s3] =	stream.indirect.scatter.add.f32 [tilespmem:s22], [sflag:$0x3], $0x80, s30, s20, $0xb8;
	[tilespmem:$0x1E400] =	vst v63  }
0x85: {  	_ =	swait.ge [sflag:s18], $0x4000  }
0x86: {  	[sflag:s18] =	ssyncset.done $0x0  }
0x87: {  	s29 =	sadd.s32 $0x180, s29;
	[sflag:s18] =	ssyncadd.s32 $0xFFFFC000  }
0x88: {  	[tilespmem:s22], [sflag:$0x2] =	stream.indirect.gather [hbm4b:s5+s20], $0x80, s29, s20, $0xb8;
	[tilespmem:$0x1E400] =	vst v63  }
0x89: {  	_ =	swait.ge [sflag:s23], $0x4000  }
0x8a: {  	[sflag:s23] =	ssyncset.done $0x0  }
0x8b: {  	[sflag:s23] =	ssyncadd.s32 $0xFFFFC000  }
0x8c: {  	[spmem:s3] =	stream.indirect.scatter.add.f32 [tilespmem:s21], [sflag:$0x3], $0x80, s25, s20, $0xb8;
	[tilespmem:$0x1E400] =	vst v63  }
0x8d: {  	_ =	swait.ge [sflag:s18], $0x4000  }
0x8e: {  	[sflag:s18] =	ssyncset.done $0x0  }
0x8f: {  	[sflag:s18] =	ssyncadd.s32 $0xFFFFC000  }
0x90: {  	_ =	swait.ge [sflag:s24], $0x4000  }
0x91: {  	[sflag:s24] =	ssyncset.done $0x0  }
0x92: {  	[sflag:s24] =	ssyncadd.s32 $0xFFFFC000  }
0x93: {  	[spmem:s3] =	stream.indirect.scatter.add.f32 [tilespmem:s22], [sflag:$0x3], $0x80, s26, s20, $0xb8;
	[tilespmem:$0x1E400] =	vst v63  }
0x94: {  	_ =	swait.ge [sflag:s18], $0x4000  }
0x95: {  	[sflag:s18] =	ssyncset.done $0x0  }
0x96: {  	s28 =	simm.s32 $0x0;
	[sflag:s18] =	ssyncadd.s32 $0xFFFFC000  }
0x97: {  	[tilespmem:s28], [sflag:$0x3] =	stream.linear.gather [hbm4b:s9+s28], $0x1400, $0x38;
	[tilespmem:$0x1E400] =	vst v63  }
0x98: {  	_ =	swait.ge [sflag:s18], $0x1400  }
0x99: {  	[sflag:s18] =	ssyncset.done $0x0  }
0x9a: {  	[sflag:s18] =	ssyncadd.s32 $0xFFFFEC00  }
0x9b: {  	[tilespmem:s19], [sflag:$0x3] =	stream.linear.gather [hbm4b:s10+s28], $0x1400, $0x38;
	[tilespmem:$0x1E400] =	vst v63  }
0x9c: {  	_ =	swait.ge [sflag:s18], $0x1400  }
0x9d: {  	[sflag:s18] =	ssyncset.done $0x0  }
0x9e: {  	[sflag:s18] =	ssyncadd.s32 $0xFFFFEC00  }
0x9f: {  	[tilespmem:s21], [sflag:$0x1] =	stream.indirect.gather [hbm4b:s5+s20], $0x80, s28, s20, $0xb8;
	[tilespmem:$0x1E400] =	vst v63  }
0xa0: {  	_ = 	snop  }
0xa1: {  	[tilespmem:s22], [sflag:$0x2] =	stream.indirect.gather [hbm4b:s5+s20], $0x80, s20, s20, $0xb8;
	[tilespmem:$0x1E400] =	vst v63  }
0xa2: {  	_ =	swait.ge [sflag:s23], $0x4000  }
0xa3: {  	[sflag:s23] =	ssyncset.done $0x0  }
0xa4: {  	s28 =	simm.s32 $0x1400;
	[sflag:s23] =	ssyncadd.s32 $0xFFFFC000  }
0xa5: {  	[spmem:s3] =	stream.indirect.scatter.add.f32 [tilespmem:s21], [sflag:$0x3], $0x80, s28, s20, $0xb8;
	[tilespmem:$0x1E400] =	vst v63  }
0xa6: {  	_ =	swait.ge [sflag:s18], $0x4000  }
0xa7: {  	[sflag:s18] =	ssyncset.done $0x0  }
0xa8: {  	s28 =	simm.s32 $0x100;
	[sflag:s18] =	ssyncadd.s32 $0xFFFFC000  }
0xa9: {  	[tilespmem:s21], [sflag:$0x1] =	stream.indirect.gather [hbm4b:s5+s20], $0x80, s28, s20, $0xb8;
	[tilespmem:$0x1E400] =	vst v63  }
0xaa: {  	_ =	swait.ge [sflag:s24], $0x4000  }
0xab: {  	[sflag:s24] =	ssyncset.done $0x0  }
0xac: {  	s28 =	simm.s32 $0x1480;
	[sflag:s24] =	ssyncadd.s32 $0xFFFFC000  }
0xad: {  	[spmem:s3] =	stream.indirect.scatter.add.f32 [tilespmem:s22], [sflag:$0x3], $0x80, s28, s20, $0xb8;
	[tilespmem:$0x1E400] =	vst v63  }
0xae: {  	_ =	swait.ge [sflag:s18], $0x4000  }
0xaf: {  	[sflag:s18] =	ssyncset.done $0x0  }
0xb0: {  	s29 =	simm.s32 $0x180;
	s28 =	simm.s32 $0x400;
	[sflag:s18] =	ssyncadd.s32 $0xFFFFC000  }
.LBB2_5:
0xb1: {  	[tilespmem:s22], [sflag:$0x2] =	stream.indirect.gather [hbm4b:s5+s20], $0x80, s29, s20, $0xb8;
	[tilespmem:$0x1E400] =	vst v63  }
0xb2: {  	s29 =	smov.u32 s28  }
0xb3: {  	p1 =	sne.s32 s28, $0x4800;
	s28 =	sadd.s32 $0x400, s28;
	_ =	swait.ge [sflag:s23], $0x4000  }
0xb4: {  	s29 =	sshra.s32 s29, $0x2;
	[sflag:s23] =	ssyncset.done $0x0  }
0xb5: {  	s30 =	sadd.s32 $0x1400, s29;
	[sflag:s23] =	ssyncadd.s32 $0xFFFFC000  }
0xb6: {  	[spmem:s3] =	stream.indirect.scatter.add.f32 [tilespmem:s21], [sflag:$0x3], $0x80, s30, s20, $0xb8;
	[tilespmem:$0x1E400] =	vst v63  }
0xb7: {  	_ =	swait.ge [sflag:s18], $0x4000  }
0xb8: {  	[sflag:s18] =	ssyncset.done $0x0  }
0xb9: {  	s30 =	sadd.s32 $0x100, s29;
	[sflag:s18] =	ssyncadd.s32 $0xFFFFC000  }
0xba: {  	[tilespmem:s21], [sflag:$0x1] =	stream.indirect.gather [hbm4b:s5+s20], $0x80, s30, s20, $0xb8;
	[tilespmem:$0x1E400] =	vst v63  }
0xbb: {  	_ =	swait.ge [sflag:s24], $0x4000  }
0xbc: {  	[sflag:s24] =	ssyncset.done $0x0  }
.Ltmp6:
0xbd: {  	s30 =	sadd.s32 $0x1480, s29;
	[sflag:s24] =	ssyncadd.s32 $0xFFFFC000;
	(pc) =	sbr.rel @p1 .LBB2_5-.Ltmp6, $4  }
0xbe: {  	[spmem:s3] =	stream.indirect.scatter.add.f32 [tilespmem:s22], [sflag:$0x3], $0x80, s30, s20, $0xb8;
	[tilespmem:$0x1E400] =	vst v63  }
0xbf: {  	_ =	swait.ge [sflag:s18], $0x4000  }
0xc0: {  	[sflag:s18] =	ssyncset.done $0x0  }
0xc1: {  	s29 =	sadd.s32 $0x180, s29;
	[sflag:s18] =	ssyncadd.s32 $0xFFFFC000  }
0xc2: {  	[tilespmem:s22], [sflag:$0x2] =	stream.indirect.gather [hbm4b:s5+s20], $0x80, s29, s20, $0xb8;
	[tilespmem:$0x1E400] =	vst v63  }
0xc3: {  	_ =	swait.ge [sflag:s23], $0x4000  }
0xc4: {  	[sflag:s23] =	ssyncset.done $0x0  }
0xc5: {  	[sflag:s23] =	ssyncadd.s32 $0xFFFFC000  }
0xc6: {  	[spmem:s3] =	stream.indirect.scatter.add.f32 [tilespmem:s21], [sflag:$0x3], $0x80, s25, s20, $0xb8;
	[tilespmem:$0x1E400] =	vst v63  }
0xc7: {  	_ =	swait.ge [sflag:s18], $0x4000  }
0xc8: {  	[sflag:s18] =	ssyncset.done $0x0  }
0xc9: {  	[sflag:s18] =	ssyncadd.s32 $0xFFFFC000  }
0xca: {  	_ =	swait.ge [sflag:s24], $0x4000  }
0xcb: {  	[sflag:s24] =	ssyncset.done $0x0  }
0xcc: {  	[sflag:s24] =	ssyncadd.s32 $0xFFFFC000  }
0xcd: {  	[spmem:s3] =	stream.indirect.scatter.add.f32 [tilespmem:s22], [sflag:$0x3], $0x80, s26, s20, $0xb8;
	[tilespmem:$0x1E400] =	vst v63  }
0xce: {  	_ =	swait.ge [sflag:s18], $0x4000  }
0xcf: {  	[sflag:s18] =	ssyncset.done $0x0  }
0xd0: {  	s28 =	simm.s32 $0x0;
	[sflag:s18] =	ssyncadd.s32 $0xFFFFC000  }
0xd1: {  	[tilespmem:s28], [sflag:$0x3] =	stream.linear.gather [hbm4b:s11+s28], $0x1400, $0x38;
	[tilespmem:$0x1E400] =	vst v63  }
0xd2: {  	_ =	swait.ge [sflag:s18], $0x1400  }
0xd3: {  	[sflag:s18] =	ssyncset.done $0x0  }
0xd4: {  	[sflag:s18] =	ssyncadd.s32 $0xFFFFEC00  }
0xd5: {  	[tilespmem:s19], [sflag:$0x3] =	stream.linear.gather [hbm4b:s12+s28], $0x1400, $0x38;
	[tilespmem:$0x1E400] =	vst v63  }
0xd6: {  	_ =	swait.ge [sflag:s18], $0x1400  }
0xd7: {  	[sflag:s18] =	ssyncset.done $0x0  }
0xd8: {  	[sflag:s18] =	ssyncadd.s32 $0xFFFFEC00  }
0xd9: {  	[tilespmem:s21], [sflag:$0x1] =	stream.indirect.gather [hbm4b:s5+s20], $0x80, s28, s20, $0xb8;
	[tilespmem:$0x1E400] =	vst v63  }
0xda: {  	_ = 	snop  }
0xdb: {  	[tilespmem:s22], [sflag:$0x2] =	stream.indirect.gather [hbm4b:s5+s20], $0x80, s20, s20, $0xb8;
	[tilespmem:$0x1E400] =	vst v63  }
0xdc: {  	_ =	swait.ge [sflag:s23], $0x4000  }
0xdd: {  	[sflag:s23] =	ssyncset.done $0x0  }
0xde: {  	s28 =	simm.s32 $0x1400;
	[sflag:s23] =	ssyncadd.s32 $0xFFFFC000  }
0xdf: {  	[spmem:s3] =	stream.indirect.scatter.add.f32 [tilespmem:s21], [sflag:$0x3], $0x80, s28, s20, $0xb8;
	[tilespmem:$0x1E400] =	vst v63  }
0xe0: {  	_ =	swait.ge [sflag:s18], $0x4000  }
0xe1: {  	[sflag:s18] =	ssyncset.done $0x0  }
0xe2: {  	s28 =	simm.s32 $0x100;
	[sflag:s18] =	ssyncadd.s32 $0xFFFFC000  }
0xe3: {  	[tilespmem:s21], [sflag:$0x1] =	stream.indirect.gather [hbm4b:s5+s20], $0x80, s28, s20, $0xb8;
	[tilespmem:$0x1E400] =	vst v63  }
0xe4: {  	_ =	swait.ge [sflag:s24], $0x4000  }
0xe5: {  	[sflag:s24] =	ssyncset.done $0x0  }
0xe6: {  	s28 =	simm.s32 $0x1480;
	[sflag:s24] =	ssyncadd.s32 $0xFFFFC000  }
0xe7: {  	[spmem:s3] =	stream.indirect.scatter.add.f32 [tilespmem:s22], [sflag:$0x3], $0x80, s28, s20, $0xb8;
	[tilespmem:$0x1E400] =	vst v63  }
0xe8: {  	_ =	swait.ge [sflag:s18], $0x4000  }
0xe9: {  	[sflag:s18] =	ssyncset.done $0x0  }
0xea: {  	s29 =	simm.s32 $0x180;
	s28 =	simm.s32 $0x400;
	[sflag:s18] =	ssyncadd.s32 $0xFFFFC000  }
.LBB2_7:
0xeb: {  	[tilespmem:s22], [sflag:$0x2] =	stream.indirect.gather [hbm4b:s5+s20], $0x80, s29, s20, $0xb8;
	[tilespmem:$0x1E400] =	vst v63  }
0xec: {  	s29 =	smov.u32 s28  }
0xed: {  	p1 =	seq.s32 s28, $0x4800;
	s28 =	sadd.s32 $0x400, s28;
	_ =	swait.ge [sflag:s23], $0x4000  }
0xee: {  	s29 =	sshra.s32 s29, $0x2;
	[sflag:s23] =	ssyncset.done $0x0  }
0xef: {  	s30 =	sadd.s32 $0x1400, s29;
	[sflag:s23] =	ssyncadd.s32 $0xFFFFC000  }
0xf0: {  	[spmem:s3] =	stream.indirect.scatter.add.f32 [tilespmem:s21], [sflag:$0x3], $0x80, s30, s20, $0xb8;
	[tilespmem:$0x1E400] =	vst v63  }
0xf1: {  	_ =	swait.ge [sflag:s18], $0x4000  }
0xf2: {  	[sflag:s18] =	ssyncset.done $0x0  }
0xf3: {  	s30 =	sadd.s32 $0x100, s29;
	[sflag:s18] =	ssyncadd.s32 $0xFFFFC000  }
0xf4: {  	[tilespmem:s21], [sflag:$0x1] =	stream.indirect.gather [hbm4b:s5+s20], $0x80, s30, s20, $0xb8;
	[tilespmem:$0x1E400] =	vst v63  }
0xf5: {  	_ =	swait.ge [sflag:s24], $0x4000  }
0xf6: {  	[sflag:s24] =	ssyncset.done $0x0  }
.Ltmp7:
0xf7: {  	s30 =	sadd.s32 $0x1480, s29;
	[sflag:s24] =	ssyncadd.s32 $0xFFFFC000;
	(pc) =	sbr.rel @!p1 .LBB2_7-.Ltmp7, $4  }
0xf8: {  	[spmem:s3] =	stream.indirect.scatter.add.f32 [tilespmem:s22], [sflag:$0x3], $0x80, s30, s20, $0xb8;
	[tilespmem:$0x1E400] =	vst v63  }
0xf9: {  	_ =	swait.ge [sflag:s18], $0x4000  }
0xfa: {  	[sflag:s18] =	ssyncset.done $0x0  }
0xfb: {  	s29 =	sadd.s32 $0x180, s29;
	[sflag:s18] =	ssyncadd.s32 $0xFFFFC000  }
.Ltmp8:
0xfc: {  	(pc) =	sbr.rel .LBB2_12-.Ltmp8, $2  }
0xfd: {  	_ =	sdelay $0x2  }
0xfe: {  	[tilespmem:s22], [sflag:$0x2] =	stream.indirect.gather [hbm4b:s5+s20], $0x80, s29, s20, $0xb8;
	[tilespmem:$0x1E400] =	vst v63  }
.LBB2_13:
0xff: {  	_ =	sfence.sel $0x180000  }
0x100: {  	[bflag:$0x0] =	sbarrier.arrive $0xFFFF  }
0x101: {  	p0 =	sne.s32 s1, $0x0;
	_ =	strace $0x9000004D  }
0x102: {  	s0 =	sadd.s32 @!p0 $0x100000, s0;
	[bflag:$0x2] =	sbarrier.arrive $0xFFFF  }
0x103: {  	[sflag:s0] =	ssyncadd.tile.s32 @!p0 $0x1;
	_ =	shalt  }
.Lfunc_end2:
_tile_overlayer_lowered:
.L_overlay_start_2:
0x104: {  	(tag) =	ssettag $0x2  }
0x105: {  	s0 =	rddreg [dreg:$0x0];
	s2 =	stileid.u32  }
0x106: {  	s1 =	rddreg [dreg:$0x1];
	p0 =	sne.s32 s2, $0x0  }
0x107: {  	s3 =	rddreg [dreg:$0x2];
	[bflag:$0x3] =	sbarrier.arrive $0xFFFF;
	s2 =	simm.s32 @!p0 $0x1C03  }
0x108: {  	[timem:s3], [sflag:s2] =	dma.local @!p0 [hbm:s0], s1  }
0x109: {  	s0 =	simm.s32 @!p0 $0x3  }
0x10a: {  	_ =	swait.ge @!p0 [sflag:s0], s1  }
0x10b: {  	s1 =	ssub.s32 @!p0 $0x0, s1;
	[sflag:s0] =	ssyncset.done @!p0 $0x0  }
0x10c: {  	[sflag:s0] =	ssyncadd.s32 @!p0 s1  }
0x10d: {  	[bflag:$0x3] =	sbarrier.arrive $0xFFFF  }
0x10e: {  	_ =	shalt  }

// kernel: kernel.8.cloned.1.call-start
scs
__scs_entry_jumppad:
0x0: {  	(pc) =	sbr.rel $0x88, $3  }
0x1: {  	(tag) =	ssettag $0x0;
	lr =	simm.s32 $0x1  }
0x2: {  	[smem:$0x3F9B] =	sst lr;
	_ =	strace $0xD0000000  }
0x3: {  	_ = 	snop  }
0x4: {  	_ = 	snop  }
0x5: {  	_ = 	snop  }
0x6: {  	_ = 	snop  }
0x7: {  	_ = 	snop  }
__scs_overlays_trampoline_lowered:
0x8: {  	[smem:$0x3FAA] =	sst s0  }
0x9: {  	[smem:$0x3FAB] =	sst s1  }
0xa: {  	[smem:$0x3FAC] =	sst s2  }
0xb: {  	[smem:$0x3FAD] =	sst s3  }
0xc: {  	[smem:$0x3FAE] =	sst s4  }
0xd: {  	[smem:$0x3FAF] =	sst s5  }
0xe: {  	[smem:$0x3FB0] =	sst s6  }
0xf: {  	[smem:$0x3FB1] =	sst s7  }
0x10: {  	[smem:$0x3FB2] =	sst s8  }
0x11: {  	[smem:$0x3FB3] =	sst s9;
	s0 =	simm.s32 @!p0 $0x0  }
0x12: {  	s1 =	sld [smem:$0x3F99];
	s0 =	simm.s32 @p0 $0x1  }
0x13: {  	[smem:$0x3FB4] =	sst s0;
	s0 =	simm.s32 @!p1 $0x0  }
0x14: {  	s2 =	sld [smem:$0x3F98];
	s0 =	simm.s32 @p1 $0x1  }
0x15: {  	[smem:$0x3FB5] =	sst s0;
	s0 =	simm.s32 @!p2 $0x0  }
0x16: {  	s3 =	sld [smem:$0x3FDB];
	s0 =	simm.s32 @p2 $0x1  }
0x17: {  	s4 =	simm.s32 $0x1BF5;
	[smem:$0x3FB7] =	sst s0  }
0x18: {  	s0 =	sld [smem:$0x3F9A];
	_ =	swait.ge [sflag:s4], $0x0  }
0x19: {  	s7 =	sld [smem:$0x3F9B]  }
0x1a: {  	s8 =	sadd.s32 $0xFFFFE003, lr  }
0x1b: {  	s9 =	sadd.s32 $0xFFFFFEF7, lr;
	s5 =	simm.s32 $0xFFFFFFFF;
	p2 =	slt.u32 s8, $0xFFFFF086  }
0x1c: {  	p1 =	slt.u32 s9, $0xF7A;
	s5 =	simm.s32 @!p2 $0x0  }
0x1d: {  	s5 =	simm.s32 @p1 $0x1;
	p0 =	seq.s32 s7, s2  }
0x1e: {  	s7 =	smul.u32 @!p0 $0xF7A, s2;
	p2 =	seq.s32 @!p0 s5, $0x0  }
0x1f: {  	s9 =	smul.u32 $0xF7A, s1;
	s8 =	simm.s32 @!p0 $0x1BF5;
	p2 =	por !p2, p0  }
0x20: {  	[sflag:s8] =	ssyncset.s32 @!p0 $0xFFFFF086;
	s6 =	sadd.s32 @!p0 s3, s7;
	s7 =	simm.s32 @!p0 $0x108  }
0x21: {  	s3 =	sadd.s32 s3, s9;
	s6 =	sadd.s32 @!p0 $0x88, s6;
	s7 =	simm.s32 @p2 $0x1082  }
0x22: {  	[simem:s7], [sflag:s8] =	dma.local @!p0 [hbm:s6], $0xF7A  }
0x23: {  	s9 =	sor.u32 $0xD0000000, s2;
	s6 =	simm.s32 $0x108;
	_ =	swait.ge @!p0 [sflag:s8], $0x0  }
0x24: {  	s3 =	sadd.s32 $0x88, s3;
	s6 =	simm.s32 @!p1 $0x1082;
	[sflag:s4] =	ssyncset.s32 $0xFFFFF086  }
0x25: {  	[simem:s6], [sflag:s4] =	dma.local [hbm:s3], $0xF7A  }
0x26: {  	[smem:$0x3F9B] =	sst s1;
	(tag) =	ssettag s2;
	_ =	strace s9  }
0x27: {  	s1 =	sld [smem:$0x3FAB]  }
0x28: {  	s2 =	sld [smem:$0x3FAC]  }
0x29: {  	s4 =	sld [smem:$0x3FAE]  }
0x2a: {  	p0 =	seq.s32 s5, $0x0;
	s5 =	sld [smem:$0x3FAF]  }
0x2b: {  	s6 =	sld [smem:$0x3FB0]  }
0x2c: {  	s7 =	sld [smem:$0x3FB1]  }
0x2d: {  	s3 =	simm.s32 $0x108;
	s8 =	sld [smem:$0x3FB2]  }
0x2e: {  	s3 =	simm.s32 @!p0 $0x1082;
	s9 =	sld [smem:$0x3FB3]  }
0x2f: {  	lr =	sadd.s32 s0, s3;
	s0 =	sld [smem:$0x3FAA]  }
0x30: {  	s3 =	sld [smem:$0x3FAD]  }
0x31: {  	[smem:$0x3FB6] =	sst s10  }
0x32: {  	s10 =	sld [smem:$0x3FB4];
	_ =	sdelay $0x3  }
0x33: {  	p0 =	seq.s32 s10, $0x1;
	s10 =	sld [smem:$0x3FB6];
	_ =	sdelay $0x3  }
0x34: {  	[smem:$0x3FB6] =	sst s10  }
0x35: {  	s10 =	sld [smem:$0x3FB5];
	_ =	sdelay $0x3  }
0x36: {  	p1 =	seq.s32 s10, $0x1;
	s10 =	sld [smem:$0x3FB6];
	_ =	sdelay $0x3  }
0x37: {  	[smem:$0x3FB6] =	sst s10  }
0x38: {  	s10 =	sld [smem:$0x3FB7]  }
0x39: {  	_ = 	snop;
	(pc) =	sbr.ind lr, $3  }
0x3a: {  	_ = 	snop  }
0x3b: {  	_ = 	snop  }
0x3c: {  	p2 =	seq.s32 s10, $0x1;
	s10 =	sld [smem:$0x3FB6]  }
0x3d: {  	_ =	shalt  }
0x3e: {  	_ =	shalt  }
0x3f: {  	_ =	shalt  }
0x40: {  	_ =	shalt  }
0x41: {  	_ =	shalt  }
0x42: {  	_ =	shalt  }
0x43: {  	_ =	shalt  }
0x44: {  	_ =	shalt  }
0x45: {  	_ =	shalt  }
0x46: {  	_ =	shalt  }
0x47: {  	_ =	shalt  }
0x48: {  	_ =	shalt  }
0x49: {  	_ =	shalt  }
0x4a: {  	_ =	shalt  }
0x4b: {  	_ =	shalt  }
0x4c: {  	_ =	shalt  }
0x4d: {  	_ =	shalt  }
0x4e: {  	_ =	shalt  }
0x4f: {  	_ =	shalt  }
0x50: {  	_ =	shalt  }
0x51: {  	_ =	shalt  }
0x52: {  	_ =	shalt  }
0x53: {  	_ =	shalt  }
0x54: {  	_ =	shalt  }
0x55: {  	_ =	shalt  }
0x56: {  	_ =	shalt  }
0x57: {  	_ =	shalt  }
0x58: {  	_ =	shalt  }
0x59: {  	_ =	shalt  }
0x5a: {  	_ =	shalt  }
0x5b: {  	_ =	shalt  }
0x5c: {  	_ =	shalt  }
0x5d: {  	_ =	shalt  }
0x5e: {  	_ =	shalt  }
0x5f: {  	_ =	shalt  }
0x60: {  	_ =	shalt  }
0x61: {  	_ =	shalt  }
0x62: {  	_ =	shalt  }
0x63: {  	_ =	shalt  }
0x64: {  	_ =	shalt  }
0x65: {  	_ =	shalt  }
0x66: {  	_ =	shalt  }
0x67: {  	_ =	shalt  }
0x68: {  	_ =	shalt  }
0x69: {  	_ =	shalt  }
0x6a: {  	_ =	shalt  }
0x6b: {  	_ =	shalt  }
0x6c: {  	_ =	shalt  }
0x6d: {  	_ =	shalt  }
0x6e: {  	_ =	shalt  }
0x6f: {  	_ =	shalt  }
0x70: {  	_ =	shalt  }
0x71: {  	_ =	shalt  }
0x72: {  	_ =	shalt  }
0x73: {  	_ =	shalt  }
0x74: {  	_ =	shalt  }
0x75: {  	_ =	shalt  }
0x76: {  	_ =	shalt  }
0x77: {  	_ =	shalt  }
0x78: {  	_ =	shalt  }
0x79: {  	_ =	shalt  }
0x7a: {  	_ =	shalt  }
0x7b: {  	_ =	shalt  }
0x7c: {  	_ =	shalt  }
0x7d: {  	_ =	shalt  }
0x7e: {  	_ =	shalt  }
0x7f: {  	_ =	shalt  }
0x80: {  	_ =	shalt  }
0x81: {  	_ =	shalt  }
0x82: {  	_ =	shalt  }
0x83: {  	_ =	shalt  }
0x84: {  	_ =	shalt  }
0x85: {  	_ =	shalt  }
0x86: {  	_ =	shalt  }
0x87: {  	_ =	shalt  }
.Lfunc_end0:
.L_simem_size_0:
called_computation_lowered:
.L_overlay_start_0:
0x88: {  	s2 =	sld [smem:$0x3FD9]  }
0x89: {  	s3 =	sld [smem:$0x3FFE];
	_ =	sdelay $0x1  }
0x8a: {  	s1 =	srdreg.scid  }
0x8b: {  	s0 =	sand.u32 $0x1, s1  }
0x8c: {  	s17 =	sshll.u32 s0, $0xA;
	s2 =	sadd.s32 s3, s2  }
0x8d: {  	s2 =	sadd.s32 s2, s17  }
0x8e: {  	[smem:$0x3FC2] =	sst s2  }
0x8f: {  	_ = 	snop  }
0x90: {  	s2 =	sld [smem:$0x3FD0];
	(tm) =	ssettm $0x1  }
0x91: {  	s18 =	sld [smem:$0x3FFB];
	_ =	sdelay $0x3  }
0x92: {  	_ =	strace s18  }
0x93: {  	s3 =	sld [smem:$0x3FFC];
	_ =	sdelay $0x3  }
0x94: {  	_ =	strace s3  }
0x95: {  	s3 =	sld [smem:$0x3FFD];
	_ =	sdelay $0x3  }
0x96: {  	_ =	strace s3  }
0x97: {  	_ =	strace $0x8FFFFFFF  }
0x98: {  	s19 =	sld [smem:$0x3FDB];
	_ =	sdelay $0x1  }
0x99: {  	s4 =	simm.s32 $_scs_section_size  }
0x9a: {  	s5 =	simm.s32 $_size__tile_overlayer_lowered;
	s6 =	simm.s32 $_tile_overlayer_lowered  }
0x9b: {  	s22 =	simm.s32 $0x1BFF;
	s21 =	sshll.u32 s6, $0x1;
	s3 =	sadd.s32 s4, s19  }
0x9c: {  	s7 =	simm.s32 $0x0;
	s20 =	sshll.u32 s5, $0x1;
	s5 =	sadd.s32 s21, s3  }
0x9d: {  	[timem:s7], [sflag:s22] =	dma.local [hbm:s5], s20  }
0x9e: {  	_ =	swait.ge [sflag:s22], s20  }
0x9f: {  	s4 =	ssub.s32 $0x0, s20;
	[sflag:s22] =	ssyncset.done $0x0  }
0xa0: {  	[sflag:s22] =	ssyncadd.s32 s4;
	_ =	sdelay $0x1  }
0xa1: {  	s23 =	simm.s32 $0x1B8B  }
0xa2: {  	_ =	swait.ge [sflag:s23], $0x1  }
0xa3: {  	[sflag:s23] =	ssyncset.done $0x0  }
0xa4: {  	s25 =	simm.s32 $0x1B8E;
	s24 =	sld [smem:$0x3FFE];
	[sflag:s23] =	ssyncadd.s32 $0xFFFFFFFF  }
0xa5: {  	s26 =	simm.s32 $execute0_lowered;
	[smem:$0x3FD2] =	sst s25  }
0xa6: {  	s5 =	sshll.u32 s26, $0x1;
	_ =	strace $0x80000046;
	[dreg:$0x1] =	wrdreg $0xFFFFFFFF  }
0xa7: {  	s28 =	simm.s32 $_size_execute0_lowered;
	s3 =	sadd.s32 s3, s5;
	[dreg:$0x0] =	wrdreg $0x0  }
0xa8: {  	s5 =	sshll.u32 s28, $0x1;
	[dreg:$0x2] =	wrdreg s3  }
0xa9: {  	[dreg:$0x3] =	wrdreg s5  }
0xaa: {  	[dreg:$0x4] =	wrdreg $0xC0  }
0xab: {  	_ =	task [dreg:s7], $0x5FFFF  }
0xac: {  	[dreg:$0x1] =	wrdreg $0xFFFFFFFF  }
0xad: {  	[dreg:$0x0] =	wrdreg $0x60  }
0xae: {  	[dreg:$0x2] =	wrdreg s2  }
0xaf: {  	[dreg:$0x3] =	wrdreg s24  }
0xb0: {  	[dreg:$0x4] =	wrdreg $0x28800  }
0xb1: {  	[dreg:$0x5] =	wrdreg $0x9  }
0xb2: {  	_ =	task.clear_ibuf [dreg:s7], $0x6FFFF;
	_ =	strace $0x90000046  }
0xb3: {  	s29 =	simm.s32 $0x9;
	_ =	strace $0x80000048  }
0xb4: {  	_ =	swait.ge [sflag:s29], $0x1  }
0xb5: {  	[sflag:s29] =	ssyncadd.s32 $0xFFFFFFFF  }
0xb6: {  	_ =	strace $0x90000048  }
0xb7: {  	_ =	sfence  }
0xb8: {  	s30 =	sld [smem:$0x0];
	_ =	sdelay $0x2  }
0xb9: {  	s31 =	sshll.u32 s1, $0xD;
	s1 =	sshrl.u32 s1, $0x2  }
0xba: {  	s3 =	sand.u32 $0x4000, s31;
	s1 =	sadd.s32 s1, s30  }
0xbb: {  	s0 =	sor.u32 s3, s0;
	s1 =	sshll.u32 s1, $0x11  }
0xbc: {  	s0 =	sor.u32 s1, s0  }
0xbd: {  	s0 =	sadd.s32 $0x8F2B, s0  }
0xbe: {  	[sflag:s0] =	ssyncadd.remote.s32 $0x1  }
0xbf: {  	_ =	sfence.sel $0xFFFF  }
0xc0: {  	[dreg:$0x0] =	wrdreg $0xFFFFFFFF;
	(pc) =	sbr.abs _section_cstart, $3  }
0xc1: {  	[dreg:$0x1] =	wrdreg $0xFFFFFFFF  }
0xc2: {  	_ =	task.clear_ibuf [dreg:s7], $0x2FFFF;
	_ =	strace $0x9FFFFFFF  }
0xc3: {  	(tm) =	ssettm $0x7FFFFFFF  }
tec
execute0_lowered:
.L_overlay_start_1:
0x0: {  	(tag) =	ssettag $0x1  }
0x1: {  	s5 =	rddreg [dreg:$0x0]  }
0x2: {  	s6 =	rddreg [dreg:$0x1]  }
0x3: {  	s1 =	rddreg [dreg:$0x2]  }
0x4: {  	s2 =	srdreg.scid;
	s0 =	rddreg [dreg:$0x3]  }
0x5: {  	s12 =	stileid.u32;
	s14 =	simm.s32 $0x0;
	s4 =	sand.u32 $0x1, s2  }
0x6: {  	s2 =	simm.s32 $0x0;
	s10 =	smul.u32 $0xA00, s12;
	s31 =	sshll.u32 s12, $0x6  }
0x7: {  	p0 =	sne.s32 s12, $0x0;
	s3 =	sshll.u32 s4, $0x4;
	[smem:$0x7FF] =	sst s2  }
0x8: {  	s7 =	smul.u32 $0x500, s4;
	s9 =	ssub.s32 $0x2, s4;
	s4 =	sadd.s32 $0x2400, s6  }
0x9: {  	s13 =	sshrl.u32 @!p0 s1, $0x3;
	s3 =	sor.u32 s12, s3;
	_ =	strace $0x80000047  }
0xa: {  	s29 =	sshrl.u32 s9, $0x1;
	s30 =	sshrl.u32 s10, $0x2;
	s10 =	sor.u32 $0x1C01, s31  }
0xb: {  	s12 =	simm.s32 $0x80;
	s8 =	smul.u32 $0x500, s3;
	s3 =	sadd.s32 $0x2600, s6  }
0xc: {  	s6 =	sadd.s32 s7, s6;
	s7 =	ssub.s32 s9, s29;
	s11 =	sadd.s32 s30, s1  }
0xd: {  	s9 =	simm.s32 $0x1;
	s6 =	sadd.s32 $0x2800, s6;
	s7 =	smax.u32 s7, $0x1  }
0xe: {  	s11 =	sshrl.u32 s11, $0x3;
	s5 =	sadd.s32 s5, s8;
	s8 =	simm.s32 $0x2800  }
.LBB2_1:
0xf: {  	[tilespmem:s8], [sflag:$0x1] =	stream.linear.gather [hbm4b:s3+s2], $0x80, $0x38;
	[tilespmem:$0x2B00] =	vst v63  }
0x10: {  	_ =	swait.ge [sflag:s9], $0x80  }
0x11: {  	[sflag:s9] =	ssyncset.done $0x0  }
0x12: {  	[sflag:s9] =	ssyncadd.s32 $0xFFFFFF80  }
0x13: {  	[tilespmem:s2], [sflag:$0x1] =	stream.linear.gather [hbm4b:s5+s2], $0x2800, $0x38;
	[tilespmem:$0x2B00] =	vst v63  }
0x14: {  	_ =	swait.ge [sflag:s9], $0x2800  }
0x15: {  	[sflag:s9] =	ssyncset.done $0x0  }
0x16: {  	[sflag:s9] =	ssyncadd.s32 $0xFFFFD800  }
0x17: {  	[spmem:s11], [sflag:s10] =	dma.local [hbm:s4], $0x50  }
0x18: {  	_ =	swait.ge [sflag:s9], $0x50  }
0x19: {  	[sflag:s9] =	ssyncset.done $0x0  }
0x1a: {  	[sflag:s9] =	ssyncadd.s32 $0xFFFFFFB0  }
0x1b: {  	s15 =	simm.s32 $0x0;
	[bflag:$0x0] =	sbarrier.arrive $0xFFFF  }
0x1c: {  	[spmem:s1] =	stream.indirect.scatter.add.f32 [tilespmem:s8], [sflag:$0x1], $0x1, s15, s12, $0xb8;
	[tilespmem:$0x2B00] =	vst v63  }
0x1d: {  	_ =	swait.ge [sflag:s9], $0x80  }
0x1e: {  	s15 =	simm.s32 $0x200;
	[sflag:s9] =	ssyncset.done $0x0  }
.LBB2_2:
0x1f: {  	s16 =	sshra.s32 s15, $0x2;
	[sflag:s9] =	ssyncadd.s32 $0xFFFFFF80;
	p1 =	sne.s32 s15, $0x9E00  }
0x20: {  	[spmem:s1] =	stream.indirect.scatter.add.f32 [tilespmem:s8], [sflag:$0x1], $0x1, s16, s12, $0xb8;
	[tilespmem:$0x2B00] =	vst v63  }
.Ltmp0:
0x21: {  	_ = 	snop;
	(pc) =	sbr.rel @p1 .LBB2_2-.Ltmp0, $4  }
0x22: {  	_ = 	snop  }
0x23: {  	s15 =	sadd.s32 $0x200, s15  }
0x24: {  	_ =	swait.ge [sflag:s9], $0x80  }
0x25: {  	[sflag:s9] =	ssyncset.done $0x0  }
0x26: {  	s14 =	sadd.s32 $0x1, s14  }
0x27: {  	[sflag:s9] =	ssyncadd.s32 $0xFFFFFF80;
	p1 =	sne.s32 s14, s7  }
.Ltmp1:
0x28: {  	s15 =	simm.s32 @!p0 $0x1;
	[bflag:$0x0] =	sbarrier.arrive $0xFFFF;
	(pc) =	sbr.rel @p1 .LBB2_1-.Ltmp1, $4  }
0x29: {  	[hbm:s6], [sflag:s10] =	dma.local @!p0 [spmem:s13], $0x500  }
0x2a: {  	_ =	swait.ge @!p0 [sflag:s15], $0x500  }
0x2b: {  	[sflag:s15] =	ssyncset.done @!p0 $0x0  }
0x2c: {  	[sflag:s15] =	ssyncadd.s32 @!p0 $0xFFFFFB00  }
0x2d: {  	_ =	sfence.sel $0x180000  }
0x2e: {  	[bflag:$0x0] =	sbarrier.arrive $0xFFFF  }
0x2f: {  	_ =	strace $0x90000047  }
0x30: {  	s0 =	sadd.s32 @!p0 $0x100000, s0;
	[bflag:$0x2] =	sbarrier.arrive $0xFFFF  }
0x31: {  	[sflag:s0] =	ssyncadd.tile.s32 @!p0 $0x1;
	_ =	shalt  }
.Lfunc_end2:
_tile_overlayer_lowered:
.L_overlay_start_2:
0x32: {  	(tag) =	ssettag $0x2  }
0x33: {  	s0 =	rddreg [dreg:$0x0];
	s2 =	stileid.u32  }
0x34: {  	s1 =	rddreg [dreg:$0x1];
	p0 =	sne.s32 s2, $0x0  }
0x35: {  	s3 =	rddreg [dreg:$0x2];
	[bflag:$0x3] =	sbarrier.arrive $0xFFFF;
	s2 =	simm.s32 @!p0 $0x1C01  }
0x36: {  	[timem:s3], [sflag:s2] =	dma.local @!p0 [hbm:s0], s1  }
0x37: {  	s0 =	simm.s32 @!p0 $0x1  }
0x38: {  	_ =	swait.ge @!p0 [sflag:s0], s1  }
0x39: {  	s1 =	ssub.s32 @!p0 $0x0, s1;
	[sflag:s0] =	ssyncset.done @!p0 $0x0  }
0x3a: {  	[sflag:s0] =	ssyncadd.s32 @!p0 s1  }
0x3b: {  	[bflag:$0x3] =	sbarrier.arrive $0xFFFF  }
0x3c: {  	_ =	shalt  }

</sc_bundles>
